<compile_context>
chip_gen: v7x
topology: tpu7x:2x2x1
jax: 0.10.2.dev20260603
libtpu: 0.0.44.dev20260713+nightly
codegen_flags: <defaults>
</compile_context>

<pallas_src>
import functools

import jax
import jax.numpy as jnp
from jax import lax
from jax.experimental import pallas as pl
from jax.experimental.pallas import tpu as pltpu
from jax.experimental.pallas import tpu_sc as plsc

D = 128
H = D // 2
L = 16
NS = 16
ROWS_PAD = 10240
RPT = ROWS_PAD // NS
CH = 128


def _cdiv(a, b):
    return (a + b - 1) // b


def _proj_body(f_ref, v_ref, w1a_ref, w1b_ref, w2a_ref, w2b_ref,
               b1_ref, b2_ref,
               pf1_lo, pf1_hi, pv1_lo, pv1_hi,
               pv2_lo, pv2_hi, pf2_lo, pf2_hi):
    f = f_ref[...]
    v = v_ref[...]
    pf1 = jnp.dot(f, w1a_ref[...], preferred_element_type=jnp.float32) + b1_ref[...]
    pv1 = jnp.dot(v, w1b_ref[...], preferred_element_type=jnp.float32)
    pv2 = jnp.dot(v, w2a_ref[...], preferred_element_type=jnp.float32) + b2_ref[...]
    pf2 = jnp.dot(f, w2b_ref[...], preferred_element_type=jnp.float32)
    pf1_lo[...], pf1_hi[...] = pf1[:, :H], pf1[:, H:]
    pv1_lo[...], pv1_hi[...] = pv1[:, :H], pv1[:, H:]
    pv2_lo[...], pv2_hi[...] = pv2[:, :H], pv2[:, H:]
    pf2_lo[...], pf2_hi[...] = pf2[:, :H], pf2[:, H:]


def _projections(factors_p, variables_p, w1a, w1b, w2a, w2b, b1, b2):
    n = factors_p.shape[0]
    blk = 2048
    grid = (_cdiv(n, blk),)
    row_spec = pl.BlockSpec((blk, D), lambda i: (i, 0))
    half_spec = pl.BlockSpec((blk, H), lambda i: (i, 0))
    w_spec = pl.BlockSpec((D, D), lambda i: (0, 0))
    b_spec = pl.BlockSpec((1, D), lambda i: (0, 0))
    out = jax.ShapeDtypeStruct((n, H), jnp.float32)
    return pl.pallas_call(
        _proj_body,
        grid=grid,
        in_specs=[row_spec, row_spec, w_spec, w_spec, w_spec, w_spec,
                  b_spec, b_spec],
        out_specs=[half_spec] * 8,
        out_shape=[out] * 8,
    )(factors_p, variables_p, w1a, w1b, w2a, w2b, b1, b2)


def _comb_body(f_ref, afl_ref, afh_ref, v_ref, avl_ref, avh_ref,
               wc1a_ref, wc1bl_ref, wc1bh_ref,
               wc2a_ref, wc2bl_ref, wc2bh_ref,
               b3_ref, b4_ref, outf_ref, outv_ref):
    f = f_ref[...]
    v = v_ref[...]
    nf = (jnp.dot(f, wc1a_ref[...], preferred_element_type=jnp.float32)
          + jnp.dot(afl_ref[...], wc1bl_ref[...], preferred_element_type=jnp.float32)
          + jnp.dot(afh_ref[...], wc1bh_ref[...], preferred_element_type=jnp.float32)
          + b3_ref[...])
    outf_ref[...] = jnp.maximum(nf, 0.0)
    nv = (jnp.dot(v, wc2a_ref[...], preferred_element_type=jnp.float32)
          + jnp.dot(avl_ref[...], wc2bl_ref[...], preferred_element_type=jnp.float32)
          + jnp.dot(avh_ref[...], wc2bh_ref[...], preferred_element_type=jnp.float32)
          + b4_ref[...])
    outv_ref[...] = v + jnp.maximum(nv, 0.0)


def _combine(factors, af_lo, af_hi, variables, av_lo, av_hi,
             wc1a, wc1b_lo, wc1b_hi, wc2a, wc2b_lo, wc2b_hi, b3, b4):
    n = factors.shape[0]
    blk = 2000
    grid = (_cdiv(n, blk),)
    row_spec = pl.BlockSpec((blk, D), lambda i: (i, 0))
    half_spec = pl.BlockSpec((blk, H), lambda i: (i, 0))
    w_spec = pl.BlockSpec((D, D), lambda i: (0, 0))
    wh_spec = pl.BlockSpec((H, D), lambda i: (0, 0))
    b_spec = pl.BlockSpec((1, D), lambda i: (0, 0))
    out = jax.ShapeDtypeStruct((n, D), jnp.float32)
    return pl.pallas_call(
        _comb_body,
        grid=grid,
        in_specs=[row_spec, half_spec, half_spec, row_spec, half_spec, half_spec,
                  w_spec, wh_spec, wh_spec, w_spec, wh_spec, wh_spec,
                  b_spec, b_spec],
        out_specs=[row_spec, row_spec],
        out_shape=[out, out],
    )(factors, af_lo, af_hi, variables, av_lo, av_hi,
      wc1a, wc1b_lo, wc1b_hi, wc2a, wc2b_lo, wc2b_hi, b3, b4)


def _sc_edge_aggregate(tables, dst_p, src_p, ept):
    pf1_lo, pf1_hi, pv1_lo, pv1_hi, pv2_lo, pv2_hi, pf2_lo, pf2_hi = tables
    nchunk = ept // CH
    mesh = plsc.VectorSubcoreMesh(core_axis_name="c", subcore_axis_name="s")
    half = jax.ShapeDtypeStruct((ROWS_PAD, H), jnp.float32)

    @functools.partial(
        pl.kernel,
        mesh=mesh,
        compiler_params=pltpu.CompilerParams(use_tc_tiling_on_sc=False),
        out_type=[half, half, half, half],
        scratch_types=[
            pltpu.VMEM((2, CH, H), jnp.float32),
            pltpu.VMEM((2, CH, H), jnp.float32),
            pltpu.VMEM((2, CH), jnp.int32),
            pltpu.VMEM((2, CH), jnp.int32),
            pltpu.VMEM_SHARED((ROWS_PAD, H), jnp.float32),
            pltpu.SemaphoreType.DMA,
            pltpu.SemaphoreType.DMA,
        ],
    )
    def edge_kernel(pf1l_hbm, pf1h_hbm, pv1l_hbm, pv1h_hbm,
                    pv2l_hbm, pv2h_hbm, pf2l_hbm, pf2h_hbm,
                    dst_hbm, src_hbm,
                    outfl_hbm, outfh_hbm, outvl_hbm, outvh_hbm,
                    buf_a, buf_b, idx1, idx2, aggr, sem_a, sem_b):
        c = lax.axis_index("c")
        s = lax.axis_index("s")
        row0 = s * RPT

        def zero_aggr():
            @pl.loop(0, CH)
            def _(r):
                for j in range(H // L):
                    buf_a[0, r, pl.ds(j * L, L)] = jnp.zeros((L,), jnp.float32)

            for k in range(RPT // CH):
                pltpu.sync_copy(buf_a.at[0], aggr.at[pl.ds(row0 + k * CH, CH)])

        def run_direction(t1_hbm, i1_hbm, t2_hbm, i2_hbm, out_hbm):
            zero_aggr()
            plsc.subcore_barrier()

            @pl.loop(0, nchunk)
            def _(g):
                base = s * ept + g * CH
                pltpu.sync_copy(i1_hbm.at[pl.ds(base, CH)], idx1.at[0])
                pltpu.sync_copy(i2_hbm.at[pl.ds(base, CH)], idx2.at[0])
                pltpu.async_copy(t1_hbm.at[idx1.at[0]], buf_a.at[0], sem_a).wait()
                pltpu.async_copy(t2_hbm.at[idx2.at[0]], buf_b.at[0], sem_b).wait()

                @pl.loop(0, CH)
                def _(r):
                    for j in range(H // L):
                        sl = pl.ds(j * L, L)
                        m = buf_a[0, r, sl] + buf_b[0, r, sl]
                        buf_a[0, r, sl] = jnp.maximum(m, 0.0)

                pltpu.sync_copy(buf_a.at[0], aggr.at[idx1.at[0]], add=True)

            plsc.subcore_barrier()
            pltpu.sync_copy(aggr.at[pl.ds(row0, RPT)], out_hbm.at[pl.ds(row0, RPT)])

        @pl.when(c == 0)
        def _():
            run_direction(pf1l_hbm, dst_hbm, pv1l_hbm, src_hbm, outfl_hbm)
            run_direction(pv2l_hbm, src_hbm, pf2l_hbm, dst_hbm, outvl_hbm)

        @pl.when(c == 1)
        def _():
            run_direction(pf1h_hbm, dst_hbm, pv1h_hbm, src_hbm, outfh_hbm)
            run_direction(pv2h_hbm, src_hbm, pf2h_hbm, dst_hbm, outvh_hbm)

    return edge_kernel(pf1_lo, pf1_hi, pv1_lo, pv1_hi,
                       pv2_lo, pv2_hi, pf2_lo, pf2_hi, dst_p, src_p)


def kernel(variables, factors, edge_index, edge_attr, batch_idx,
           v2f_msg_W, v2f_msg_b, v2f_comb_W, v2f_comb_b,
           f2v_msg_W, f2v_msg_b, f2v_comb_W, f2v_comb_b):
    del edge_attr, batch_idx
    n_vars, _ = variables.shape
    n_facs, _ = factors.shape
    n_edges = edge_index.shape[1]

    ept = _cdiv(n_edges, NS * CH) * CH
    ne_pad = ept * NS
    pad_idx = jnp.full((ne_pad - n_edges,), n_vars, jnp.int32)
    src_p = jnp.concatenate([edge_index[0], pad_idx])
    dst_p = jnp.concatenate([edge_index[1], pad_idx])

    variables_p = jnp.pad(variables, ((0, ROWS_PAD - n_vars), (0, 0)))
    factors_p = jnp.pad(factors, ((0, ROWS_PAD - n_facs), (0, 0)))

    w1a, w1b = v2f_msg_W[:D], v2f_msg_W[D:]
    w2a, w2b = f2v_msg_W[:D], f2v_msg_W[D:]
    b1 = v2f_msg_b.reshape(1, D)
    b2 = f2v_msg_b.reshape(1, D)

    tables = _projections(factors_p, variables_p, w1a, w1b, w2a, w2b, b1, b2)

    afl_p, afh_p, avl_p, avh_p = _sc_edge_aggregate(tables, dst_p, src_p, ept)
    af_lo, af_hi = afl_p[:n_facs], afh_p[:n_facs]
    av_lo, av_hi = avl_p[:n_vars], avh_p[:n_vars]

    wc1a = v2f_comb_W[:D]
    wc1b_lo, wc1b_hi = v2f_comb_W[D:D + H], v2f_comb_W[D + H:]
    wc2a = f2v_comb_W[:D]
    wc2b_lo, wc2b_hi = f2v_comb_W[D:D + H], f2v_comb_W[D + H:]
    b3 = v2f_comb_b.reshape(1, D)
    b4 = f2v_comb_b.reshape(1, D)

    new_factors, new_vars = _combine(factors, af_lo, af_hi, variables,
                                     av_lo, av_hi, wc1a, wc1b_lo, wc1b_hi,
                                     wc2a, wc2b_lo, wc2b_hi, b3, b4)
    return (new_vars, new_factors)

# --- scband reference (transcript-rebuilt; emitter-appended) ---
"""Pipeline reference for scband-factor-graph-layer-66846870995568 (READ-ONLY COPY).

The authoritative reference and input builder live on the scoring server;
editing this copy changes nothing except your own understanding.
"""

import jax, jax.numpy as jnp
import numpy as np

N_VARS = 10000
N_FACS = 10000
N_EDGES = 320000
D = 128

def setup_inputs(seed: int = 0) -> dict:
    key = jax.random.key(seed)
    ks = jax.random.split(key, 16)
    variables = jax.random.normal(ks[0], (N_VARS, D), jnp.float32)
    factors = jax.random.normal(ks[1], (N_FACS, D), jnp.float32)
    edge_index = jnp.stack([
        jax.random.randint(ks[2], (N_EDGES,), 0, N_VARS),
        jax.random.randint(ks[3], (N_EDGES,), 0, N_FACS),
    ], axis=0).astype(jnp.int32)
    edge_attr = jax.random.normal(ks[4], (N_EDGES,), jnp.float32)
    batch_idx = jnp.zeros((N_VARS,), jnp.int32)
    s = 1.0 / np.sqrt(2 * D)
    v2f_msg_W = jax.random.normal(ks[5], (2 * D, D), jnp.float32) * s
    v2f_msg_b = jnp.zeros((D,), jnp.float32)
    v2f_comb_W = jax.random.normal(ks[6], (2 * D, D), jnp.float32) * s
    v2f_comb_b = jnp.zeros((D,), jnp.float32)
    f2v_msg_W = jax.random.normal(ks[7], (2 * D, D), jnp.float32) * s
    f2v_msg_b = jnp.zeros((D,), jnp.float32)
    f2v_comb_W = jax.random.normal(ks[8], (2 * D, D), jnp.float32) * s
    f2v_comb_b = jnp.zeros((D,), jnp.float32)
    return {
        'variables': variables, 'factors': factors,
        'edge_index': edge_index, 'edge_attr': edge_attr, 'batch_idx': batch_idx,
        'v2f_msg_W': v2f_msg_W, 'v2f_msg_b': v2f_msg_b,
        'v2f_comb_W': v2f_comb_W, 'v2f_comb_b': v2f_comb_b,
        'f2v_msg_W': f2v_msg_W, 'f2v_msg_b': f2v_msg_b,
        'f2v_comb_W': f2v_comb_W, 'f2v_comb_b': f2v_comb_b,
    }

def reference(variables, factors, edge_index, edge_attr, batch_idx,
              v2f_msg_W, v2f_msg_b, v2f_comb_W, v2f_comb_b,
              f2v_msg_W, f2v_msg_b, f2v_comb_W, f2v_comb_b):
    src_v = edge_index[0]  # variable indices (source for var->factor)
    dst_f = edge_index[1]  # factor indices (target for var->factor)

    # var2factor: message = MLP(concat([x_i=factors[dst], x_j=variables[src]]))
    m_vf = jax.nn.relu(jnp.concatenate([factors[dst_f], variables[src_v]], axis=-1) @ v2f_msg_W + v2f_msg_b)
    aggr_f = jax.ops.segment_sum(m_vf, dst_f, num_segments=factors.shape[0])
    # update (no residual): combine(concat([factors, aggr]))
    new_factors = jax.nn.relu(jnp.concatenate([factors, aggr_f], axis=-1) @ v2f_comb_W + v2f_comb_b)

    # factor2var: edges flipped -> source=factors (dst_f), target=variables (src_v)
    m_fv = jax.nn.relu(jnp.concatenate([variables[src_v], factors[dst_f]], axis=-1) @ f2v_msg_W + f2v_msg_b)
    aggr_v = jax.ops.segment_sum(m_fv, src_v, num_segments=variables.shape[0])
    # update (residual): x_p + combine(concat([x_p, aggr]))
    new_vars = variables + jax.nn.relu(jnp.concatenate([variables, aggr_v], axis=-1) @ f2v_comb_W + f2v_comb_b)

    return (new_vars, new_factors)

if __name__ == "__main__":
    import jax
    _d = setup_inputs()
    print(jax.jit(kernel)(*tuple(_d.values())))

</pallas_src>

<mosaic_0001>
#map = affine_map<(d0, d1) -> (0, 0)>
#map1 = affine_map<(d0, d1) -> (0)>
module attributes {stable_mosaic.version = 14 : i64} {
  func.func @edge_kernel(%arg0: i32, %arg1: i32, %arg2: memref<10240x64xf32, #tpu.memory_space<hbm>>, %arg3: memref<10240x64xf32, #tpu.memory_space<hbm>>, %arg4: memref<10240x64xf32, #tpu.memory_space<hbm>>, %arg5: memref<10240x64xf32, #tpu.memory_space<hbm>>, %arg6: memref<10240x64xf32, #tpu.memory_space<hbm>>, %arg7: memref<10240x64xf32, #tpu.memory_space<hbm>>, %arg8: memref<10240x64xf32, #tpu.memory_space<hbm>>, %arg9: memref<10240x64xf32, #tpu.memory_space<hbm>>, %arg10: memref<321536xi32, #tpu.memory_space<hbm>>, %arg11: memref<321536xi32, #tpu.memory_space<hbm>>, %arg12: memref<10240x64xf32, #tpu.memory_space<hbm>>, %arg13: memref<10240x64xf32, #tpu.memory_space<hbm>>, %arg14: memref<10240x64xf32, #tpu.memory_space<hbm>>, %arg15: memref<10240x64xf32, #tpu.memory_space<hbm>>, %arg16: memref<2x128x64xf32, #tpu.memory_space<vmem>>, %arg17: memref<2x128x64xf32, #tpu.memory_space<vmem>>, %arg18: memref<2x128xi32, #tpu.memory_space<vmem>>, %arg19: memref<2x128xi32, #tpu.memory_space<vmem>>, %arg20: memref<10240x64xf32, #tpu.memory_space<vmem_shared>>, %arg21: memref<!tpu.dma_semaphore, #tpu.memory_space<semaphore_mem>>, %arg22: memref<!tpu.dma_semaphore, #tpu.memory_space<semaphore_mem>>) attributes {dimension_semantics = [#tpu.dimension_semantics<core_parallel>, #tpu.dimension_semantics<subcore_parallel>], iteration_bounds = array<i64: 2, 16>, scalar_prefetch = 0 : i64, scratch_operands = 7 : i64, tpu.core_type = #tpu.core_type<sc_vector_subcore>, window_params = [{transform_indices = #map}, {transform_indices = #map}, {transform_indices = #map}, {transform_indices = #map}, {transform_indices = #map}, {transform_indices = #map}, {transform_indices = #map}, {transform_indices = #map}, {transform_indices = #map1}, {transform_indices = #map1}, {transform_indices = #map}, {transform_indices = #map}, {transform_indices = #map}, {transform_indices = #map}]} {
    %mul3A = arith.constant 640 : i32
    %mul3A_0 = arith.muli %arg1, %mul3A : i32
    %eq3A = arith.constant 0 : i32
    %eq3A_1 = arith.cmpi eq, %arg0, %eq3A : i32
    %convert_element_type3A = arith.extui %eq3A_1 : i1 to i32
    %cond3A = arith.constant 0 : i32
    %cond3A_2 = arith.cmpi ne, %convert_element_type3A, %cond3A : i32
    scf.if %cond3A_2 {
      %scan3A = arith.constant 0 : i32
      %scan3A_8 = arith.constant 128 : i32
      %scan3A_9 = arith.addi %scan3A, %scan3A_8 : i32
      %scan3A_10 = arith.constant 1 : i32
      scf.for %scan3A_58 = %scan3A to %scan3A_9 step %scan3A_10  : i32 {
        %mul3A_59 = arith.constant 1 : i32
        %mul3A_60 = arith.muli %scan3A_58, %mul3A_59 : i32
        %add3A_61 = arith.constant 0 : i32
        %add3A_62 = arith.addi %add3A_61, %mul3A_60 : i32
        %broadcast_in_dim3A = arith.constant 0.000000e+00 : f32
        %broadcast_in_dim3A_63 = vector.broadcast %broadcast_in_dim3A : f32 to vector<16xf32>
        %swap3A = arith.constant 0 : i32
        %swap3A_64 = arith.index_cast %swap3A : i32 to index
        %swap3A_65 = arith.index_cast %add3A_62 : i32 to index
        %swap3A_66 = arith.constant 0 : index
        %swap3A_67 = tpu.vector_load %arg16[%swap3A_64, %swap3A_65, %swap3A_66] {strides = array<i32>} : memref<2x128x64xf32, #tpu.memory_space<vmem>>, vector<1x1x16xf32>,
        %swap3A_68 = vector.shape_cast %swap3A_67 : vector<1x1x16xf32> to vector<16xf32>
        %swap3A_69 = vector.shape_cast %broadcast_in_dim3A_63 : vector<16xf32> to vector<1x1x16xf32>
        tpu.vector_store %arg16[%swap3A_64, %swap3A_65, %swap3A_66], %swap3A_69 {strides = array<i32>} : memref<2x128x64xf32, #tpu.memory_space<vmem>>, vector<1x1x16xf32>,
        %broadcast_in_dim3A_70 = arith.constant 0.000000e+00 : f32
        %broadcast_in_dim3A_71 = vector.broadcast %broadcast_in_dim3A_70 : f32 to vector<16xf32>
        %swap3A_72 = arith.constant 0 : i32
        %swap3A_73 = arith.index_cast %swap3A_72 : i32 to index
        %swap3A_74 = arith.index_cast %add3A_62 : i32 to index
        %swap3A_75 = arith.constant 16 : index
        %swap3A_76 = tpu.vector_load %arg16[%swap3A_73, %swap3A_74, %swap3A_75] {strides = array<i32>} : memref<2x128x64xf32, #tpu.memory_space<vmem>>, vector<1x1x16xf32>,
        %swap3A_77 = vector.shape_cast %swap3A_76 : vector<1x1x16xf32> to vector<16xf32>
        %swap3A_78 = vector.shape_cast %broadcast_in_dim3A_71 : vector<16xf32> to vector<1x1x16xf32>
        tpu.vector_store %arg16[%swap3A_73, %swap3A_74, %swap3A_75], %swap3A_78 {strides = array<i32>} : memref<2x128x64xf32, #tpu.memory_space<vmem>>, vector<1x1x16xf32>,
        %broadcast_in_dim3A_79 = arith.constant 0.000000e+00 : f32
        %broadcast_in_dim3A_80 = vector.broadcast %broadcast_in_dim3A_79 : f32 to vector<16xf32>
        %swap3A_81 = arith.constant 0 : i32
        %swap3A_82 = arith.index_cast %swap3A_81 : i32 to index
        %swap3A_83 = arith.index_cast %add3A_62 : i32 to index
        %swap3A_84 = arith.constant 32 : index
        %swap3A_85 = tpu.vector_load %arg16[%swap3A_82, %swap3A_83, %swap3A_84] {strides = array<i32>} : memref<2x128x64xf32, #tpu.memory_space<vmem>>, vector<1x1x16xf32>,
        %swap3A_86 = vector.shape_cast %swap3A_85 : vector<1x1x16xf32> to vector<16xf32>
        %swap3A_87 = vector.shape_cast %broadcast_in_dim3A_80 : vector<16xf32> to vector<1x1x16xf32>
        tpu.vector_store %arg16[%swap3A_82, %swap3A_83, %swap3A_84], %swap3A_87 {strides = array<i32>} : memref<2x128x64xf32, #tpu.memory_space<vmem>>, vector<1x1x16xf32>,
        %broadcast_in_dim3A_88 = arith.constant 0.000000e+00 : f32
        %broadcast_in_dim3A_89 = vector.broadcast %broadcast_in_dim3A_88 : f32 to vector<16xf32>
        %swap3A_90 = arith.constant 0 : i32
        %swap3A_91 = arith.index_cast %swap3A_90 : i32 to index
        %swap3A_92 = arith.index_cast %add3A_62 : i32 to index
        %swap3A_93 = arith.constant 48 : index
        %swap3A_94 = tpu.vector_load %arg16[%swap3A_91, %swap3A_92, %swap3A_93] {strides = array<i32>} : memref<2x128x64xf32, #tpu.memory_space<vmem>>, vector<1x1x16xf32>,
        %swap3A_95 = vector.shape_cast %swap3A_94 : vector<1x1x16xf32> to vector<16xf32>
        %swap3A_96 = vector.shape_cast %broadcast_in_dim3A_89 : vector<16xf32> to vector<1x1x16xf32>
        tpu.vector_store %arg16[%swap3A_91, %swap3A_92, %swap3A_93], %swap3A_96 {strides = array<i32>} : memref<2x128x64xf32, #tpu.memory_space<vmem>>, vector<1x1x16xf32>,
      }
      %scan3A_11 = arith.constant 128 : i32
      %add3A = arith.constant 0 : i32
      %add3A_12 = arith.addi %mul3A_0, %add3A : i32
      %run_scoped3A = arith.constant 0 : i32
      "tpu.region"() ({
        %run_scoped3A_58 = tpu.sem_alloc : memref<!tpu.dma_semaphore, #tpu.memory_space<semaphore_mem>>
        %dma_start3A = arith.constant 0 : i32
        %dma_start3A_59 = arith.constant 0 : i32
        %dma_start3A_60 = tpu.memref_slice %arg16[%run_scoped3A, %dma_start3A, %dma_start3A_59] : memref<2x128x64xf32, #tpu.memory_space<vmem>> -> memref<1x128x64xf32, #tpu.memory_space<vmem>>
        %dma_start3A_61 = tpu.memref_squeeze %dma_start3A_60 : memref<1x128x64xf32, #tpu.memory_space<vmem>> -> memref<128x64xf32, #tpu.memory_space<vmem>>
        %dma_start3A_62 = arith.constant 0 : i32
        %dma_start3A_63 = tpu.memref_slice %arg20[%add3A_12, %dma_start3A_62] : memref<10240x64xf32, #tpu.memory_space<vmem_shared>> -> memref<128x64xf32, #tpu.memory_space<vmem_shared>>
        %dma_start3A_64 = arith.constant 0 : i32
        %dma_start3A_65 = tpu.memref_slice %arg20[%add3A_12, %dma_start3A_64] : memref<10240x64xf32, #tpu.memory_space<vmem_shared>> -> memref<128x64xf32, #tpu.memory_space<vmem_shared>>
        %dma_start3A_66 = arith.constant 0 : i32
        %dma_start3A_67 = arith.constant 0 : i32
        %dma_start3A_68 = tpu.memref_slice %arg16[%run_scoped3A, %dma_start3A_66, %dma_start3A_67] : memref<2x128x64xf32, #tpu.memory_space<vmem>> -> memref<1x128x64xf32, #tpu.memory_space<vmem>>
        %dma_start3A_69 = tpu.memref_squeeze %dma_start3A_68 : memref<1x128x64xf32, #tpu.memory_space<vmem>> -> memref<128x64xf32, #tpu.memory_space<vmem>>
        tpu.enqueue_dma source(%dma_start3A_69 : memref<128x64xf32, #tpu.memory_space<vmem>>) target(%dma_start3A_65 : memref<128x64xf32, #tpu.memory_space<vmem_shared>>) target_semaphore(%run_scoped3A_58 : memref<!tpu.dma_semaphore, #tpu.memory_space<semaphore_mem>>)
        %dma_wait3A = arith.constant 0 : i32
        %dma_wait3A_70 = arith.constant 0 : i32
        %dma_wait3A_71 = tpu.memref_slice %arg16[%run_scoped3A, %dma_wait3A, %dma_wait3A_70] : memref<2x128x64xf32, #tpu.memory_space<vmem>> -> memref<1x128x64xf32, #tpu.memory_space<vmem>>
        %dma_wait3A_72 = tpu.memref_squeeze %dma_wait3A_71 : memref<1x128x64xf32, #tpu.memory_space<vmem>> -> memref<128x64xf32, #tpu.memory_space<vmem>>
        %dma_wait3A_73 = arith.constant 0 : i32
        %dma_wait3A_74 = tpu.memref_slice %arg20[%add3A_12, %dma_wait3A_73] : memref<10240x64xf32, #tpu.memory_space<vmem_shared>> -> memref<128x64xf32, #tpu.memory_space<vmem_shared>>
        %dma_wait3A_75 = arith.constant 0 : i32
        %dma_wait3A_76 = tpu.memref_slice %arg20[%add3A_12, %dma_wait3A_75] : memref<10240x64xf32, #tpu.memory_space<vmem_shared>> -> memref<128x64xf32, #tpu.memory_space<vmem_shared>>
        %dma_wait3A_77 = arith.constant 0 : i32
        %dma_wait3A_78 = arith.constant 0 : i32
        %dma_wait3A_79 = tpu.memref_slice %arg16[%run_scoped3A, %dma_wait3A_77, %dma_wait3A_78] : memref<2x128x64xf32, #tpu.memory_space<vmem>> -> memref<1x128x64xf32, #tpu.memory_space<vmem>>
        %dma_wait3A_80 = tpu.memref_squeeze %dma_wait3A_79 : memref<1x128x64xf32, #tpu.memory_space<vmem>> -> memref<128x64xf32, #tpu.memory_space<vmem>>
        tpu.wait_dma2 semaphore(%run_scoped3A_58 : memref<!tpu.dma_semaphore, #tpu.memory_space<semaphore_mem>>) src(%dma_wait3A_80 : memref<128x64xf32, #tpu.memory_space<vmem>>) dst(%dma_wait3A_76 : memref<128x64xf32, #tpu.memory_space<vmem_shared>>)
        tpu.yield
      }) : () -> ()
      %add3A_13 = arith.constant 128 : i32
      %add3A_14 = arith.addi %mul3A_0, %add3A_13 : i32
      %run_scoped3A_15 = arith.constant 0 : i32
      "tpu.region"() ({
        %run_scoped3A_58 = tpu.sem_alloc : memref<!tpu.dma_semaphore, #tpu.memory_space<semaphore_mem>>
        %dma_start3A = arith.constant 0 : i32
        %dma_start3A_59 = arith.constant 0 : i32
        %dma_start3A_60 = tpu.memref_slice %arg16[%run_scoped3A_15, %dma_start3A, %dma_start3A_59] : memref<2x128x64xf32, #tpu.memory_space<vmem>> -> memref<1x128x64xf32, #tpu.memory_space<vmem>>
        %dma_start3A_61 = tpu.memref_squeeze %dma_start3A_60 : memref<1x128x64xf32, #tpu.memory_space<vmem>> -> memref<128x64xf32, #tpu.memory_space<vmem>>
        %dma_start3A_62 = arith.constant 0 : i32
        %dma_start3A_63 = tpu.memref_slice %arg20[%add3A_14, %dma_start3A_62] : memref<10240x64xf32, #tpu.memory_space<vmem_shared>> -> memref<128x64xf32, #tpu.memory_space<vmem_shared>>
        %dma_start3A_64 = arith.constant 0 : i32
        %dma_start3A_65 = tpu.memref_slice %arg20[%add3A_14, %dma_start3A_64] : memref<10240x64xf32, #tpu.memory_space<vmem_shared>> -> memref<128x64xf32, #tpu.memory_space<vmem_shared>>
        %dma_start3A_66 = arith.constant 0 : i32
        %dma_start3A_67 = arith.constant 0 : i32
        %dma_start3A_68 = tpu.memref_slice %arg16[%run_scoped3A_15, %dma_start3A_66, %dma_start3A_67] : memref<2x128x64xf32, #tpu.memory_space<vmem>> -> memref<1x128x64xf32, #tpu.memory_space<vmem>>
        %dma_start3A_69 = tpu.memref_squeeze %dma_start3A_68 : memref<1x128x64xf32, #tpu.memory_space<vmem>> -> memref<128x64xf32, #tpu.memory_space<vmem>>
        tpu.enqueue_dma source(%dma_start3A_69 : memref<128x64xf32, #tpu.memory_space<vmem>>) target(%dma_start3A_65 : memref<128x64xf32, #tpu.memory_space<vmem_shared>>) target_semaphore(%run_scoped3A_58 : memref<!tpu.dma_semaphore, #tpu.memory_space<semaphore_mem>>)
        %dma_wait3A = arith.constant 0 : i32
        %dma_wait3A_70 = arith.constant 0 : i32
        %dma_wait3A_71 = tpu.memref_slice %arg16[%run_scoped3A_15, %dma_wait3A, %dma_wait3A_70] : memref<2x128x64xf32, #tpu.memory_space<vmem>> -> memref<1x128x64xf32, #tpu.memory_space<vmem>>
        %dma_wait3A_72 = tpu.memref_squeeze %dma_wait3A_71 : memref<1x128x64xf32, #tpu.memory_space<vmem>> -> memref<128x64xf32, #tpu.memory_space<vmem>>
        %dma_wait3A_73 = arith.constant 0 : i32
        %dma_wait3A_74 = tpu.memref_slice %arg20[%add3A_14, %dma_wait3A_73] : memref<10240x64xf32, #tpu.memory_space<vmem_shared>> -> memref<128x64xf32, #tpu.memory_space<vmem_shared>>
        %dma_wait3A_75 = arith.constant 0 : i32
        %dma_wait3A_76 = tpu.memref_slice %arg20[%add3A_14, %dma_wait3A_75] : memref<10240x64xf32, #tpu.memory_space<vmem_shared>> -> memref<128x64xf32, #tpu.memory_space<vmem_shared>>
        %dma_wait3A_77 = arith.constant 0 : i32
        %dma_wait3A_78 = arith.constant 0 : i32
        %dma_wait3A_79 = tpu.memref_slice %arg16[%run_scoped3A_15, %dma_wait3A_77, %dma_wait3A_78] : memref<2x128x64xf32, #tpu.memory_space<vmem>> -> memref<1x128x64xf32, #tpu.memory_space<vmem>>
        %dma_wait3A_80 = tpu.memref_squeeze %dma_wait3A_79 : memref<1x128x64xf32, #tpu.memory_space<vmem>> -> memref<128x64xf32, #tpu.memory_space<vmem>>
        tpu.wait_dma2 semaphore(%run_scoped3A_58 : memref<!tpu.dma_semaphore, #tpu.memory_space<semaphore_mem>>) src(%dma_wait3A_80 : memref<128x64xf32, #tpu.memory_space<vmem>>) dst(%dma_wait3A_76 : memref<128x64xf32, #tpu.memory_space<vmem_shared>>)
        tpu.yield
      }) : () -> ()
      %add3A_16 = arith.constant 256 : i32
      %add3A_17 = arith.addi %mul3A_0, %add3A_16 : i32
      %run_scoped3A_18 = arith.constant 0 : i32
      "tpu.region"() ({
        %run_scoped3A_58 = tpu.sem_alloc : memref<!tpu.dma_semaphore, #tpu.memory_space<semaphore_mem>>
        %dma_start3A = arith.constant 0 : i32
        %dma_start3A_59 = arith.constant 0 : i32
        %dma_start3A_60 = tpu.memref_slice %arg16[%run_scoped3A_18, %dma_start3A, %dma_start3A_59] : memref<2x128x64xf32, #tpu.memory_space<vmem>> -> memref<1x128x64xf32, #tpu.memory_space<vmem>>
        %dma_start3A_61 = tpu.memref_squeeze %dma_start3A_60 : memref<1x128x64xf32, #tpu.memory_space<vmem>> -> memref<128x64xf32, #tpu.memory_space<vmem>>
        %dma_start3A_62 = arith.constant 0 : i32
        %dma_start3A_63 = tpu.memref_slice %arg20[%add3A_17, %dma_start3A_62] : memref<10240x64xf32, #tpu.memory_space<vmem_shared>> -> memref<128x64xf32, #tpu.memory_space<vmem_shared>>
        %dma_start3A_64 = arith.constant 0 : i32
        %dma_start3A_65 = tpu.memref_slice %arg20[%add3A_17, %dma_start3A_64] : memref<10240x64xf32, #tpu.memory_space<vmem_shared>> -> memref<128x64xf32, #tpu.memory_space<vmem_shared>>
        %dma_start3A_66 = arith.constant 0 : i32
        %dma_start3A_67 = arith.constant 0 : i32
        %dma_start3A_68 = tpu.memref_slice %arg16[%run_scoped3A_18, %dma_start3A_66, %dma_start3A_67] : memref<2x128x64xf32, #tpu.memory_space<vmem>> -> memref<1x128x64xf32, #tpu.memory_space<vmem>>
        %dma_start3A_69 = tpu.memref_squeeze %dma_start3A_68 : memref<1x128x64xf32, #tpu.memory_space<vmem>> -> memref<128x64xf32, #tpu.memory_space<vmem>>
        tpu.enqueue_dma source(%dma_start3A_69 : memref<128x64xf32, #tpu.memory_space<vmem>>) target(%dma_start3A_65 : memref<128x64xf32, #tpu.memory_space<vmem_shared>>) target_semaphore(%run_scoped3A_58 : memref<!tpu.dma_semaphore, #tpu.memory_space<semaphore_mem>>)
        %dma_wait3A = arith.constant 0 : i32
        %dma_wait3A_70 = arith.constant 0 : i32
        %dma_wait3A_71 = tpu.memref_slice %arg16[%run_scoped3A_18, %dma_wait3A, %dma_wait3A_70] : memref<2x128x64xf32, #tpu.memory_space<vmem>> -> memref<1x128x64xf32, #tpu.memory_space<vmem>>
        %dma_wait3A_72 = tpu.memref_squeeze %dma_wait3A_71 : memref<1x128x64xf32, #tpu.memory_space<vmem>> -> memref<128x64xf32, #tpu.memory_space<vmem>>
        %dma_wait3A_73 = arith.constant 0 : i32
        %dma_wait3A_74 = tpu.memref_slice %arg20[%add3A_17, %dma_wait3A_73] : memref<10240x64xf32, #tpu.memory_space<vmem_shared>> -> memref<128x64xf32, #tpu.memory_space<vmem_shared>>
        %dma_wait3A_75 = arith.constant 0 : i32
        %dma_wait3A_76 = tpu.memref_slice %arg20[%add3A_17, %dma_wait3A_75] : memref<10240x64xf32, #tpu.memory_space<vmem_shared>> -> memref<128x64xf32, #tpu.memory_space<vmem_shared>>
        %dma_wait3A_77 = arith.constant 0 : i32
        %dma_wait3A_78 = arith.constant 0 : i32
        %dma_wait3A_79 = tpu.memref_slice %arg16[%run_scoped3A_18, %dma_wait3A_77, %dma_wait3A_78] : memref<2x128x64xf32, #tpu.memory_space<vmem>> -> memref<1x128x64xf32, #tpu.memory_space<vmem>>
        %dma_wait3A_80 = tpu.memref_squeeze %dma_wait3A_79 : memref<1x128x64xf32, #tpu.memory_space<vmem>> -> memref<128x64xf32, #tpu.memory_space<vmem>>
        tpu.wait_dma2 semaphore(%run_scoped3A_58 : memref<!tpu.dma_semaphore, #tpu.memory_space<semaphore_mem>>) src(%dma_wait3A_80 : memref<128x64xf32, #tpu.memory_space<vmem>>) dst(%dma_wait3A_76 : memref<128x64xf32, #tpu.memory_space<vmem_shared>>)
        tpu.yield
      }) : () -> ()
      %add3A_19 = arith.constant 384 : i32
      %add3A_20 = arith.addi %mul3A_0, %add3A_19 : i32
      %run_scoped3A_21 = arith.constant 0 : i32
      "tpu.region"() ({
        %run_scoped3A_58 = tpu.sem_alloc : memref<!tpu.dma_semaphore, #tpu.memory_space<semaphore_mem>>
        %dma_start3A = arith.constant 0 : i32
        %dma_start3A_59 = arith.constant 0 : i32
        %dma_start3A_60 = tpu.memref_slice %arg16[%run_scoped3A_21, %dma_start3A, %dma_start3A_59] : memref<2x128x64xf32, #tpu.memory_space<vmem>> -> memref<1x128x64xf32, #tpu.memory_space<vmem>>
        %dma_start3A_61 = tpu.memref_squeeze %dma_start3A_60 : memref<1x128x64xf32, #tpu.memory_space<vmem>> -> memref<128x64xf32, #tpu.memory_space<vmem>>
        %dma_start3A_62 = arith.constant 0 : i32
        %dma_start3A_63 = tpu.memref_slice %arg20[%add3A_20, %dma_start3A_62] : memref<10240x64xf32, #tpu.memory_space<vmem_shared>> -> memref<128x64xf32, #tpu.memory_space<vmem_shared>>
        %dma_start3A_64 = arith.constant 0 : i32
        %dma_start3A_65 = tpu.memref_slice %arg20[%add3A_20, %dma_start3A_64] : memref<10240x64xf32, #tpu.memory_space<vmem_shared>> -> memref<128x64xf32, #tpu.memory_space<vmem_shared>>
        %dma_start3A_66 = arith.constant 0 : i32
        %dma_start3A_67 = arith.constant 0 : i32
        %dma_start3A_68 = tpu.memref_slice %arg16[%run_scoped3A_21, %dma_start3A_66, %dma_start3A_67] : memref<2x128x64xf32, #tpu.memory_space<vmem>> -> memref<1x128x64xf32, #tpu.memory_space<vmem>>
        %dma_start3A_69 = tpu.memref_squeeze %dma_start3A_68 : memref<1x128x64xf32, #tpu.memory_space<vmem>> -> memref<128x64xf32, #tpu.memory_space<vmem>>
        tpu.enqueue_dma source(%dma_start3A_69 : memref<128x64xf32, #tpu.memory_space<vmem>>) target(%dma_start3A_65 : memref<128x64xf32, #tpu.memory_space<vmem_shared>>) target_semaphore(%run_scoped3A_58 : memref<!tpu.dma_semaphore, #tpu.memory_space<semaphore_mem>>)
        %dma_wait3A = arith.constant 0 : i32
        %dma_wait3A_70 = arith.constant 0 : i32
        %dma_wait3A_71 = tpu.memref_slice %arg16[%run_scoped3A_21, %dma_wait3A, %dma_wait3A_70] : memref<2x128x64xf32, #tpu.memory_space<vmem>> -> memref<1x128x64xf32, #tpu.memory_space<vmem>>
        %dma_wait3A_72 = tpu.memref_squeeze %dma_wait3A_71 : memref<1x128x64xf32, #tpu.memory_space<vmem>> -> memref<128x64xf32, #tpu.memory_space<vmem>>
        %dma_wait3A_73 = arith.constant 0 : i32
        %dma_wait3A_74 = tpu.memref_slice %arg20[%add3A_20, %dma_wait3A_73] : memref<10240x64xf32, #tpu.memory_space<vmem_shared>> -> memref<128x64xf32, #tpu.memory_space<vmem_shared>>
        %dma_wait3A_75 = arith.constant 0 : i32
        %dma_wait3A_76 = tpu.memref_slice %arg20[%add3A_20, %dma_wait3A_75] : memref<10240x64xf32, #tpu.memory_space<vmem_shared>> -> memref<128x64xf32, #tpu.memory_space<vmem_shared>>
        %dma_wait3A_77 = arith.constant 0 : i32
        %dma_wait3A_78 = arith.constant 0 : i32
        %dma_wait3A_79 = tpu.memref_slice %arg16[%run_scoped3A_21, %dma_wait3A_77, %dma_wait3A_78] : memref<2x128x64xf32, #tpu.memory_space<vmem>> -> memref<1x128x64xf32, #tpu.memory_space<vmem>>
        %dma_wait3A_80 = tpu.memref_squeeze %dma_wait3A_79 : memref<1x128x64xf32, #tpu.memory_space<vmem>> -> memref<128x64xf32, #tpu.memory_space<vmem>>
        tpu.wait_dma2 semaphore(%run_scoped3A_58 : memref<!tpu.dma_semaphore, #tpu.memory_space<semaphore_mem>>) src(%dma_wait3A_80 : memref<128x64xf32, #tpu.memory_space<vmem>>) dst(%dma_wait3A_76 : memref<128x64xf32, #tpu.memory_space<vmem_shared>>)
        tpu.yield
      }) : () -> ()
      %add3A_22 = arith.constant 512 : i32
      %add3A_23 = arith.addi %mul3A_0, %add3A_22 : i32
      %run_scoped3A_24 = arith.constant 0 : i32
      "tpu.region"() ({
        %run_scoped3A_58 = tpu.sem_alloc : memref<!tpu.dma_semaphore, #tpu.memory_space<semaphore_mem>>
        %dma_start3A = arith.constant 0 : i32
        %dma_start3A_59 = arith.constant 0 : i32
        %dma_start3A_60 = tpu.memref_slice %arg16[%run_scoped3A_24, %dma_start3A, %dma_start3A_59] : memref<2x128x64xf32, #tpu.memory_space<vmem>> -> memref<1x128x64xf32, #tpu.memory_space<vmem>>
        %dma_start3A_61 = tpu.memref_squeeze %dma_start3A_60 : memref<1x128x64xf32, #tpu.memory_space<vmem>> -> memref<128x64xf32, #tpu.memory_space<vmem>>
        %dma_start3A_62 = arith.constant 0 : i32
        %dma_start3A_63 = tpu.memref_slice %arg20[%add3A_23, %dma_start3A_62] : memref<10240x64xf32, #tpu.memory_space<vmem_shared>> -> memref<128x64xf32, #tpu.memory_space<vmem_shared>>
        %dma_start3A_64 = arith.constant 0 : i32
        %dma_start3A_65 = tpu.memref_slice %arg20[%add3A_23, %dma_start3A_64] : memref<10240x64xf32, #tpu.memory_space<vmem_shared>> -> memref<128x64xf32, #tpu.memory_space<vmem_shared>>
        %dma_start3A_66 = arith.constant 0 : i32
        %dma_start3A_67 = arith.constant 0 : i32
        %dma_start3A_68 = tpu.memref_slice %arg16[%run_scoped3A_24, %dma_start3A_66, %dma_start3A_67] : memref<2x128x64xf32, #tpu.memory_space<vmem>> -> memref<1x128x64xf32, #tpu.memory_space<vmem>>
        %dma_start3A_69 = tpu.memref_squeeze %dma_start3A_68 : memref<1x128x64xf32, #tpu.memory_space<vmem>> -> memref<128x64xf32, #tpu.memory_space<vmem>>
        tpu.enqueue_dma source(%dma_start3A_69 : memref<128x64xf32, #tpu.memory_space<vmem>>) target(%dma_start3A_65 : memref<128x64xf32, #tpu.memory_space<vmem_shared>>) target_semaphore(%run_scoped3A_58 : memref<!tpu.dma_semaphore, #tpu.memory_space<semaphore_mem>>)
        %dma_wait3A = arith.constant 0 : i32
        %dma_wait3A_70 = arith.constant 0 : i32
        %dma_wait3A_71 = tpu.memref_slice %arg16[%run_scoped3A_24, %dma_wait3A, %dma_wait3A_70] : memref<2x128x64xf32, #tpu.memory_space<vmem>> -> memref<1x128x64xf32, #tpu.memory_space<vmem>>
        %dma_wait3A_72 = tpu.memref_squeeze %dma_wait3A_71 : memref<1x128x64xf32, #tpu.memory_space<vmem>> -> memref<128x64xf32, #tpu.memory_space<vmem>>
        %dma_wait3A_73 = arith.constant 0 : i32
        %dma_wait3A_74 = tpu.memref_slice %arg20[%add3A_23, %dma_wait3A_73] : memref<10240x64xf32, #tpu.memory_space<vmem_shared>> -> memref<128x64xf32, #tpu.memory_space<vmem_shared>>
        %dma_wait3A_75 = arith.constant 0 : i32
        %dma_wait3A_76 = tpu.memref_slice %arg20[%add3A_23, %dma_wait3A_75] : memref<10240x64xf32, #tpu.memory_space<vmem_shared>> -> memref<128x64xf32, #tpu.memory_space<vmem_shared>>
        %dma_wait3A_77 = arith.constant 0 : i32
        %dma_wait3A_78 = arith.constant 0 : i32
        %dma_wait3A_79 = tpu.memref_slice %arg16[%run_scoped3A_24, %dma_wait3A_77, %dma_wait3A_78] : memref<2x128x64xf32, #tpu.memory_space<vmem>> -> memref<1x128x64xf32, #tpu.memory_space<vmem>>
        %dma_wait3A_80 = tpu.memref_squeeze %dma_wait3A_79 : memref<1x128x64xf32, #tpu.memory_space<vmem>> -> memref<128x64xf32, #tpu.memory_space<vmem>>
        tpu.wait_dma2 semaphore(%run_scoped3A_58 : memref<!tpu.dma_semaphore, #tpu.memory_space<semaphore_mem>>) src(%dma_wait3A_80 : memref<128x64xf32, #tpu.memory_space<vmem>>) dst(%dma_wait3A_76 : memref<128x64xf32, #tpu.memory_space<vmem_shared>>)
        tpu.yield
      }) : () -> ()
      %barrier3A = arith.constant 0 : index
      tpu.barrier barrier_id(%barrier3A)
      %scan3A_25 = arith.constant 0 : i32
      %scan3A_26 = arith.constant 157 : i32
      %scan3A_27 = arith.addi %scan3A_25, %scan3A_26 : i32
      %scan3A_28 = arith.constant 1 : i32
      scf.for %scan3A_58 = %scan3A_25 to %scan3A_27 step %scan3A_28  : i32 {
        %mul3A_59 = arith.constant 1 : i32
        %mul3A_60 = arith.muli %scan3A_58, %mul3A_59 : i32
        %add3A_61 = arith.constant 0 : i32
        %add3A_62 = arith.addi %add3A_61, %mul3A_60 : i32
        %mul3A_63 = arith.constant 20096 : i32
        %mul3A_64 = arith.muli %arg1, %mul3A_63 : i32
        %mul3A_65 = arith.constant 128 : i32
        %mul3A_66 = arith.muli %add3A_62, %mul3A_65 : i32
        %add3A_67 = arith.addi %mul3A_64, %mul3A_66 : i32
        %run_scoped3A_68 = arith.constant 0 : i32
        "tpu.region"() ({
          %run_scoped3A_123 = tpu.sem_alloc : memref<!tpu.dma_semaphore, #tpu.memory_space<semaphore_mem>>
          %dma_start3A_124 = arith.constant 0 : i32
          %dma_start3A_125 = tpu.memref_slice %arg18[%run_scoped3A_68, %dma_start3A_124] : memref<2x128xi32, #tpu.memory_space<vmem>> -> memref<1x128xi32, #tpu.memory_space<vmem>>
          %dma_start3A_126 = tpu.memref_squeeze %dma_start3A_125 : memref<1x128xi32, #tpu.memory_space<vmem>> -> memref<128xi32, #tpu.memory_space<vmem>>
          %dma_start3A_127 = tpu.memref_slice %arg10[%add3A_67] : memref<321536xi32, #tpu.memory_space<hbm>> -> memref<128xi32, #tpu.memory_space<hbm>>
          %dma_start3A_128 = arith.constant 0 : i32
          %dma_start3A_129 = tpu.memref_slice %arg18[%run_scoped3A_68, %dma_start3A_128] : memref<2x128xi32, #tpu.memory_space<vmem>> -> memref<1x128xi32, #tpu.memory_space<vmem>>
          %dma_start3A_130 = tpu.memref_squeeze %dma_start3A_129 : memref<1x128xi32, #tpu.memory_space<vmem>> -> memref<128xi32, #tpu.memory_space<vmem>>
          %dma_start3A_131 = tpu.memref_slice %arg10[%add3A_67] : memref<321536xi32, #tpu.memory_space<hbm>> -> memref<128xi32, #tpu.memory_space<hbm>>
          tpu.enqueue_dma source(%dma_start3A_131 : memref<128xi32, #tpu.memory_space<hbm>>) target(%dma_start3A_130 : memref<128xi32, #tpu.memory_space<vmem>>) target_semaphore(%run_scoped3A_123 : memref<!tpu.dma_semaphore, #tpu.memory_space<semaphore_mem>>)
          %dma_wait3A_132 = arith.constant 0 : i32
          %dma_wait3A_133 = tpu.memref_slice %arg18[%run_scoped3A_68, %dma_wait3A_132] : memref<2x128xi32, #tpu.memory_space<vmem>> -> memref<1x128xi32, #tpu.memory_space<vmem>>
          %dma_wait3A_134 = tpu.memref_squeeze %dma_wait3A_133 : memref<1x128xi32, #tpu.memory_space<vmem>> -> memref<128xi32, #tpu.memory_space<vmem>>
          %dma_wait3A_135 = tpu.memref_slice %arg10[%add3A_67] : memref<321536xi32, #tpu.memory_space<hbm>> -> memref<128xi32, #tpu.memory_space<hbm>>
          %dma_wait3A_136 = arith.constant 0 : i32
          %dma_wait3A_137 = tpu.memref_slice %arg18[%run_scoped3A_68, %dma_wait3A_136] : memref<2x128xi32, #tpu.memory_space<vmem>> -> memref<1x128xi32, #tpu.memory_space<vmem>>
          %dma_wait3A_138 = tpu.memref_squeeze %dma_wait3A_137 : memref<1x128xi32, #tpu.memory_space<vmem>> -> memref<128xi32, #tpu.memory_space<vmem>>
          %dma_wait3A_139 = tpu.memref_slice %arg10[%add3A_67] : memref<321536xi32, #tpu.memory_space<hbm>> -> memref<128xi32, #tpu.memory_space<hbm>>
          tpu.wait_dma2 semaphore(%run_scoped3A_123 : memref<!tpu.dma_semaphore, #tpu.memory_space<semaphore_mem>>) src(%dma_wait3A_139 : memref<128xi32, #tpu.memory_space<hbm>>) dst(%dma_wait3A_138 : memref<128xi32, #tpu.memory_space<vmem>>)
          tpu.yield
        }) : () -> ()
        %run_scoped3A_69 = arith.constant 0 : i32
        "tpu.region"() ({
          %run_scoped3A_123 = tpu.sem_alloc : memref<!tpu.dma_semaphore, #tpu.memory_space<semaphore_mem>>
          %dma_start3A_124 = arith.constant 0 : i32
          %dma_start3A_125 = tpu.memref_slice %arg19[%run_scoped3A_69, %dma_start3A_124] : memref<2x128xi32, #tpu.memory_space<vmem>> -> memref<1x128xi32, #tpu.memory_space<vmem>>
          %dma_start3A_126 = tpu.memref_squeeze %dma_start3A_125 : memref<1x128xi32, #tpu.memory_space<vmem>> -> memref<128xi32, #tpu.memory_space<vmem>>
          %dma_start3A_127 = tpu.memref_slice %arg11[%add3A_67] : memref<321536xi32, #tpu.memory_space<hbm>> -> memref<128xi32, #tpu.memory_space<hbm>>
          %dma_start3A_128 = arith.constant 0 : i32
          %dma_start3A_129 = tpu.memref_slice %arg19[%run_scoped3A_69, %dma_start3A_128] : memref<2x128xi32, #tpu.memory_space<vmem>> -> memref<1x128xi32, #tpu.memory_space<vmem>>
          %dma_start3A_130 = tpu.memref_squeeze %dma_start3A_129 : memref<1x128xi32, #tpu.memory_space<vmem>> -> memref<128xi32, #tpu.memory_space<vmem>>
          %dma_start3A_131 = tpu.memref_slice %arg11[%add3A_67] : memref<321536xi32, #tpu.memory_space<hbm>> -> memref<128xi32, #tpu.memory_space<hbm>>
          tpu.enqueue_dma source(%dma_start3A_131 : memref<128xi32, #tpu.memory_space<hbm>>) target(%dma_start3A_130 : memref<128xi32, #tpu.memory_space<vmem>>) target_semaphore(%run_scoped3A_123 : memref<!tpu.dma_semaphore, #tpu.memory_space<semaphore_mem>>)
          %dma_wait3A_132 = arith.constant 0 : i32
          %dma_wait3A_133 = tpu.memref_slice %arg19[%run_scoped3A_69, %dma_wait3A_132] : memref<2x128xi32, #tpu.memory_space<vmem>> -> memref<1x128xi32, #tpu.memory_space<vmem>>
          %dma_wait3A_134 = tpu.memref_squeeze %dma_wait3A_133 : memref<1x128xi32, #tpu.memory_space<vmem>> -> memref<128xi32, #tpu.memory_space<vmem>>
          %dma_wait3A_135 = tpu.memref_slice %arg11[%add3A_67] : memref<321536xi32, #tpu.memory_space<hbm>> -> memref<128xi32, #tpu.memory_space<hbm>>
          %dma_wait3A_136 = arith.constant 0 : i32
          %dma_wait3A_137 = tpu.memref_slice %arg19[%run_scoped3A_69, %dma_wait3A_136] : memref<2x128xi32, #tpu.memory_space<vmem>> -> memref<1x128xi32, #tpu.memory_space<vmem>>
          %dma_wait3A_138 = tpu.memref_squeeze %dma_wait3A_137 : memref<1x128xi32, #tpu.memory_space<vmem>> -> memref<128xi32, #tpu.memory_space<vmem>>
          %dma_wait3A_139 = tpu.memref_slice %arg11[%add3A_67] : memref<321536xi32, #tpu.memory_space<hbm>> -> memref<128xi32, #tpu.memory_space<hbm>>
          tpu.wait_dma2 semaphore(%run_scoped3A_123 : memref<!tpu.dma_semaphore, #tpu.memory_space<semaphore_mem>>) src(%dma_wait3A_139 : memref<128xi32, #tpu.memory_space<hbm>>) dst(%dma_wait3A_138 : memref<128xi32, #tpu.memory_space<vmem>>)
          tpu.yield
        }) : () -> ()
        %dma_start3A = arith.constant 0 : i32
        %dma_start3A_70 = arith.constant 0 : i32
        %dma_start3A_71 = arith.constant 0 : i32
        %dma_start3A_72 = arith.constant 0 : i32
        %dma_start3A_73 = tpu.memref_slice %arg16[%dma_start3A_70, %dma_start3A_71, %dma_start3A_72] : memref<2x128x64xf32, #tpu.memory_space<vmem>> -> memref<1x128x64xf32, #tpu.memory_space<vmem>>
        %dma_start3A_74 = tpu.memref_squeeze %dma_start3A_73 : memref<1x128x64xf32, #tpu.memory_space<vmem>> -> memref<128x64xf32, #tpu.memory_space<vmem>>
        %dma_start3A_75 = arith.constant 0 : i32
        %dma_start3A_76 = tpu.memref_slice %arg18[%dma_start3A, %dma_start3A_75] : memref<2x128xi32, #tpu.memory_space<vmem>> -> memref<1x128xi32, #tpu.memory_space<vmem>>
        %dma_start3A_77 = tpu.memref_squeeze %dma_start3A_76 : memref<1x128xi32, #tpu.memory_space<vmem>> -> memref<128xi32, #tpu.memory_space<vmem>>
        %dma_start3A_78 = arith.constant 0 : i32
        %dma_start3A_79 = arith.constant 0 : i32
        %dma_start3A_80 = tpu.memref_slice %arg2[%dma_start3A_78, %dma_start3A_79] : memref<10240x64xf32, #tpu.memory_space<hbm>> -> memref<10240x64xf32, #tpu.memory_space<hbm>>
        tpu.enqueue_indirect_dma source(%dma_start3A_80 : memref<10240x64xf32, #tpu.memory_space<hbm>>) target(%dma_start3A_74 : memref<128x64xf32, #tpu.memory_space<vmem>>) offsets(%dma_start3A_77 : memref<128xi32, #tpu.memory_space<vmem>>) semaphore(%arg21 : memref<!tpu.dma_semaphore, #tpu.memory_space<semaphore_mem>>)
        %dma_wait3A = arith.constant 0 : i32
        %dma_wait3A_81 = arith.constant 0 : i32
        %dma_wait3A_82 = arith.constant 0 : i32
        %dma_wait3A_83 = arith.constant 0 : i32
        %dma_wait3A_84 = tpu.memref_slice %arg16[%dma_wait3A_81, %dma_wait3A_82, %dma_wait3A_83] : memref<2x128x64xf32, #tpu.memory_space<vmem>> -> memref<1x128x64xf32, #tpu.memory_space<vmem>>
        %dma_wait3A_85 = tpu.memref_squeeze %dma_wait3A_84 : memref<1x128x64xf32, #tpu.memory_space<vmem>> -> memref<128x64xf32, #tpu.memory_space<vmem>>
        %dma_wait3A_86 = arith.constant 0 : i32
        %dma_wait3A_87 = tpu.memref_slice %arg18[%dma_wait3A, %dma_wait3A_86] : memref<2x128xi32, #tpu.memory_space<vmem>> -> memref<1x128xi32, #tpu.memory_space<vmem>>
        %dma_wait3A_88 = tpu.memref_squeeze %dma_wait3A_87 : memref<1x128xi32, #tpu.memory_space<vmem>> -> memref<128xi32, #tpu.memory_space<vmem>>
        %dma_wait3A_89 = arith.constant 0 : i32
        %dma_wait3A_90 = arith.constant 0 : i32
        %dma_wait3A_91 = tpu.memref_slice %arg2[%dma_wait3A_89, %dma_wait3A_90] : memref<10240x64xf32, #tpu.memory_space<hbm>> -> memref<10240x64xf32, #tpu.memory_space<hbm>>
        tpu.wait_indirect_dma semaphore(%arg21 : memref<!tpu.dma_semaphore, #tpu.memory_space<semaphore_mem>>) src(%dma_wait3A_91 : memref<10240x64xf32, #tpu.memory_space<hbm>>) dst(%dma_wait3A_85 : memref<128x64xf32, #tpu.memory_space<vmem>>)
        %dma_start3A_92 = arith.constant 0 : i32
        %dma_start3A_93 = arith.constant 0 : i32
        %dma_start3A_94 = arith.constant 0 : i32
        %dma_start3A_95 = arith.constant 0 : i32
        %dma_start3A_96 = tpu.memref_slice %arg17[%dma_start3A_93, %dma_start3A_94, %dma_start3A_95] : memref<2x128x64xf32, #tpu.memory_space<vmem>> -> memref<1x128x64xf32, #tpu.memory_space<vmem>>
        %dma_start3A_97 = tpu.memref_squeeze %dma_start3A_96 : memref<1x128x64xf32, #tpu.memory_space<vmem>> -> memref<128x64xf32, #tpu.memory_space<vmem>>
        %dma_start3A_98 = arith.constant 0 : i32
        %dma_start3A_99 = tpu.memref_slice %arg19[%dma_start3A_92, %dma_start3A_98] : memref<2x128xi32, #tpu.memory_space<vmem>> -> memref<1x128xi32, #tpu.memory_space<vmem>>
        %dma_start3A_100 = tpu.memref_squeeze %dma_start3A_99 : memref<1x128xi32, #tpu.memory_space<vmem>> -> memref<128xi32, #tpu.memory_space<vmem>>
        %dma_start3A_101 = arith.constant 0 : i32
        %dma_start3A_102 = arith.constant 0 : i32
        %dma_start3A_103 = tpu.memref_slice %arg4[%dma_start3A_101, %dma_start3A_102] : memref<10240x64xf32, #tpu.memory_space<hbm>> -> memref<10240x64xf32, #tpu.memory_space<hbm>>
        tpu.enqueue_indirect_dma source(%dma_start3A_103 : memref<10240x64xf32, #tpu.memory_space<hbm>>) target(%dma_start3A_97 : memref<128x64xf32, #tpu.memory_space<vmem>>) offsets(%dma_start3A_100 : memref<128xi32, #tpu.memory_space<vmem>>) semaphore(%arg22 : memref<!tpu.dma_semaphore, #tpu.memory_space<semaphore_mem>>)
        %dma_wait3A_104 = arith.constant 0 : i32
        %dma_wait3A_105 = arith.constant 0 : i32
        %dma_wait3A_106 = arith.constant 0 : i32
        %dma_wait3A_107 = arith.constant 0 : i32
        %dma_wait3A_108 = tpu.memref_slice %arg17[%dma_wait3A_105, %dma_wait3A_106, %dma_wait3A_107] : memref<2x128x64xf32, #tpu.memory_space<vmem>> -> memref<1x128x64xf32, #tpu.memory_space<vmem>>
        %dma_wait3A_109 = tpu.memref_squeeze %dma_wait3A_108 : memref<1x128x64xf32, #tpu.memory_space<vmem>> -> memref<128x64xf32, #tpu.memory_space<vmem>>
        %dma_wait3A_110 = arith.constant 0 : i32
        %dma_wait3A_111 = tpu.memref_slice %arg19[%dma_wait3A_104, %dma_wait3A_110] : memref<2x128xi32, #tpu.memory_space<vmem>> -> memref<1x128xi32, #tpu.memory_space<vmem>>
        %dma_wait3A_112 = tpu.memref_squeeze %dma_wait3A_111 : memref<1x128xi32, #tpu.memory_space<vmem>> -> memref<128xi32, #tpu.memory_space<vmem>>
        %dma_wait3A_113 = arith.constant 0 : i32
        %dma_wait3A_114 = arith.constant 0 : i32
        %dma_wait3A_115 = tpu.memref_slice %arg4[%dma_wait3A_113, %dma_wait3A_114] : memref<10240x64xf32, #tpu.memory_space<hbm>> -> memref<10240x64xf32, #tpu.memory_space<hbm>>
        tpu.wait_indirect_dma semaphore(%arg22 : memref<!tpu.dma_semaphore, #tpu.memory_space<semaphore_mem>>) src(%dma_wait3A_115 : memref<10240x64xf32, #tpu.memory_space<hbm>>) dst(%dma_wait3A_109 : memref<128x64xf32, #tpu.memory_space<vmem>>)
        %scan3A_116 = arith.constant 0 : i32
        %scan3A_117 = arith.constant 128 : i32
        %scan3A_118 = arith.addi %scan3A_116, %scan3A_117 : i32
        %scan3A_119 = arith.constant 1 : i32
        scf.for %scan3A_123 = %scan3A_116 to %scan3A_118 step %scan3A_119  : i32 {
          %mul3A_124 = arith.constant 1 : i32
          %mul3A_125 = arith.muli %scan3A_123, %mul3A_124 : i32
          %add3A_126 = arith.constant 0 : i32
          %add3A_127 = arith.addi %add3A_126, %mul3A_125 : i32
          %get3A = arith.constant 0 : i32
          %get3A_128 = arith.index_cast %get3A : i32 to index
          %get3A_129 = arith.index_cast %add3A_127 : i32 to index
          %get3A_130 = arith.constant 0 : index
          %get3A_131 = tpu.vector_load %arg16[%get3A_128, %get3A_129, %get3A_130] {strides = array<i32>} : memref<2x128x64xf32, #tpu.memory_space<vmem>>, vector<1x1x16xf32>,
          %get3A_132 = vector.shape_cast %get3A_131 : vector<1x1x16xf32> to vector<16xf32>
          %get3A_133 = arith.constant 0 : i32
          %get3A_134 = arith.index_cast %get3A_133 : i32 to index
          %get3A_135 = arith.index_cast %add3A_127 : i32 to index
          %get3A_136 = arith.constant 0 : index
          %get3A_137 = tpu.vector_load %arg17[%get3A_134, %get3A_135, %get3A_136] {strides = array<i32>} : memref<2x128x64xf32, #tpu.memory_space<vmem>>, vector<1x1x16xf32>,
          %get3A_138 = vector.shape_cast %get3A_137 : vector<1x1x16xf32> to vector<16xf32>
          %add3A_139 = arith.addf %get3A_132, %get3A_138 : vector<16xf32>
          %max3A = arith.constant 0.000000e+00 : f32
          %max3A_140 = vector.broadcast %max3A : f32 to vector<16xf32>
          %max3A_141 = arith.maximumf %add3A_139, %max3A_140 : vector<16xf32>
          %swap3A = arith.constant 0 : i32
          %swap3A_142 = arith.index_cast %swap3A : i32 to index
          %swap3A_143 = arith.index_cast %add3A_127 : i32 to index
          %swap3A_144 = arith.constant 0 : index
          %swap3A_145 = tpu.vector_load %arg16[%swap3A_142, %swap3A_143, %swap3A_144] {strides = array<i32>} : memref<2x128x64xf32, #tpu.memory_space<vmem>>, vector<1x1x16xf32>,
          %swap3A_146 = vector.shape_cast %swap3A_145 : vector<1x1x16xf32> to vector<16xf32>
          %swap3A_147 = vector.shape_cast %max3A_141 : vector<16xf32> to vector<1x1x16xf32>
          tpu.vector_store %arg16[%swap3A_142, %swap3A_143, %swap3A_144], %swap3A_147 {strides = array<i32>} : memref<2x128x64xf32, #tpu.memory_space<vmem>>, vector<1x1x16xf32>,
          %get3A_148 = arith.constant 0 : i32
          %get3A_149 = arith.index_cast %get3A_148 : i32 to index
          %get3A_150 = arith.index_cast %add3A_127 : i32 to index
          %get3A_151 = arith.constant 16 : index
          %get3A_152 = tpu.vector_load %arg16[%get3A_149, %get3A_150, %get3A_151] {strides = array<i32>} : memref<2x128x64xf32, #tpu.memory_space<vmem>>, vector<1x1x16xf32>,
          %get3A_153 = vector.shape_cast %get3A_152 : vector<1x1x16xf32> to vector<16xf32>
          %get3A_154 = arith.constant 0 : i32
          %get3A_155 = arith.index_cast %get3A_154 : i32 to index
          %get3A_156 = arith.index_cast %add3A_127 : i32 to index
          %get3A_157 = arith.constant 16 : index
          %get3A_158 = tpu.vector_load %arg17[%get3A_155, %get3A_156, %get3A_157] {strides = array<i32>} : memref<2x128x64xf32, #tpu.memory_space<vmem>>, vector<1x1x16xf32>,
          %get3A_159 = vector.shape_cast %get3A_158 : vector<1x1x16xf32> to vector<16xf32>
          %add3A_160 = arith.addf %get3A_153, %get3A_159 : vector<16xf32>
          %max3A_161 = arith.constant 0.000000e+00 : f32
          %max3A_162 = vector.broadcast %max3A_161 : f32 to vector<16xf32>
          %max3A_163 = arith.maximumf %add3A_160, %max3A_162 : vector<16xf32>
          %swap3A_164 = arith.constant 0 : i32
          %swap3A_165 = arith.index_cast %swap3A_164 : i32 to index
          %swap3A_166 = arith.index_cast %add3A_127 : i32 to index
          %swap3A_167 = arith.constant 16 : index
          %swap3A_168 = tpu.vector_load %arg16[%swap3A_165, %swap3A_166, %swap3A_167] {strides = array<i32>} : memref<2x128x64xf32, #tpu.memory_space<vmem>>, vector<1x1x16xf32>,
          %swap3A_169 = vector.shape_cast %swap3A_168 : vector<1x1x16xf32> to vector<16xf32>
          %swap3A_170 = vector.shape_cast %max3A_163 : vector<16xf32> to vector<1x1x16xf32>
          tpu.vector_store %arg16[%swap3A_165, %swap3A_166, %swap3A_167], %swap3A_170 {strides = array<i32>} : memref<2x128x64xf32, #tpu.memory_space<vmem>>, vector<1x1x16xf32>,
          %get3A_171 = arith.constant 0 : i32
          %get3A_172 = arith.index_cast %get3A_171 : i32 to index
          %get3A_173 = arith.index_cast %add3A_127 : i32 to index
          %get3A_174 = arith.constant 32 : index
          %get3A_175 = tpu.vector_load %arg16[%get3A_172, %get3A_173, %get3A_174] {strides = array<i32>} : memref<2x128x64xf32, #tpu.memory_space<vmem>>, vector<1x1x16xf32>,
          %get3A_176 = vector.shape_cast %get3A_175 : vector<1x1x16xf32> to vector<16xf32>
          %get3A_177 = arith.constant 0 : i32
          %get3A_178 = arith.index_cast %get3A_177 : i32 to index
          %get3A_179 = arith.index_cast %add3A_127 : i32 to index
          %get3A_180 = arith.constant 32 : index
          %get3A_181 = tpu.vector_load %arg17[%get3A_178, %get3A_179, %get3A_180] {strides = array<i32>} : memref<2x128x64xf32, #tpu.memory_space<vmem>>, vector<1x1x16xf32>,
          %get3A_182 = vector.shape_cast %get3A_181 : vector<1x1x16xf32> to vector<16xf32>
          %add3A_183 = arith.addf %get3A_176, %get3A_182 : vector<16xf32>
          %max3A_184 = arith.constant 0.000000e+00 : f32
          %max3A_185 = vector.broadcast %max3A_184 : f32 to vector<16xf32>
          %max3A_186 = arith.maximumf %add3A_183, %max3A_185 : vector<16xf32>
          %swap3A_187 = arith.constant 0 : i32
          %swap3A_188 = arith.index_cast %swap3A_187 : i32 to index
          %swap3A_189 = arith.index_cast %add3A_127 : i32 to index
          %swap3A_190 = arith.constant 32 : index
          %swap3A_191 = tpu.vector_load %arg16[%swap3A_188, %swap3A_189, %swap3A_190] {strides = array<i32>} : memref<2x128x64xf32, #tpu.memory_space<vmem>>, vector<1x1x16xf32>,
          %swap3A_192 = vector.shape_cast %swap3A_191 : vector<1x1x16xf32> to vector<16xf32>
          %swap3A_193 = vector.shape_cast %max3A_186 : vector<16xf32> to vector<1x1x16xf32>
          tpu.vector_store %arg16[%swap3A_188, %swap3A_189, %swap3A_190], %swap3A_193 {strides = array<i32>} : memref<2x128x64xf32, #tpu.memory_space<vmem>>, vector<1x1x16xf32>,
          %get3A_194 = arith.constant 0 : i32
          %get3A_195 = arith.index_cast %get3A_194 : i32 to index
          %get3A_196 = arith.index_cast %add3A_127 : i32 to index
          %get3A_197 = arith.constant 48 : index
          %get3A_198 = tpu.vector_load %arg16[%get3A_195, %get3A_196, %get3A_197] {strides = array<i32>} : memref<2x128x64xf32, #tpu.memory_space<vmem>>, vector<1x1x16xf32>,
          %get3A_199 = vector.shape_cast %get3A_198 : vector<1x1x16xf32> to vector<16xf32>
          %get3A_200 = arith.constant 0 : i32
          %get3A_201 = arith.index_cast %get3A_200 : i32 to index
          %get3A_202 = arith.index_cast %add3A_127 : i32 to index
          %get3A_203 = arith.constant 48 : index
          %get3A_204 = tpu.vector_load %arg17[%get3A_201, %get3A_202, %get3A_203] {strides = array<i32>} : memref<2x128x64xf32, #tpu.memory_space<vmem>>, vector<1x1x16xf32>,
          %get3A_205 = vector.shape_cast %get3A_204 : vector<1x1x16xf32> to vector<16xf32>
          %add3A_206 = arith.addf %get3A_199, %get3A_205 : vector<16xf32>
          %max3A_207 = arith.constant 0.000000e+00 : f32
          %max3A_208 = vector.broadcast %max3A_207 : f32 to vector<16xf32>
          %max3A_209 = arith.maximumf %add3A_206, %max3A_208 : vector<16xf32>
          %swap3A_210 = arith.constant 0 : i32
          %swap3A_211 = arith.index_cast %swap3A_210 : i32 to index
          %swap3A_212 = arith.index_cast %add3A_127 : i32 to index
          %swap3A_213 = arith.constant 48 : index
          %swap3A_214 = tpu.vector_load %arg16[%swap3A_211, %swap3A_212, %swap3A_213] {strides = array<i32>} : memref<2x128x64xf32, #tpu.memory_space<vmem>>, vector<1x1x16xf32>,
          %swap3A_215 = vector.shape_cast %swap3A_214 : vector<1x1x16xf32> to vector<16xf32>
          %swap3A_216 = vector.shape_cast %max3A_209 : vector<16xf32> to vector<1x1x16xf32>
          tpu.vector_store %arg16[%swap3A_211, %swap3A_212, %swap3A_213], %swap3A_216 {strides = array<i32>} : memref<2x128x64xf32, #tpu.memory_space<vmem>>, vector<1x1x16xf32>,
        }
        %scan3A_120 = arith.constant 128 : i32
        %run_scoped3A_121 = arith.constant 0 : i32
        %run_scoped3A_122 = arith.constant 0 : i32
        "tpu.region"() ({
          %run_scoped3A_123 = tpu.sem_alloc : memref<!tpu.dma_semaphore, #tpu.memory_space<semaphore_mem>>
          %dma_start3A_124 = arith.constant 0 : i32
          %dma_start3A_125 = arith.constant 0 : i32
          %dma_start3A_126 = tpu.memref_slice %arg16[%run_scoped3A_121, %dma_start3A_124, %dma_start3A_125] : memref<2x128x64xf32, #tpu.memory_space<vmem>> -> memref<1x128x64xf32, #tpu.memory_space<vmem>>
          %dma_start3A_127 = tpu.memref_squeeze %dma_start3A_126 : memref<1x128x64xf32, #tpu.memory_space<vmem>> -> memref<128x64xf32, #tpu.memory_space<vmem>>
          %dma_start3A_128 = arith.constant 0 : i32
          %dma_start3A_129 = tpu.memref_slice %arg18[%run_scoped3A_122, %dma_start3A_128] : memref<2x128xi32, #tpu.memory_space<vmem>> -> memref<1x128xi32, #tpu.memory_space<vmem>>
          %dma_start3A_130 = tpu.memref_squeeze %dma_start3A_129 : memref<1x128xi32, #tpu.memory_space<vmem>> -> memref<128xi32, #tpu.memory_space<vmem>>
          %dma_start3A_131 = arith.constant 0 : i32
          %dma_start3A_132 = arith.constant 0 : i32
          %dma_start3A_133 = tpu.memref_slice %arg20[%dma_start3A_131, %dma_start3A_132] : memref<10240x64xf32, #tpu.memory_space<vmem_shared>> -> memref<10240x64xf32, #tpu.memory_space<vmem_shared>>
          tpu.enqueue_indirect_dma source(%dma_start3A_127 : memref<128x64xf32, #tpu.memory_space<vmem>>) target(%dma_start3A_133 : memref<10240x64xf32, #tpu.memory_space<vmem_shared>>) offsets(%dma_start3A_130 : memref<128xi32, #tpu.memory_space<vmem>>) semaphore(%run_scoped3A_123 : memref<!tpu.dma_semaphore, #tpu.memory_space<semaphore_mem>>) {add = true}
          %dma_wait3A_134 = arith.constant 0 : i32
          %dma_wait3A_135 = arith.constant 0 : i32
          %dma_wait3A_136 = tpu.memref_slice %arg16[%run_scoped3A_121, %dma_wait3A_134, %dma_wait3A_135] : memref<2x128x64xf32, #tpu.memory_space<vmem>> -> memref<1x128x64xf32, #tpu.memory_space<vmem>>
          %dma_wait3A_137 = tpu.memref_squeeze %dma_wait3A_136 : memref<1x128x64xf32, #tpu.memory_space<vmem>> -> memref<128x64xf32, #tpu.memory_space<vmem>>
          %dma_wait3A_138 = arith.constant 0 : i32
          %dma_wait3A_139 = tpu.memref_slice %arg18[%run_scoped3A_122, %dma_wait3A_138] : memref<2x128xi32, #tpu.memory_space<vmem>> -> memref<1x128xi32, #tpu.memory_space<vmem>>
          %dma_wait3A_140 = tpu.memref_squeeze %dma_wait3A_139 : memref<1x128xi32, #tpu.memory_space<vmem>> -> memref<128xi32, #tpu.memory_space<vmem>>
          %dma_wait3A_141 = arith.constant 0 : i32
          %dma_wait3A_142 = arith.constant 0 : i32
          %dma_wait3A_143 = tpu.memref_slice %arg20[%dma_wait3A_141, %dma_wait3A_142] : memref<10240x64xf32, #tpu.memory_space<vmem_shared>> -> memref<10240x64xf32, #tpu.memory_space<vmem_shared>>
          tpu.wait_indirect_dma semaphore(%run_scoped3A_123 : memref<!tpu.dma_semaphore, #tpu.memory_space<semaphore_mem>>) src(%dma_wait3A_137 : memref<128x64xf32, #tpu.memory_space<vmem>>) dst(%dma_wait3A_143 : memref<10240x64xf32, #tpu.memory_space<vmem_shared>>)
          tpu.yield
        }) : () -> ()
      }
      %scan3A_29 = arith.constant 157 : i32
      %barrier3A_30 = arith.constant 0 : index
      tpu.barrier barrier_id(%barrier3A_30)
      "tpu.region"() ({
        %run_scoped3A_58 = tpu.sem_alloc : memref<!tpu.dma_semaphore, #tpu.memory_space<semaphore_mem>>
        %dma_start3A = arith.constant 0 : i32
        %dma_start3A_59 = tpu.memref_slice %arg12[%mul3A_0, %dma_start3A] : memref<10240x64xf32, #tpu.memory_space<hbm>> -> memref<640x64xf32, #tpu.memory_space<hbm>>
        %dma_start3A_60 = arith.constant 0 : i32
        %dma_start3A_61 = tpu.memref_slice %arg20[%mul3A_0, %dma_start3A_60] : memref<10240x64xf32, #tpu.memory_space<vmem_shared>> -> memref<640x64xf32, #tpu.memory_space<vmem_shared>>
        tpu.enqueue_dma source(%dma_start3A_61 : memref<640x64xf32, #tpu.memory_space<vmem_shared>>) target(%dma_start3A_59 : memref<640x64xf32, #tpu.memory_space<hbm>>) target_semaphore(%run_scoped3A_58 : memref<!tpu.dma_semaphore, #tpu.memory_space<semaphore_mem>>)
        %dma_wait3A = arith.constant 0 : i32
        %dma_wait3A_62 = tpu.memref_slice %arg12[%mul3A_0, %dma_wait3A] : memref<10240x64xf32, #tpu.memory_space<hbm>> -> memref<640x64xf32, #tpu.memory_space<hbm>>
        %dma_wait3A_63 = arith.constant 0 : i32
        %dma_wait3A_64 = tpu.memref_slice %arg20[%mul3A_0, %dma_wait3A_63] : memref<10240x64xf32, #tpu.memory_space<vmem_shared>> -> memref<640x64xf32, #tpu.memory_space<vmem_shared>>
        tpu.wait_dma2 semaphore(%run_scoped3A_58 : memref<!tpu.dma_semaphore, #tpu.memory_space<semaphore_mem>>) src(%dma_wait3A_64 : memref<640x64xf32, #tpu.memory_space<vmem_shared>>) dst(%dma_wait3A_62 : memref<640x64xf32, #tpu.memory_space<hbm>>)
        tpu.yield
      }) : () -> ()
      %scan3A_31 = arith.constant 0 : i32
      %scan3A_32 = arith.constant 128 : i32
      %scan3A_33 = arith.addi %scan3A_31, %scan3A_32 : i32
      %scan3A_34 = arith.constant 1 : i32
      scf.for %scan3A_58 = %scan3A_31 to %scan3A_33 step %scan3A_34  : i32 {
        %mul3A_59 = arith.constant 1 : i32
        %mul3A_60 = arith.muli %scan3A_58, %mul3A_59 : i32
        %add3A_61 = arith.constant 0 : i32
        %add3A_62 = arith.addi %add3A_61, %mul3A_60 : i32
        %broadcast_in_dim3A = arith.constant 0.000000e+00 : f32
        %broadcast_in_dim3A_63 = vector.broadcast %broadcast_in_dim3A : f32 to vector<16xf32>
        %swap3A = arith.constant 0 : i32
        %swap3A_64 = arith.index_cast %swap3A : i32 to index
        %swap3A_65 = arith.index_cast %add3A_62 : i32 to index
        %swap3A_66 = arith.constant 0 : index
        %swap3A_67 = tpu.vector_load %arg16[%swap3A_64, %swap3A_65, %swap3A_66] {strides = array<i32>} : memref<2x128x64xf32, #tpu.memory_space<vmem>>, vector<1x1x16xf32>,
        %swap3A_68 = vector.shape_cast %swap3A_67 : vector<1x1x16xf32> to vector<16xf32>
        %swap3A_69 = vector.shape_cast %broadcast_in_dim3A_63 : vector<16xf32> to vector<1x1x16xf32>
        tpu.vector_store %arg16[%swap3A_64, %swap3A_65, %swap3A_66], %swap3A_69 {strides = array<i32>} : memref<2x128x64xf32, #tpu.memory_space<vmem>>, vector<1x1x16xf32>,
        %broadcast_in_dim3A_70 = arith.constant 0.000000e+00 : f32
        %broadcast_in_dim3A_71 = vector.broadcast %broadcast_in_dim3A_70 : f32 to vector<16xf32>
        %swap3A_72 = arith.constant 0 : i32
        %swap3A_73 = arith.index_cast %swap3A_72 : i32 to index
        %swap3A_74 = arith.index_cast %add3A_62 : i32 to index
        %swap3A_75 = arith.constant 16 : index
        %swap3A_76 = tpu.vector_load %arg16[%swap3A_73, %swap3A_74, %swap3A_75] {strides = array<i32>} : memref<2x128x64xf32, #tpu.memory_space<vmem>>, vector<1x1x16xf32>,
        %swap3A_77 = vector.shape_cast %swap3A_76 : vector<1x1x16xf32> to vector<16xf32>
        %swap3A_78 = vector.shape_cast %broadcast_in_dim3A_71 : vector<16xf32> to vector<1x1x16xf32>
        tpu.vector_store %arg16[%swap3A_73, %swap3A_74, %swap3A_75], %swap3A_78 {strides = array<i32>} : memref<2x128x64xf32, #tpu.memory_space<vmem>>, vector<1x1x16xf32>,
        %broadcast_in_dim3A_79 = arith.constant 0.000000e+00 : f32
        %broadcast_in_dim3A_80 = vector.broadcast %broadcast_in_dim3A_79 : f32 to vector<16xf32>
        %swap3A_81 = arith.constant 0 : i32
        %swap3A_82 = arith.index_cast %swap3A_81 : i32 to index
        %swap3A_83 = arith.index_cast %add3A_62 : i32 to index
        %swap3A_84 = arith.constant 32 : index
        %swap3A_85 = tpu.vector_load %arg16[%swap3A_82, %swap3A_83, %swap3A_84] {strides = array<i32>} : memref<2x128x64xf32, #tpu.memory_space<vmem>>, vector<1x1x16xf32>,
        %swap3A_86 = vector.shape_cast %swap3A_85 : vector<1x1x16xf32> to vector<16xf32>
        %swap3A_87 = vector.shape_cast %broadcast_in_dim3A_80 : vector<16xf32> to vector<1x1x16xf32>
        tpu.vector_store %arg16[%swap3A_82, %swap3A_83, %swap3A_84], %swap3A_87 {strides = array<i32>} : memref<2x128x64xf32, #tpu.memory_space<vmem>>, vector<1x1x16xf32>,
        %broadcast_in_dim3A_88 = arith.constant 0.000000e+00 : f32
        %broadcast_in_dim3A_89 = vector.broadcast %broadcast_in_dim3A_88 : f32 to vector<16xf32>
        %swap3A_90 = arith.constant 0 : i32
        %swap3A_91 = arith.index_cast %swap3A_90 : i32 to index
        %swap3A_92 = arith.index_cast %add3A_62 : i32 to index
        %swap3A_93 = arith.constant 48 : index
        %swap3A_94 = tpu.vector_load %arg16[%swap3A_91, %swap3A_92, %swap3A_93] {strides = array<i32>} : memref<2x128x64xf32, #tpu.memory_space<vmem>>, vector<1x1x16xf32>,
        %swap3A_95 = vector.shape_cast %swap3A_94 : vector<1x1x16xf32> to vector<16xf32>
        %swap3A_96 = vector.shape_cast %broadcast_in_dim3A_89 : vector<16xf32> to vector<1x1x16xf32>
        tpu.vector_store %arg16[%swap3A_91, %swap3A_92, %swap3A_93], %swap3A_96 {strides = array<i32>} : memref<2x128x64xf32, #tpu.memory_space<vmem>>, vector<1x1x16xf32>,
      }
      %scan3A_35 = arith.constant 128 : i32
      %add3A_36 = arith.constant 0 : i32
      %add3A_37 = arith.addi %mul3A_0, %add3A_36 : i32
      %run_scoped3A_38 = arith.constant 0 : i32
      "tpu.region"() ({
        %run_scoped3A_58 = tpu.sem_alloc : memref<!tpu.dma_semaphore, #tpu.memory_space<semaphore_mem>>
        %dma_start3A = arith.constant 0 : i32
        %dma_start3A_59 = arith.constant 0 : i32
        %dma_start3A_60 = tpu.memref_slice %arg16[%run_scoped3A_38, %dma_start3A, %dma_start3A_59] : memref<2x128x64xf32, #tpu.memory_space<vmem>> -> memref<1x128x64xf32, #tpu.memory_space<vmem>>
        %dma_start3A_61 = tpu.memref_squeeze %dma_start3A_60 : memref<1x128x64xf32, #tpu.memory_space<vmem>> -> memref<128x64xf32, #tpu.memory_space<vmem>>
        %dma_start3A_62 = arith.constant 0 : i32
        %dma_start3A_63 = tpu.memref_slice %arg20[%add3A_37, %dma_start3A_62] : memref<10240x64xf32, #tpu.memory_space<vmem_shared>> -> memref<128x64xf32, #tpu.memory_space<vmem_shared>>
        %dma_start3A_64 = arith.constant 0 : i32
        %dma_start3A_65 = tpu.memref_slice %arg20[%add3A_37, %dma_start3A_64] : memref<10240x64xf32, #tpu.memory_space<vmem_shared>> -> memref<128x64xf32, #tpu.memory_space<vmem_shared>>
        %dma_start3A_66 = arith.constant 0 : i32
        %dma_start3A_67 = arith.constant 0 : i32
        %dma_start3A_68 = tpu.memref_slice %arg16[%run_scoped3A_38, %dma_start3A_66, %dma_start3A_67] : memref<2x128x64xf32, #tpu.memory_space<vmem>> -> memref<1x128x64xf32, #tpu.memory_space<vmem>>
        %dma_start3A_69 = tpu.memref_squeeze %dma_start3A_68 : memref<1x128x64xf32, #tpu.memory_space<vmem>> -> memref<128x64xf32, #tpu.memory_space<vmem>>
        tpu.enqueue_dma source(%dma_start3A_69 : memref<128x64xf32, #tpu.memory_space<vmem>>) target(%dma_start3A_65 : memref<128x64xf32, #tpu.memory_space<vmem_shared>>) target_semaphore(%run_scoped3A_58 : memref<!tpu.dma_semaphore, #tpu.memory_space<semaphore_mem>>)
        %dma_wait3A = arith.constant 0 : i32
        %dma_wait3A_70 = arith.constant 0 : i32
        %dma_wait3A_71 = tpu.memref_slice %arg16[%run_scoped3A_38, %dma_wait3A, %dma_wait3A_70] : memref<2x128x64xf32, #tpu.memory_space<vmem>> -> memref<1x128x64xf32, #tpu.memory_space<vmem>>
        %dma_wait3A_72 = tpu.memref_squeeze %dma_wait3A_71 : memref<1x128x64xf32, #tpu.memory_space<vmem>> -> memref<128x64xf32, #tpu.memory_space<vmem>>
        %dma_wait3A_73 = arith.constant 0 : i32
        %dma_wait3A_74 = tpu.memref_slice %arg20[%add3A_37, %dma_wait3A_73] : memref<10240x64xf32, #tpu.memory_space<vmem_shared>> -> memref<128x64xf32, #tpu.memory_space<vmem_shared>>
        %dma_wait3A_75 = arith.constant 0 : i32
        %dma_wait3A_76 = tpu.memref_slice %arg20[%add3A_37, %dma_wait3A_75] : memref<10240x64xf32, #tpu.memory_space<vmem_shared>> -> memref<128x64xf32, #tpu.memory_space<vmem_shared>>
        %dma_wait3A_77 = arith.constant 0 : i32
        %dma_wait3A_78 = arith.constant 0 : i32
        %dma_wait3A_79 = tpu.memref_slice %arg16[%run_scoped3A_38, %dma_wait3A_77, %dma_wait3A_78] : memref<2x128x64xf32, #tpu.memory_space<vmem>> -> memref<1x128x64xf32, #tpu.memory_space<vmem>>
        %dma_wait3A_80 = tpu.memref_squeeze %dma_wait3A_79 : memref<1x128x64xf32, #tpu.memory_space<vmem>> -> memref<128x64xf32, #tpu.memory_space<vmem>>
        tpu.wait_dma2 semaphore(%run_scoped3A_58 : memref<!tpu.dma_semaphore, #tpu.memory_space<semaphore_mem>>) src(%dma_wait3A_80 : memref<128x64xf32, #tpu.memory_space<vmem>>) dst(%dma_wait3A_76 : memref<128x64xf32, #tpu.memory_space<vmem_shared>>)
        tpu.yield
      }) : () -> ()
      %add3A_39 = arith.constant 128 : i32
      %add3A_40 = arith.addi %mul3A_0, %add3A_39 : i32
      %run_scoped3A_41 = arith.constant 0 : i32
      "tpu.region"() ({
        %run_scoped3A_58 = tpu.sem_alloc : memref<!tpu.dma_semaphore, #tpu.memory_space<semaphore_mem>>
        %dma_start3A = arith.constant 0 : i32
        %dma_start3A_59 = arith.constant 0 : i32
        %dma_start3A_60 = tpu.memref_slice %arg16[%run_scoped3A_41, %dma_start3A, %dma_start3A_59] : memref<2x128x64xf32, #tpu.memory_space<vmem>> -> memref<1x128x64xf32, #tpu.memory_space<vmem>>
        %dma_start3A_61 = tpu.memref_squeeze %dma_start3A_60 : memref<1x128x64xf32, #tpu.memory_space<vmem>> -> memref<128x64xf32, #tpu.memory_space<vmem>>
        %dma_start3A_62 = arith.constant 0 : i32
        %dma_start3A_63 = tpu.memref_slice %arg20[%add3A_40, %dma_start3A_62] : memref<10240x64xf32, #tpu.memory_space<vmem_shared>> -> memref<128x64xf32, #tpu.memory_space<vmem_shared>>
        %dma_start3A_64 = arith.constant 0 : i32
        %dma_start3A_65 = tpu.memref_slice %arg20[%add3A_40, %dma_start3A_64] : memref<10240x64xf32, #tpu.memory_space<vmem_shared>> -> memref<128x64xf32, #tpu.memory_space<vmem_shared>>
        %dma_start3A_66 = arith.constant 0 : i32
        %dma_start3A_67 = arith.constant 0 : i32
        %dma_start3A_68 = tpu.memref_slice %arg16[%run_scoped3A_41, %dma_start3A_66, %dma_start3A_67] : memref<2x128x64xf32, #tpu.memory_space<vmem>> -> memref<1x128x64xf32, #tpu.memory_space<vmem>>
        %dma_start3A_69 = tpu.memref_squeeze %dma_start3A_68 : memref<1x128x64xf32, #tpu.memory_space<vmem>> -> memref<128x64xf32, #tpu.memory_space<vmem>>
        tpu.enqueue_dma source(%dma_start3A_69 : memref<128x64xf32, #tpu.memory_space<vmem>>) target(%dma_start3A_65 : memref<128x64xf32, #tpu.memory_space<vmem_shared>>) target_semaphore(%run_scoped3A_58 : memref<!tpu.dma_semaphore, #tpu.memory_space<semaphore_mem>>)
        %dma_wait3A = arith.constant 0 : i32
        %dma_wait3A_70 = arith.constant 0 : i32
        %dma_wait3A_71 = tpu.memref_slice %arg16[%run_scoped3A_41, %dma_wait3A, %dma_wait3A_70] : memref<2x128x64xf32, #tpu.memory_space<vmem>> -> memref<1x128x64xf32, #tpu.memory_space<vmem>>
        %dma_wait3A_72 = tpu.memref_squeeze %dma_wait3A_71 : memref<1x128x64xf32, #tpu.memory_space<vmem>> -> memref<128x64xf32, #tpu.memory_space<vmem>>
        %dma_wait3A_73 = arith.constant 0 : i32
        %dma_wait3A_74 = tpu.memref_slice %arg20[%add3A_40, %dma_wait3A_73] : memref<10240x64xf32, #tpu.memory_space<vmem_shared>> -> memref<128x64xf32, #tpu.memory_space<vmem_shared>>
        %dma_wait3A_75 = arith.constant 0 : i32
        %dma_wait3A_76 = tpu.memref_slice %arg20[%add3A_40, %dma_wait3A_75] : memref<10240x64xf32, #tpu.memory_space<vmem_shared>> -> memref<128x64xf32, #tpu.memory_space<vmem_shared>>
        %dma_wait3A_77 = arith.constant 0 : i32
        %dma_wait3A_78 = arith.constant 0 : i32
        %dma_wait3A_79 = tpu.memref_slice %arg16[%run_scoped3A_41, %dma_wait3A_77, %dma_wait3A_78] : memref<2x128x64xf32, #tpu.memory_space<vmem>> -> memref<1x128x64xf32, #tpu.memory_space<vmem>>
        %dma_wait3A_80 = tpu.memref_squeeze %dma_wait3A_79 : memref<1x128x64xf32, #tpu.memory_space<vmem>> -> memref<128x64xf32, #tpu.memory_space<vmem>>
        tpu.wait_dma2 semaphore(%run_scoped3A_58 : memref<!tpu.dma_semaphore, #tpu.memory_space<semaphore_mem>>) src(%dma_wait3A_80 : memref<128x64xf32, #tpu.memory_space<vmem>>) dst(%dma_wait3A_76 : memref<128x64xf32, #tpu.memory_space<vmem_shared>>)
        tpu.yield
      }) : () -> ()
      %add3A_42 = arith.constant 256 : i32
      %add3A_43 = arith.addi %mul3A_0, %add3A_42 : i32
      %run_scoped3A_44 = arith.constant 0 : i32
      "tpu.region"() ({
        %run_scoped3A_58 = tpu.sem_alloc : memref<!tpu.dma_semaphore, #tpu.memory_space<semaphore_mem>>
        %dma_start3A = arith.constant 0 : i32
        %dma_start3A_59 = arith.constant 0 : i32
        %dma_start3A_60 = tpu.memref_slice %arg16[%run_scoped3A_44, %dma_start3A, %dma_start3A_59] : memref<2x128x64xf32, #tpu.memory_space<vmem>> -> memref<1x128x64xf32, #tpu.memory_space<vmem>>
        %dma_start3A_61 = tpu.memref_squeeze %dma_start3A_60 : memref<1x128x64xf32, #tpu.memory_space<vmem>> -> memref<128x64xf32, #tpu.memory_space<vmem>>
        %dma_start3A_62 = arith.constant 0 : i32
        %dma_start3A_63 = tpu.memref_slice %arg20[%add3A_43, %dma_start3A_62] : memref<10240x64xf32, #tpu.memory_space<vmem_shared>> -> memref<128x64xf32, #tpu.memory_space<vmem_shared>>
        %dma_start3A_64 = arith.constant 0 : i32
        %dma_start3A_65 = tpu.memref_slice %arg20[%add3A_43, %dma_start3A_64] : memref<10240x64xf32, #tpu.memory_space<vmem_shared>> -> memref<128x64xf32, #tpu.memory_space<vmem_shared>>
        %dma_start3A_66 = arith.constant 0 : i32
        %dma_start3A_67 = arith.constant 0 : i32
        %dma_start3A_68 = tpu.memref_slice %arg16[%run_scoped3A_44, %dma_start3A_66, %dma_start3A_67] : memref<2x128x64xf32, #tpu.memory_space<vmem>> -> memref<1x128x64xf32, #tpu.memory_space<vmem>>
        %dma_start3A_69 = tpu.memref_squeeze %dma_start3A_68 : memref<1x128x64xf32, #tpu.memory_space<vmem>> -> memref<128x64xf32, #tpu.memory_space<vmem>>
        tpu.enqueue_dma source(%dma_start3A_69 : memref<128x64xf32, #tpu.memory_space<vmem>>) target(%dma_start3A_65 : memref<128x64xf32, #tpu.memory_space<vmem_shared>>) target_semaphore(%run_scoped3A_58 : memref<!tpu.dma_semaphore, #tpu.memory_space<semaphore_mem>>)
        %dma_wait3A = arith.constant 0 : i32
        %dma_wait3A_70 = arith.constant 0 : i32
        %dma_wait3A_71 = tpu.memref_slice %arg16[%run_scoped3A_44, %dma_wait3A, %dma_wait3A_70] : memref<2x128x64xf32, #tpu.memory_space<vmem>> -> memref<1x128x64xf32, #tpu.memory_space<vmem>>
        %dma_wait3A_72 = tpu.memref_squeeze %dma_wait3A_71 : memref<1x128x64xf32, #tpu.memory_space<vmem>> -> memref<128x64xf32, #tpu.memory_space<vmem>>
        %dma_wait3A_73 = arith.constant 0 : i32
        %dma_wait3A_74 = tpu.memref_slice %arg20[%add3A_43, %dma_wait3A_73] : memref<10240x64xf32, #tpu.memory_space<vmem_shared>> -> memref<128x64xf32, #tpu.memory_space<vmem_shared>>
        %dma_wait3A_75 = arith.constant 0 : i32
        %dma_wait3A_76 = tpu.memref_slice %arg20[%add3A_43, %dma_wait3A_75] : memref<10240x64xf32, #tpu.memory_space<vmem_shared>> -> memref<128x64xf32, #tpu.memory_space<vmem_shared>>
        %dma_wait3A_77 = arith.constant 0 : i32
        %dma_wait3A_78 = arith.constant 0 : i32
        %dma_wait3A_79 = tpu.memref_slice %arg16[%run_scoped3A_44, %dma_wait3A_77, %dma_wait3A_78] : memref<2x128x64xf32, #tpu.memory_space<vmem>> -> memref<1x128x64xf32, #tpu.memory_space<vmem>>
        %dma_wait3A_80 = tpu.memref_squeeze %dma_wait3A_79 : memref<1x128x64xf32, #tpu.memory_space<vmem>> -> memref<128x64xf32, #tpu.memory_space<vmem>>
        tpu.wait_dma2 semaphore(%run_scoped3A_58 : memref<!tpu.dma_semaphore, #tpu.memory_space<semaphore_mem>>) src(%dma_wait3A_80 : memref<128x64xf32, #tpu.memory_space<vmem>>) dst(%dma_wait3A_76 : memref<128x64xf32, #tpu.memory_space<vmem_shared>>)
        tpu.yield
      }) : () -> ()
      %add3A_45 = arith.constant 384 : i32
      %add3A_46 = arith.addi %mul3A_0, %add3A_45 : i32
      %run_scoped3A_47 = arith.constant 0 : i32
      "tpu.region"() ({
        %run_scoped3A_58 = tpu.sem_alloc : memref<!tpu.dma_semaphore, #tpu.memory_space<semaphore_mem>>
        %dma_start3A = arith.constant 0 : i32
        %dma_start3A_59 = arith.constant 0 : i32
        %dma_start3A_60 = tpu.memref_slice %arg16[%run_scoped3A_47, %dma_start3A, %dma_start3A_59] : memref<2x128x64xf32, #tpu.memory_space<vmem>> -> memref<1x128x64xf32, #tpu.memory_space<vmem>>
        %dma_start3A_61 = tpu.memref_squeeze %dma_start3A_60 : memref<1x128x64xf32, #tpu.memory_space<vmem>> -> memref<128x64xf32, #tpu.memory_space<vmem>>
        %dma_start3A_62 = arith.constant 0 : i32
        %dma_start3A_63 = tpu.memref_slice %arg20[%add3A_46, %dma_start3A_62] : memref<10240x64xf32, #tpu.memory_space<vmem_shared>> -> memref<128x64xf32, #tpu.memory_space<vmem_shared>>
        %dma_start3A_64 = arith.constant 0 : i32
        %dma_start3A_65 = tpu.memref_slice %arg20[%add3A_46, %dma_start3A_64] : memref<10240x64xf32, #tpu.memory_space<vmem_shared>> -> memref<128x64xf32, #tpu.memory_space<vmem_shared>>
        %dma_start3A_66 = arith.constant 0 : i32
        %dma_start3A_67 = arith.constant 0 : i32
        %dma_start3A_68 = tpu.memref_slice %arg16[%run_scoped3A_47, %dma_start3A_66, %dma_start3A_67] : memref<2x128x64xf32, #tpu.memory_space<vmem>> -> memref<1x128x64xf32, #tpu.memory_space<vmem>>
        %dma_start3A_69 = tpu.memref_squeeze %dma_start3A_68 : memref<1x128x64xf32, #tpu.memory_space<vmem>> -> memref<128x64xf32, #tpu.memory_space<vmem>>
        tpu.enqueue_dma source(%dma_start3A_69 : memref<128x64xf32, #tpu.memory_space<vmem>>) target(%dma_start3A_65 : memref<128x64xf32, #tpu.memory_space<vmem_shared>>) target_semaphore(%run_scoped3A_58 : memref<!tpu.dma_semaphore, #tpu.memory_space<semaphore_mem>>)
        %dma_wait3A = arith.constant 0 : i32
        %dma_wait3A_70 = arith.constant 0 : i32
        %dma_wait3A_71 = tpu.memref_slice %arg16[%run_scoped3A_47, %dma_wait3A, %dma_wait3A_70] : memref<2x128x64xf32, #tpu.memory_space<vmem>> -> memref<1x128x64xf32, #tpu.memory_space<vmem>>
        %dma_wait3A_72 = tpu.memref_squeeze %dma_wait3A_71 : memref<1x128x64xf32, #tpu.memory_space<vmem>> -> memref<128x64xf32, #tpu.memory_space<vmem>>
        %dma_wait3A_73 = arith.constant 0 : i32
        %dma_wait3A_74 = tpu.memref_slice %arg20[%add3A_46, %dma_wait3A_73] : memref<10240x64xf32, #tpu.memory_space<vmem_shared>> -> memref<128x64xf32, #tpu.memory_space<vmem_shared>>
        %dma_wait3A_75 = arith.constant 0 : i32
        %dma_wait3A_76 = tpu.memref_slice %arg20[%add3A_46, %dma_wait3A_75] : memref<10240x64xf32, #tpu.memory_space<vmem_shared>> -> memref<128x64xf32, #tpu.memory_space<vmem_shared>>
        %dma_wait3A_77 = arith.constant 0 : i32
        %dma_wait3A_78 = arith.constant 0 : i32
        %dma_wait3A_79 = tpu.memref_slice %arg16[%run_scoped3A_47, %dma_wait3A_77, %dma_wait3A_78] : memref<2x128x64xf32, #tpu.memory_space<vmem>> -> memref<1x128x64xf32, #tpu.memory_space<vmem>>
        %dma_wait3A_80 = tpu.memref_squeeze %dma_wait3A_79 : memref<1x128x64xf32, #tpu.memory_space<vmem>> -> memref<128x64xf32, #tpu.memory_space<vmem>>
        tpu.wait_dma2 semaphore(%run_scoped3A_58 : memref<!tpu.dma_semaphore, #tpu.memory_space<semaphore_mem>>) src(%dma_wait3A_80 : memref<128x64xf32, #tpu.memory_space<vmem>>) dst(%dma_wait3A_76 : memref<128x64xf32, #tpu.memory_space<vmem_shared>>)
        tpu.yield
      }) : () -> ()
      %add3A_48 = arith.constant 512 : i32
      %add3A_49 = arith.addi %mul3A_0, %add3A_48 : i32
      %run_scoped3A_50 = arith.constant 0 : i32
      "tpu.region"() ({
        %run_scoped3A_58 = tpu.sem_alloc : memref<!tpu.dma_semaphore, #tpu.memory_space<semaphore_mem>>
        %dma_start3A = arith.constant 0 : i32
        %dma_start3A_59 = arith.constant 0 : i32
        %dma_start3A_60 = tpu.memref_slice %arg16[%run_scoped3A_50, %dma_start3A, %dma_start3A_59] : memref<2x128x64xf32, #tpu.memory_space<vmem>> -> memref<1x128x64xf32, #tpu.memory_space<vmem>>
        %dma_start3A_61 = tpu.memref_squeeze %dma_start3A_60 : memref<1x128x64xf32, #tpu.memory_space<vmem>> -> memref<128x64xf32, #tpu.memory_space<vmem>>
        %dma_start3A_62 = arith.constant 0 : i32
        %dma_start3A_63 = tpu.memref_slice %arg20[%add3A_49, %dma_start3A_62] : memref<10240x64xf32, #tpu.memory_space<vmem_shared>> -> memref<128x64xf32, #tpu.memory_space<vmem_shared>>
        %dma_start3A_64 = arith.constant 0 : i32
        %dma_start3A_65 = tpu.memref_slice %arg20[%add3A_49, %dma_start3A_64] : memref<10240x64xf32, #tpu.memory_space<vmem_shared>> -> memref<128x64xf32, #tpu.memory_space<vmem_shared>>
        %dma_start3A_66 = arith.constant 0 : i32
        %dma_start3A_67 = arith.constant 0 : i32
        %dma_start3A_68 = tpu.memref_slice %arg16[%run_scoped3A_50, %dma_start3A_66, %dma_start3A_67] : memref<2x128x64xf32, #tpu.memory_space<vmem>> -> memref<1x128x64xf32, #tpu.memory_space<vmem>>
        %dma_start3A_69 = tpu.memref_squeeze %dma_start3A_68 : memref<1x128x64xf32, #tpu.memory_space<vmem>> -> memref<128x64xf32, #tpu.memory_space<vmem>>
        tpu.enqueue_dma source(%dma_start3A_69 : memref<128x64xf32, #tpu.memory_space<vmem>>) target(%dma_start3A_65 : memref<128x64xf32, #tpu.memory_space<vmem_shared>>) target_semaphore(%run_scoped3A_58 : memref<!tpu.dma_semaphore, #tpu.memory_space<semaphore_mem>>)
        %dma_wait3A = arith.constant 0 : i32
        %dma_wait3A_70 = arith.constant 0 : i32
        %dma_wait3A_71 = tpu.memref_slice %arg16[%run_scoped3A_50, %dma_wait3A, %dma_wait3A_70] : memref<2x128x64xf32, #tpu.memory_space<vmem>> -> memref<1x128x64xf32, #tpu.memory_space<vmem>>
        %dma_wait3A_72 = tpu.memref_squeeze %dma_wait3A_71 : memref<1x128x64xf32, #tpu.memory_space<vmem>> -> memref<128x64xf32, #tpu.memory_space<vmem>>
        %dma_wait3A_73 = arith.constant 0 : i32
        %dma_wait3A_74 = tpu.memref_slice %arg20[%add3A_49, %dma_wait3A_73] : memref<10240x64xf32, #tpu.memory_space<vmem_shared>> -> memref<128x64xf32, #tpu.memory_space<vmem_shared>>
        %dma_wait3A_75 = arith.constant 0 : i32
        %dma_wait3A_76 = tpu.memref_slice %arg20[%add3A_49, %dma_wait3A_75] : memref<10240x64xf32, #tpu.memory_space<vmem_shared>> -> memref<128x64xf32, #tpu.memory_space<vmem_shared>>
        %dma_wait3A_77 = arith.constant 0 : i32
        %dma_wait3A_78 = arith.constant 0 : i32
        %dma_wait3A_79 = tpu.memref_slice %arg16[%run_scoped3A_50, %dma_wait3A_77, %dma_wait3A_78] : memref<2x128x64xf32, #tpu.memory_space<vmem>> -> memref<1x128x64xf32, #tpu.memory_space<vmem>>
        %dma_wait3A_80 = tpu.memref_squeeze %dma_wait3A_79 : memref<1x128x64xf32, #tpu.memory_space<vmem>> -> memref<128x64xf32, #tpu.memory_space<vmem>>
        tpu.wait_dma2 semaphore(%run_scoped3A_58 : memref<!tpu.dma_semaphore, #tpu.memory_space<semaphore_mem>>) src(%dma_wait3A_80 : memref<128x64xf32, #tpu.memory_space<vmem>>) dst(%dma_wait3A_76 : memref<128x64xf32, #tpu.memory_space<vmem_shared>>)
        tpu.yield
      }) : () -> ()
      %barrier3A_51 = arith.constant 0 : index
      tpu.barrier barrier_id(%barrier3A_51)
      %scan3A_52 = arith.constant 0 : i32
      %scan3A_53 = arith.constant 157 : i32
      %scan3A_54 = arith.addi %scan3A_52, %scan3A_53 : i32
      %scan3A_55 = arith.constant 1 : i32
      scf.for %scan3A_58 = %scan3A_52 to %scan3A_54 step %scan3A_55  : i32 {
        %mul3A_59 = arith.constant 1 : i32
        %mul3A_60 = arith.muli %scan3A_58, %mul3A_59 : i32
        %add3A_61 = arith.constant 0 : i32
        %add3A_62 = arith.addi %add3A_61, %mul3A_60 : i32
        %mul3A_63 = arith.constant 20096 : i32
        %mul3A_64 = arith.muli %arg1, %mul3A_63 : i32
        %mul3A_65 = arith.constant 128 : i32
        %mul3A_66 = arith.muli %add3A_62, %mul3A_65 : i32
        %add3A_67 = arith.addi %mul3A_64, %mul3A_66 : i32
        %run_scoped3A_68 = arith.constant 0 : i32
        "tpu.region"() ({
          %run_scoped3A_123 = tpu.sem_alloc : memref<!tpu.dma_semaphore, #tpu.memory_space<semaphore_mem>>
          %dma_start3A_124 = arith.constant 0 : i32
          %dma_start3A_125 = tpu.memref_slice %arg18[%run_scoped3A_68, %dma_start3A_124] : memref<2x128xi32, #tpu.memory_space<vmem>> -> memref<1x128xi32, #tpu.memory_space<vmem>>
          %dma_start3A_126 = tpu.memref_squeeze %dma_start3A_125 : memref<1x128xi32, #tpu.memory_space<vmem>> -> memref<128xi32, #tpu.memory_space<vmem>>
          %dma_start3A_127 = tpu.memref_slice %arg11[%add3A_67] : memref<321536xi32, #tpu.memory_space<hbm>> -> memref<128xi32, #tpu.memory_space<hbm>>
          %dma_start3A_128 = arith.constant 0 : i32
          %dma_start3A_129 = tpu.memref_slice %arg18[%run_scoped3A_68, %dma_start3A_128] : memref<2x128xi32, #tpu.memory_space<vmem>> -> memref<1x128xi32, #tpu.memory_space<vmem>>
          %dma_start3A_130 = tpu.memref_squeeze %dma_start3A_129 : memref<1x128xi32, #tpu.memory_space<vmem>> -> memref<128xi32, #tpu.memory_space<vmem>>
          %dma_start3A_131 = tpu.memref_slice %arg11[%add3A_67] : memref<321536xi32, #tpu.memory_space<hbm>> -> memref<128xi32, #tpu.memory_space<hbm>>
          tpu.enqueue_dma source(%dma_start3A_131 : memref<128xi32, #tpu.memory_space<hbm>>) target(%dma_start3A_130 : memref<128xi32, #tpu.memory_space<vmem>>) target_semaphore(%run_scoped3A_123 : memref<!tpu.dma_semaphore, #tpu.memory_space<semaphore_mem>>)
          %dma_wait3A_132 = arith.constant 0 : i32
          %dma_wait3A_133 = tpu.memref_slice %arg18[%run_scoped3A_68, %dma_wait3A_132] : memref<2x128xi32, #tpu.memory_space<vmem>> -> memref<1x128xi32, #tpu.memory_space<vmem>>
          %dma_wait3A_134 = tpu.memref_squeeze %dma_wait3A_133 : memref<1x128xi32, #tpu.memory_space<vmem>> -> memref<128xi32, #tpu.memory_space<vmem>>
          %dma_wait3A_135 = tpu.memref_slice %arg11[%add3A_67] : memref<321536xi32, #tpu.memory_space<hbm>> -> memref<128xi32, #tpu.memory_space<hbm>>
          %dma_wait3A_136 = arith.constant 0 : i32
          %dma_wait3A_137 = tpu.memref_slice %arg18[%run_scoped3A_68, %dma_wait3A_136] : memref<2x128xi32, #tpu.memory_space<vmem>> -> memref<1x128xi32, #tpu.memory_space<vmem>>
          %dma_wait3A_138 = tpu.memref_squeeze %dma_wait3A_137 : memref<1x128xi32, #tpu.memory_space<vmem>> -> memref<128xi32, #tpu.memory_space<vmem>>
          %dma_wait3A_139 = tpu.memref_slice %arg11[%add3A_67] : memref<321536xi32, #tpu.memory_space<hbm>> -> memref<128xi32, #tpu.memory_space<hbm>>
          tpu.wait_dma2 semaphore(%run_scoped3A_123 : memref<!tpu.dma_semaphore, #tpu.memory_space<semaphore_mem>>) src(%dma_wait3A_139 : memref<128xi32, #tpu.memory_space<hbm>>) dst(%dma_wait3A_138 : memref<128xi32, #tpu.memory_space<vmem>>)
          tpu.yield
        }) : () -> ()
        %run_scoped3A_69 = arith.constant 0 : i32
        "tpu.region"() ({
          %run_scoped3A_123 = tpu.sem_alloc : memref<!tpu.dma_semaphore, #tpu.memory_space<semaphore_mem>>
          %dma_start3A_124 = arith.constant 0 : i32
          %dma_start3A_125 = tpu.memref_slice %arg19[%run_scoped3A_69, %dma_start3A_124] : memref<2x128xi32, #tpu.memory_space<vmem>> -> memref<1x128xi32, #tpu.memory_space<vmem>>
          %dma_start3A_126 = tpu.memref_squeeze %dma_start3A_125 : memref<1x128xi32, #tpu.memory_space<vmem>> -> memref<128xi32, #tpu.memory_space<vmem>>
          %dma_start3A_127 = tpu.memref_slice %arg10[%add3A_67] : memref<321536xi32, #tpu.memory_space<hbm>> -> memref<128xi32, #tpu.memory_space<hbm>>
          %dma_start3A_128 = arith.constant 0 : i32
          %dma_start3A_129 = tpu.memref_slice %arg19[%run_scoped3A_69, %dma_start3A_128] : memref<2x128xi32, #tpu.memory_space<vmem>> -> memref<1x128xi32, #tpu.memory_space<vmem>>
          %dma_start3A_130 = tpu.memref_squeeze %dma_start3A_129 : memref<1x128xi32, #tpu.memory_space<vmem>> -> memref<128xi32, #tpu.memory_space<vmem>>
          %dma_start3A_131 = tpu.memref_slice %arg10[%add3A_67] : memref<321536xi32, #tpu.memory_space<hbm>> -> memref<128xi32, #tpu.memory_space<hbm>>
          tpu.enqueue_dma source(%dma_start3A_131 : memref<128xi32, #tpu.memory_space<hbm>>) target(%dma_start3A_130 : memref<128xi32, #tpu.memory_space<vmem>>) target_semaphore(%run_scoped3A_123 : memref<!tpu.dma_semaphore, #tpu.memory_space<semaphore_mem>>)
          %dma_wait3A_132 = arith.constant 0 : i32
          %dma_wait3A_133 = tpu.memref_slice %arg19[%run_scoped3A_69, %dma_wait3A_132] : memref<2x128xi32, #tpu.memory_space<vmem>> -> memref<1x128xi32, #tpu.memory_space<vmem>>
          %dma_wait3A_134 = tpu.memref_squeeze %dma_wait3A_133 : memref<1x128xi32, #tpu.memory_space<vmem>> -> memref<128xi32, #tpu.memory_space<vmem>>
          %dma_wait3A_135 = tpu.memref_slice %arg10[%add3A_67] : memref<321536xi32, #tpu.memory_space<hbm>> -> memref<128xi32, #tpu.memory_space<hbm>>
          %dma_wait3A_136 = arith.constant 0 : i32
          %dma_wait3A_137 = tpu.memref_slice %arg19[%run_scoped3A_69, %dma_wait3A_136] : memref<2x128xi32, #tpu.memory_space<vmem>> -> memref<1x128xi32, #tpu.memory_space<vmem>>
          %dma_wait3A_138 = tpu.memref_squeeze %dma_wait3A_137 : memref<1x128xi32, #tpu.memory_space<vmem>> -> memref<128xi32, #tpu.memory_space<vmem>>
          %dma_wait3A_139 = tpu.memref_slice %arg10[%add3A_67] : memref<321536xi32, #tpu.memory_space<hbm>> -> memref<128xi32, #tpu.memory_space<hbm>>
          tpu.wait_dma2 semaphore(%run_scoped3A_123 : memref<!tpu.dma_semaphore, #tpu.memory_space<semaphore_mem>>) src(%dma_wait3A_139 : memref<128xi32, #tpu.memory_space<hbm>>) dst(%dma_wait3A_138 : memref<128xi32, #tpu.memory_space<vmem>>)
          tpu.yield
        }) : () -> ()
        %dma_start3A = arith.constant 0 : i32
        %dma_start3A_70 = arith.constant 0 : i32
        %dma_start3A_71 = arith.constant 0 : i32
        %dma_start3A_72 = arith.constant 0 : i32
        %dma_start3A_73 = tpu.memref_slice %arg16[%dma_start3A_70, %dma_start3A_71, %dma_start3A_72] : memref<2x128x64xf32, #tpu.memory_space<vmem>> -> memref<1x128x64xf32, #tpu.memory_space<vmem>>
        %dma_start3A_74 = tpu.memref_squeeze %dma_start3A_73 : memref<1x128x64xf32, #tpu.memory_space<vmem>> -> memref<128x64xf32, #tpu.memory_space<vmem>>
        %dma_start3A_75 = arith.constant 0 : i32
        %dma_start3A_76 = tpu.memref_slice %arg18[%dma_start3A, %dma_start3A_75] : memref<2x128xi32, #tpu.memory_space<vmem>> -> memref<1x128xi32, #tpu.memory_space<vmem>>
        %dma_start3A_77 = tpu.memref_squeeze %dma_start3A_76 : memref<1x128xi32, #tpu.memory_space<vmem>> -> memref<128xi32, #tpu.memory_space<vmem>>
        %dma_start3A_78 = arith.constant 0 : i32
        %dma_start3A_79 = arith.constant 0 : i32
        %dma_start3A_80 = tpu.memref_slice %arg6[%dma_start3A_78, %dma_start3A_79] : memref<10240x64xf32, #tpu.memory_space<hbm>> -> memref<10240x64xf32, #tpu.memory_space<hbm>>
        tpu.enqueue_indirect_dma source(%dma_start3A_80 : memref<10240x64xf32, #tpu.memory_space<hbm>>) target(%dma_start3A_74 : memref<128x64xf32, #tpu.memory_space<vmem>>) offsets(%dma_start3A_77 : memref<128xi32, #tpu.memory_space<vmem>>) semaphore(%arg21 : memref<!tpu.dma_semaphore, #tpu.memory_space<semaphore_mem>>)
        %dma_wait3A = arith.constant 0 : i32
        %dma_wait3A_81 = arith.constant 0 : i32
        %dma_wait3A_82 = arith.constant 0 : i32
        %dma_wait3A_83 = arith.constant 0 : i32
        %dma_wait3A_84 = tpu.memref_slice %arg16[%dma_wait3A_81, %dma_wait3A_82, %dma_wait3A_83] : memref<2x128x64xf32, #tpu.memory_space<vmem>> -> memref<1x128x64xf32, #tpu.memory_space<vmem>>
        %dma_wait3A_85 = tpu.memref_squeeze %dma_wait3A_84 : memref<1x128x64xf32, #tpu.memory_space<vmem>> -> memref<128x64xf32, #tpu.memory_space<vmem>>
        %dma_wait3A_86 = arith.constant 0 : i32
        %dma_wait3A_87 = tpu.memref_slice %arg18[%dma_wait3A, %dma_wait3A_86] : memref<2x128xi32, #tpu.memory_space<vmem>> -> memref<1x128xi32, #tpu.memory_space<vmem>>
        %dma_wait3A_88 = tpu.memref_squeeze %dma_wait3A_87 : memref<1x128xi32, #tpu.memory_space<vmem>> -> memref<128xi32, #tpu.memory_space<vmem>>
        %dma_wait3A_89 = arith.constant 0 : i32
        %dma_wait3A_90 = arith.constant 0 : i32
        %dma_wait3A_91 = tpu.memref_slice %arg6[%dma_wait3A_89, %dma_wait3A_90] : memref<10240x64xf32, #tpu.memory_space<hbm>> -> memref<10240x64xf32, #tpu.memory_space<hbm>>
        tpu.wait_indirect_dma semaphore(%arg21 : memref<!tpu.dma_semaphore, #tpu.memory_space<semaphore_mem>>) src(%dma_wait3A_91 : memref<10240x64xf32, #tpu.memory_space<hbm>>) dst(%dma_wait3A_85 : memref<128x64xf32, #tpu.memory_space<vmem>>)
        %dma_start3A_92 = arith.constant 0 : i32
        %dma_start3A_93 = arith.constant 0 : i32
        %dma_start3A_94 = arith.constant 0 : i32
        %dma_start3A_95 = arith.constant 0 : i32
        %dma_start3A_96 = tpu.memref_slice %arg17[%dma_start3A_93, %dma_start3A_94, %dma_start3A_95] : memref<2x128x64xf32, #tpu.memory_space<vmem>> -> memref<1x128x64xf32, #tpu.memory_space<vmem>>
        %dma_start3A_97 = tpu.memref_squeeze %dma_start3A_96 : memref<1x128x64xf32, #tpu.memory_space<vmem>> -> memref<128x64xf32, #tpu.memory_space<vmem>>
        %dma_start3A_98 = arith.constant 0 : i32
        %dma_start3A_99 = tpu.memref_slice %arg19[%dma_start3A_92, %dma_start3A_98] : memref<2x128xi32, #tpu.memory_space<vmem>> -> memref<1x128xi32, #tpu.memory_space<vmem>>
        %dma_start3A_100 = tpu.memref_squeeze %dma_start3A_99 : memref<1x128xi32, #tpu.memory_space<vmem>> -> memref<128xi32, #tpu.memory_space<vmem>>
        %dma_start3A_101 = arith.constant 0 : i32
        %dma_start3A_102 = arith.constant 0 : i32
        %dma_start3A_103 = tpu.memref_slice %arg8[%dma_start3A_101, %dma_start3A_102] : memref<10240x64xf32, #tpu.memory_space<hbm>> -> memref<10240x64xf32, #tpu.memory_space<hbm>>
        tpu.enqueue_indirect_dma source(%dma_start3A_103 : memref<10240x64xf32, #tpu.memory_space<hbm>>) target(%dma_start3A_97 : memref<128x64xf32, #tpu.memory_space<vmem>>) offsets(%dma_start3A_100 : memref<128xi32, #tpu.memory_space<vmem>>) semaphore(%arg22 : memref<!tpu.dma_semaphore, #tpu.memory_space<semaphore_mem>>)
        %dma_wait3A_104 = arith.constant 0 : i32
        %dma_wait3A_105 = arith.constant 0 : i32
        %dma_wait3A_106 = arith.constant 0 : i32
        %dma_wait3A_107 = arith.constant 0 : i32
        %dma_wait3A_108 = tpu.memref_slice %arg17[%dma_wait3A_105, %dma_wait3A_106, %dma_wait3A_107] : memref<2x128x64xf32, #tpu.memory_space<vmem>> -> memref<1x128x64xf32, #tpu.memory_space<vmem>>
        %dma_wait3A_109 = tpu.memref_squeeze %dma_wait3A_108 : memref<1x128x64xf32, #tpu.memory_space<vmem>> -> memref<128x64xf32, #tpu.memory_space<vmem>>
        %dma_wait3A_110 = arith.constant 0 : i32
        %dma_wait3A_111 = tpu.memref_slice %arg19[%dma_wait3A_104, %dma_wait3A_110] : memref<2x128xi32, #tpu.memory_space<vmem>> -> memref<1x128xi32, #tpu.memory_space<vmem>>
        %dma_wait3A_112 = tpu.memref_squeeze %dma_wait3A_111 : memref<1x128xi32, #tpu.memory_space<vmem>> -> memref<128xi32, #tpu.memory_space<vmem>>
        %dma_wait3A_113 = arith.constant 0 : i32
        %dma_wait3A_114 = arith.constant 0 : i32
        %dma_wait3A_115 = tpu.memref_slice %arg8[%dma_wait3A_113, %dma_wait3A_114] : memref<10240x64xf32, #tpu.memory_space<hbm>> -> memref<10240x64xf32, #tpu.memory_space<hbm>>
        tpu.wait_indirect_dma semaphore(%arg22 : memref<!tpu.dma_semaphore, #tpu.memory_space<semaphore_mem>>) src(%dma_wait3A_115 : memref<10240x64xf32, #tpu.memory_space<hbm>>) dst(%dma_wait3A_109 : memref<128x64xf32, #tpu.memory_space<vmem>>)
        %scan3A_116 = arith.constant 0 : i32
        %scan3A_117 = arith.constant 128 : i32
        %scan3A_118 = arith.addi %scan3A_116, %scan3A_117 : i32
        %scan3A_119 = arith.constant 1 : i32
        scf.for %scan3A_123 = %scan3A_116 to %scan3A_118 step %scan3A_119  : i32 {
          %mul3A_124 = arith.constant 1 : i32
          %mul3A_125 = arith.muli %scan3A_123, %mul3A_124 : i32
          %add3A_126 = arith.constant 0 : i32
          %add3A_127 = arith.addi %add3A_126, %mul3A_125 : i32
          %get3A = arith.constant 0 : i32
          %get3A_128 = arith.index_cast %get3A : i32 to index
          %get3A_129 = arith.index_cast %add3A_127 : i32 to index
          %get3A_130 = arith.constant 0 : index
          %get3A_131 = tpu.vector_load %arg16[%get3A_128, %get3A_129, %get3A_130] {strides = array<i32>} : memref<2x128x64xf32, #tpu.memory_space<vmem>>, vector<1x1x16xf32>,
          %get3A_132 = vector.shape_cast %get3A_131 : vector<1x1x16xf32> to vector<16xf32>
          %get3A_133 = arith.constant 0 : i32
          %get3A_134 = arith.index_cast %get3A_133 : i32 to index
          %get3A_135 = arith.index_cast %add3A_127 : i32 to index
          %get3A_136 = arith.constant 0 : index
          %get3A_137 = tpu.vector_load %arg17[%get3A_134, %get3A_135, %get3A_136] {strides = array<i32>} : memref<2x128x64xf32, #tpu.memory_space<vmem>>, vector<1x1x16xf32>,
          %get3A_138 = vector.shape_cast %get3A_137 : vector<1x1x16xf32> to vector<16xf32>
          %add3A_139 = arith.addf %get3A_132, %get3A_138 : vector<16xf32>
          %max3A = arith.constant 0.000000e+00 : f32
          %max3A_140 = vector.broadcast %max3A : f32 to vector<16xf32>
          %max3A_141 = arith.maximumf %add3A_139, %max3A_140 : vector<16xf32>
          %swap3A = arith.constant 0 : i32
          %swap3A_142 = arith.index_cast %swap3A : i32 to index
          %swap3A_143 = arith.index_cast %add3A_127 : i32 to index
          %swap3A_144 = arith.constant 0 : index
          %swap3A_145 = tpu.vector_load %arg16[%swap3A_142, %swap3A_143, %swap3A_144] {strides = array<i32>} : memref<2x128x64xf32, #tpu.memory_space<vmem>>, vector<1x1x16xf32>,
          %swap3A_146 = vector.shape_cast %swap3A_145 : vector<1x1x16xf32> to vector<16xf32>
          %swap3A_147 = vector.shape_cast %max3A_141 : vector<16xf32> to vector<1x1x16xf32>
          tpu.vector_store %arg16[%swap3A_142, %swap3A_143, %swap3A_144], %swap3A_147 {strides = array<i32>} : memref<2x128x64xf32, #tpu.memory_space<vmem>>, vector<1x1x16xf32>,
          %get3A_148 = arith.constant 0 : i32
          %get3A_149 = arith.index_cast %get3A_148 : i32 to index
          %get3A_150 = arith.index_cast %add3A_127 : i32 to index
          %get3A_151 = arith.constant 16 : index
          %get3A_152 = tpu.vector_load %arg16[%get3A_149, %get3A_150, %get3A_151] {strides = array<i32>} : memref<2x128x64xf32, #tpu.memory_space<vmem>>, vector<1x1x16xf32>,
          %get3A_153 = vector.shape_cast %get3A_152 : vector<1x1x16xf32> to vector<16xf32>
          %get3A_154 = arith.constant 0 : i32
          %get3A_155 = arith.index_cast %get3A_154 : i32 to index
          %get3A_156 = arith.index_cast %add3A_127 : i32 to index
          %get3A_157 = arith.constant 16 : index
          %get3A_158 = tpu.vector_load %arg17[%get3A_155, %get3A_156, %get3A_157] {strides = array<i32>} : memref<2x128x64xf32, #tpu.memory_space<vmem>>, vector<1x1x16xf32>,
          %get3A_159 = vector.shape_cast %get3A_158 : vector<1x1x16xf32> to vector<16xf32>
          %add3A_160 = arith.addf %get3A_153, %get3A_159 : vector<16xf32>
          %max3A_161 = arith.constant 0.000000e+00 : f32
          %max3A_162 = vector.broadcast %max3A_161 : f32 to vector<16xf32>
          %max3A_163 = arith.maximumf %add3A_160, %max3A_162 : vector<16xf32>
          %swap3A_164 = arith.constant 0 : i32
          %swap3A_165 = arith.index_cast %swap3A_164 : i32 to index
          %swap3A_166 = arith.index_cast %add3A_127 : i32 to index
          %swap3A_167 = arith.constant 16 : index
          %swap3A_168 = tpu.vector_load %arg16[%swap3A_165, %swap3A_166, %swap3A_167] {strides = array<i32>} : memref<2x128x64xf32, #tpu.memory_space<vmem>>, vector<1x1x16xf32>,
          %swap3A_169 = vector.shape_cast %swap3A_168 : vector<1x1x16xf32> to vector<16xf32>
          %swap3A_170 = vector.shape_cast %max3A_163 : vector<16xf32> to vector<1x1x16xf32>
          tpu.vector_store %arg16[%swap3A_165, %swap3A_166, %swap3A_167], %swap3A_170 {strides = array<i32>} : memref<2x128x64xf32, #tpu.memory_space<vmem>>, vector<1x1x16xf32>,
          %get3A_171 = arith.constant 0 : i32
          %get3A_172 = arith.index_cast %get3A_171 : i32 to index
          %get3A_173 = arith.index_cast %add3A_127 : i32 to index
          %get3A_174 = arith.constant 32 : index
          %get3A_175 = tpu.vector_load %arg16[%get3A_172, %get3A_173, %get3A_174] {strides = array<i32>} : memref<2x128x64xf32, #tpu.memory_space<vmem>>, vector<1x1x16xf32>,
          %get3A_176 = vector.shape_cast %get3A_175 : vector<1x1x16xf32> to vector<16xf32>
          %get3A_177 = arith.constant 0 : i32
          %get3A_178 = arith.index_cast %get3A_177 : i32 to index
          %get3A_179 = arith.index_cast %add3A_127 : i32 to index
          %get3A_180 = arith.constant 32 : index
          %get3A_181 = tpu.vector_load %arg17[%get3A_178, %get3A_179, %get3A_180] {strides = array<i32>} : memref<2x128x64xf32, #tpu.memory_space<vmem>>, vector<1x1x16xf32>,
          %get3A_182 = vector.shape_cast %get3A_181 : vector<1x1x16xf32> to vector<16xf32>
          %add3A_183 = arith.addf %get3A_176, %get3A_182 : vector<16xf32>
          %max3A_184 = arith.constant 0.000000e+00 : f32
          %max3A_185 = vector.broadcast %max3A_184 : f32 to vector<16xf32>
          %max3A_186 = arith.maximumf %add3A_183, %max3A_185 : vector<16xf32>
          %swap3A_187 = arith.constant 0 : i32
          %swap3A_188 = arith.index_cast %swap3A_187 : i32 to index
          %swap3A_189 = arith.index_cast %add3A_127 : i32 to index
          %swap3A_190 = arith.constant 32 : index
          %swap3A_191 = tpu.vector_load %arg16[%swap3A_188, %swap3A_189, %swap3A_190] {strides = array<i32>} : memref<2x128x64xf32, #tpu.memory_space<vmem>>, vector<1x1x16xf32>,
          %swap3A_192 = vector.shape_cast %swap3A_191 : vector<1x1x16xf32> to vector<16xf32>
          %swap3A_193 = vector.shape_cast %max3A_186 : vector<16xf32> to vector<1x1x16xf32>
          tpu.vector_store %arg16[%swap3A_188, %swap3A_189, %swap3A_190], %swap3A_193 {strides = array<i32>} : memref<2x128x64xf32, #tpu.memory_space<vmem>>, vector<1x1x16xf32>,
          %get3A_194 = arith.constant 0 : i32
          %get3A_195 = arith.index_cast %get3A_194 : i32 to index
          %get3A_196 = arith.index_cast %add3A_127 : i32 to index
          %get3A_197 = arith.constant 48 : index
          %get3A_198 = tpu.vector_load %arg16[%get3A_195, %get3A_196, %get3A_197] {strides = array<i32>} : memref<2x128x64xf32, #tpu.memory_space<vmem>>, vector<1x1x16xf32>,
          %get3A_199 = vector.shape_cast %get3A_198 : vector<1x1x16xf32> to vector<16xf32>
          %get3A_200 = arith.constant 0 : i32
          %get3A_201 = arith.index_cast %get3A_200 : i32 to index
          %get3A_202 = arith.index_cast %add3A_127 : i32 to index
          %get3A_203 = arith.constant 48 : index
          %get3A_204 = tpu.vector_load %arg17[%get3A_201, %get3A_202, %get3A_203] {strides = array<i32>} : memref<2x128x64xf32, #tpu.memory_space<vmem>>, vector<1x1x16xf32>,
          %get3A_205 = vector.shape_cast %get3A_204 : vector<1x1x16xf32> to vector<16xf32>
          %add3A_206 = arith.addf %get3A_199, %get3A_205 : vector<16xf32>
          %max3A_207 = arith.constant 0.000000e+00 : f32
          %max3A_208 = vector.broadcast %max3A_207 : f32 to vector<16xf32>
          %max3A_209 = arith.maximumf %add3A_206, %max3A_208 : vector<16xf32>
          %swap3A_210 = arith.constant 0 : i32
          %swap3A_211 = arith.index_cast %swap3A_210 : i32 to index
          %swap3A_212 = arith.index_cast %add3A_127 : i32 to index
          %swap3A_213 = arith.constant 48 : index
          %swap3A_214 = tpu.vector_load %arg16[%swap3A_211, %swap3A_212, %swap3A_213] {strides = array<i32>} : memref<2x128x64xf32, #tpu.memory_space<vmem>>, vector<1x1x16xf32>,
          %swap3A_215 = vector.shape_cast %swap3A_214 : vector<1x1x16xf32> to vector<16xf32>
          %swap3A_216 = vector.shape_cast %max3A_209 : vector<16xf32> to vector<1x1x16xf32>
          tpu.vector_store %arg16[%swap3A_211, %swap3A_212, %swap3A_213], %swap3A_216 {strides = array<i32>} : memref<2x128x64xf32, #tpu.memory_space<vmem>>, vector<1x1x16xf32>,
        }
        %scan3A_120 = arith.constant 128 : i32
        %run_scoped3A_121 = arith.constant 0 : i32
        %run_scoped3A_122 = arith.constant 0 : i32
        "tpu.region"() ({
          %run_scoped3A_123 = tpu.sem_alloc : memref<!tpu.dma_semaphore, #tpu.memory_space<semaphore_mem>>
          %dma_start3A_124 = arith.constant 0 : i32
          %dma_start3A_125 = arith.constant 0 : i32
          %dma_start3A_126 = tpu.memref_slice %arg16[%run_scoped3A_121, %dma_start3A_124, %dma_start3A_125] : memref<2x128x64xf32, #tpu.memory_space<vmem>> -> memref<1x128x64xf32, #tpu.memory_space<vmem>>
          %dma_start3A_127 = tpu.memref_squeeze %dma_start3A_126 : memref<1x128x64xf32, #tpu.memory_space<vmem>> -> memref<128x64xf32, #tpu.memory_space<vmem>>
          %dma_start3A_128 = arith.constant 0 : i32
          %dma_start3A_129 = tpu.memref_slice %arg18[%run_scoped3A_122, %dma_start3A_128] : memref<2x128xi32, #tpu.memory_space<vmem>> -> memref<1x128xi32, #tpu.memory_space<vmem>>
          %dma_start3A_130 = tpu.memref_squeeze %dma_start3A_129 : memref<1x128xi32, #tpu.memory_space<vmem>> -> memref<128xi32, #tpu.memory_space<vmem>>
          %dma_start3A_131 = arith.constant 0 : i32
          %dma_start3A_132 = arith.constant 0 : i32
          %dma_start3A_133 = tpu.memref_slice %arg20[%dma_start3A_131, %dma_start3A_132] : memref<10240x64xf32, #tpu.memory_space<vmem_shared>> -> memref<10240x64xf32, #tpu.memory_space<vmem_shared>>
          tpu.enqueue_indirect_dma source(%dma_start3A_127 : memref<128x64xf32, #tpu.memory_space<vmem>>) target(%dma_start3A_133 : memref<10240x64xf32, #tpu.memory_space<vmem_shared>>) offsets(%dma_start3A_130 : memref<128xi32, #tpu.memory_space<vmem>>) semaphore(%run_scoped3A_123 : memref<!tpu.dma_semaphore, #tpu.memory_space<semaphore_mem>>) {add = true}
          %dma_wait3A_134 = arith.constant 0 : i32
          %dma_wait3A_135 = arith.constant 0 : i32
          %dma_wait3A_136 = tpu.memref_slice %arg16[%run_scoped3A_121, %dma_wait3A_134, %dma_wait3A_135] : memref<2x128x64xf32, #tpu.memory_space<vmem>> -> memref<1x128x64xf32, #tpu.memory_space<vmem>>
          %dma_wait3A_137 = tpu.memref_squeeze %dma_wait3A_136 : memref<1x128x64xf32, #tpu.memory_space<vmem>> -> memref<128x64xf32, #tpu.memory_space<vmem>>
          %dma_wait3A_138 = arith.constant 0 : i32
          %dma_wait3A_139 = tpu.memref_slice %arg18[%run_scoped3A_122, %dma_wait3A_138] : memref<2x128xi32, #tpu.memory_space<vmem>> -> memref<1x128xi32, #tpu.memory_space<vmem>>
          %dma_wait3A_140 = tpu.memref_squeeze %dma_wait3A_139 : memref<1x128xi32, #tpu.memory_space<vmem>> -> memref<128xi32, #tpu.memory_space<vmem>>
          %dma_wait3A_141 = arith.constant 0 : i32
          %dma_wait3A_142 = arith.constant 0 : i32
          %dma_wait3A_143 = tpu.memref_slice %arg20[%dma_wait3A_141, %dma_wait3A_142] : memref<10240x64xf32, #tpu.memory_space<vmem_shared>> -> memref<10240x64xf32, #tpu.memory_space<vmem_shared>>
          tpu.wait_indirect_dma semaphore(%run_scoped3A_123 : memref<!tpu.dma_semaphore, #tpu.memory_space<semaphore_mem>>) src(%dma_wait3A_137 : memref<128x64xf32, #tpu.memory_space<vmem>>) dst(%dma_wait3A_143 : memref<10240x64xf32, #tpu.memory_space<vmem_shared>>)
          tpu.yield
        }) : () -> ()
      }
      %scan3A_56 = arith.constant 157 : i32
      %barrier3A_57 = arith.constant 0 : index
      tpu.barrier barrier_id(%barrier3A_57)
      "tpu.region"() ({
        %run_scoped3A_58 = tpu.sem_alloc : memref<!tpu.dma_semaphore, #tpu.memory_space<semaphore_mem>>
        %dma_start3A = arith.constant 0 : i32
        %dma_start3A_59 = tpu.memref_slice %arg14[%mul3A_0, %dma_start3A] : memref<10240x64xf32, #tpu.memory_space<hbm>> -> memref<640x64xf32, #tpu.memory_space<hbm>>
        %dma_start3A_60 = arith.constant 0 : i32
        %dma_start3A_61 = tpu.memref_slice %arg20[%mul3A_0, %dma_start3A_60] : memref<10240x64xf32, #tpu.memory_space<vmem_shared>> -> memref<640x64xf32, #tpu.memory_space<vmem_shared>>
        tpu.enqueue_dma source(%dma_start3A_61 : memref<640x64xf32, #tpu.memory_space<vmem_shared>>) target(%dma_start3A_59 : memref<640x64xf32, #tpu.memory_space<hbm>>) target_semaphore(%run_scoped3A_58 : memref<!tpu.dma_semaphore, #tpu.memory_space<semaphore_mem>>)
        %dma_wait3A = arith.constant 0 : i32
        %dma_wait3A_62 = tpu.memref_slice %arg14[%mul3A_0, %dma_wait3A] : memref<10240x64xf32, #tpu.memory_space<hbm>> -> memref<640x64xf32, #tpu.memory_space<hbm>>
        %dma_wait3A_63 = arith.constant 0 : i32
        %dma_wait3A_64 = tpu.memref_slice %arg20[%mul3A_0, %dma_wait3A_63] : memref<10240x64xf32, #tpu.memory_space<vmem_shared>> -> memref<640x64xf32, #tpu.memory_space<vmem_shared>>
        tpu.wait_dma2 semaphore(%run_scoped3A_58 : memref<!tpu.dma_semaphore, #tpu.memory_space<semaphore_mem>>) src(%dma_wait3A_64 : memref<640x64xf32, #tpu.memory_space<vmem_shared>>) dst(%dma_wait3A_62 : memref<640x64xf32, #tpu.memory_space<hbm>>)
        tpu.yield
      }) : () -> ()
    } else {
    }
    %eq3A_3 = arith.constant 1 : i32
    %eq3A_4 = arith.cmpi eq, %arg0, %eq3A_3 : i32
    %convert_element_type3A_5 = arith.extui %eq3A_4 : i1 to i32
    %cond3A_6 = arith.constant 0 : i32
    %cond3A_7 = arith.cmpi ne, %convert_element_type3A_5, %cond3A_6 : i32
    scf.if %cond3A_7 {
      %scan3A = arith.constant 0 : i32
      %scan3A_8 = arith.constant 128 : i32
      %scan3A_9 = arith.addi %scan3A, %scan3A_8 : i32
      %scan3A_10 = arith.constant 1 : i32
      scf.for %scan3A_58 = %scan3A to %scan3A_9 step %scan3A_10  : i32 {
        %mul3A_59 = arith.constant 1 : i32
        %mul3A_60 = arith.muli %scan3A_58, %mul3A_59 : i32
        %add3A_61 = arith.constant 0 : i32
        %add3A_62 = arith.addi %add3A_61, %mul3A_60 : i32
        %broadcast_in_dim3A = arith.constant 0.000000e+00 : f32
        %broadcast_in_dim3A_63 = vector.broadcast %broadcast_in_dim3A : f32 to vector<16xf32>
        %swap3A = arith.constant 0 : i32
        %swap3A_64 = arith.index_cast %swap3A : i32 to index
        %swap3A_65 = arith.index_cast %add3A_62 : i32 to index
        %swap3A_66 = arith.constant 0 : index
        %swap3A_67 = tpu.vector_load %arg16[%swap3A_64, %swap3A_65, %swap3A_66] {strides = array<i32>} : memref<2x128x64xf32, #tpu.memory_space<vmem>>, vector<1x1x16xf32>,
        %swap3A_68 = vector.shape_cast %swap3A_67 : vector<1x1x16xf32> to vector<16xf32>
        %swap3A_69 = vector.shape_cast %broadcast_in_dim3A_63 : vector<16xf32> to vector<1x1x16xf32>
        tpu.vector_store %arg16[%swap3A_64, %swap3A_65, %swap3A_66], %swap3A_69 {strides = array<i32>} : memref<2x128x64xf32, #tpu.memory_space<vmem>>, vector<1x1x16xf32>,
        %broadcast_in_dim3A_70 = arith.constant 0.000000e+00 : f32
        %broadcast_in_dim3A_71 = vector.broadcast %broadcast_in_dim3A_70 : f32 to vector<16xf32>
        %swap3A_72 = arith.constant 0 : i32
        %swap3A_73 = arith.index_cast %swap3A_72 : i32 to index
        %swap3A_74 = arith.index_cast %add3A_62 : i32 to index
        %swap3A_75 = arith.constant 16 : index
        %swap3A_76 = tpu.vector_load %arg16[%swap3A_73, %swap3A_74, %swap3A_75] {strides = array<i32>} : memref<2x128x64xf32, #tpu.memory_space<vmem>>, vector<1x1x16xf32>,
        %swap3A_77 = vector.shape_cast %swap3A_76 : vector<1x1x16xf32> to vector<16xf32>
        %swap3A_78 = vector.shape_cast %broadcast_in_dim3A_71 : vector<16xf32> to vector<1x1x16xf32>
        tpu.vector_store %arg16[%swap3A_73, %swap3A_74, %swap3A_75], %swap3A_78 {strides = array<i32>} : memref<2x128x64xf32, #tpu.memory_space<vmem>>, vector<1x1x16xf32>,
        %broadcast_in_dim3A_79 = arith.constant 0.000000e+00 : f32
        %broadcast_in_dim3A_80 = vector.broadcast %broadcast_in_dim3A_79 : f32 to vector<16xf32>
        %swap3A_81 = arith.constant 0 : i32
        %swap3A_82 = arith.index_cast %swap3A_81 : i32 to index
        %swap3A_83 = arith.index_cast %add3A_62 : i32 to index
        %swap3A_84 = arith.constant 32 : index
        %swap3A_85 = tpu.vector_load %arg16[%swap3A_82, %swap3A_83, %swap3A_84] {strides = array<i32>} : memref<2x128x64xf32, #tpu.memory_space<vmem>>, vector<1x1x16xf32>,
        %swap3A_86 = vector.shape_cast %swap3A_85 : vector<1x1x16xf32> to vector<16xf32>
        %swap3A_87 = vector.shape_cast %broadcast_in_dim3A_80 : vector<16xf32> to vector<1x1x16xf32>
        tpu.vector_store %arg16[%swap3A_82, %swap3A_83, %swap3A_84], %swap3A_87 {strides = array<i32>} : memref<2x128x64xf32, #tpu.memory_space<vmem>>, vector<1x1x16xf32>,
        %broadcast_in_dim3A_88 = arith.constant 0.000000e+00 : f32
        %broadcast_in_dim3A_89 = vector.broadcast %broadcast_in_dim3A_88 : f32 to vector<16xf32>
        %swap3A_90 = arith.constant 0 : i32
        %swap3A_91 = arith.index_cast %swap3A_90 : i32 to index
        %swap3A_92 = arith.index_cast %add3A_62 : i32 to index
        %swap3A_93 = arith.constant 48 : index
        %swap3A_94 = tpu.vector_load %arg16[%swap3A_91, %swap3A_92, %swap3A_93] {strides = array<i32>} : memref<2x128x64xf32, #tpu.memory_space<vmem>>, vector<1x1x16xf32>,
        %swap3A_95 = vector.shape_cast %swap3A_94 : vector<1x1x16xf32> to vector<16xf32>
        %swap3A_96 = vector.shape_cast %broadcast_in_dim3A_89 : vector<16xf32> to vector<1x1x16xf32>
        tpu.vector_store %arg16[%swap3A_91, %swap3A_92, %swap3A_93], %swap3A_96 {strides = array<i32>} : memref<2x128x64xf32, #tpu.memory_space<vmem>>, vector<1x1x16xf32>,
      }
      %scan3A_11 = arith.constant 128 : i32
      %add3A = arith.constant 0 : i32
      %add3A_12 = arith.addi %mul3A_0, %add3A : i32
      %run_scoped3A = arith.constant 0 : i32
      "tpu.region"() ({
        %run_scoped3A_58 = tpu.sem_alloc : memref<!tpu.dma_semaphore, #tpu.memory_space<semaphore_mem>>
        %dma_start3A = arith.constant 0 : i32
        %dma_start3A_59 = arith.constant 0 : i32
        %dma_start3A_60 = tpu.memref_slice %arg16[%run_scoped3A, %dma_start3A, %dma_start3A_59] : memref<2x128x64xf32, #tpu.memory_space<vmem>> -> memref<1x128x64xf32, #tpu.memory_space<vmem>>
        %dma_start3A_61 = tpu.memref_squeeze %dma_start3A_60 : memref<1x128x64xf32, #tpu.memory_space<vmem>> -> memref<128x64xf32, #tpu.memory_space<vmem>>
        %dma_start3A_62 = arith.constant 0 : i32
        %dma_start3A_63 = tpu.memref_slice %arg20[%add3A_12, %dma_start3A_62] : memref<10240x64xf32, #tpu.memory_space<vmem_shared>> -> memref<128x64xf32, #tpu.memory_space<vmem_shared>>
        %dma_start3A_64 = arith.constant 0 : i32
        %dma_start3A_65 = tpu.memref_slice %arg20[%add3A_12, %dma_start3A_64] : memref<10240x64xf32, #tpu.memory_space<vmem_shared>> -> memref<128x64xf32, #tpu.memory_space<vmem_shared>>
        %dma_start3A_66 = arith.constant 0 : i32
        %dma_start3A_67 = arith.constant 0 : i32
        %dma_start3A_68 = tpu.memref_slice %arg16[%run_scoped3A, %dma_start3A_66, %dma_start3A_67] : memref<2x128x64xf32, #tpu.memory_space<vmem>> -> memref<1x128x64xf32, #tpu.memory_space<vmem>>
        %dma_start3A_69 = tpu.memref_squeeze %dma_start3A_68 : memref<1x128x64xf32, #tpu.memory_space<vmem>> -> memref<128x64xf32, #tpu.memory_space<vmem>>
        tpu.enqueue_dma source(%dma_start3A_69 : memref<128x64xf32, #tpu.memory_space<vmem>>) target(%dma_start3A_65 : memref<128x64xf32, #tpu.memory_space<vmem_shared>>) target_semaphore(%run_scoped3A_58 : memref<!tpu.dma_semaphore, #tpu.memory_space<semaphore_mem>>)
        %dma_wait3A = arith.constant 0 : i32
        %dma_wait3A_70 = arith.constant 0 : i32
        %dma_wait3A_71 = tpu.memref_slice %arg16[%run_scoped3A, %dma_wait3A, %dma_wait3A_70] : memref<2x128x64xf32, #tpu.memory_space<vmem>> -> memref<1x128x64xf32, #tpu.memory_space<vmem>>
        %dma_wait3A_72 = tpu.memref_squeeze %dma_wait3A_71 : memref<1x128x64xf32, #tpu.memory_space<vmem>> -> memref<128x64xf32, #tpu.memory_space<vmem>>
        %dma_wait3A_73 = arith.constant 0 : i32
        %dma_wait3A_74 = tpu.memref_slice %arg20[%add3A_12, %dma_wait3A_73] : memref<10240x64xf32, #tpu.memory_space<vmem_shared>> -> memref<128x64xf32, #tpu.memory_space<vmem_shared>>
        %dma_wait3A_75 = arith.constant 0 : i32
        %dma_wait3A_76 = tpu.memref_slice %arg20[%add3A_12, %dma_wait3A_75] : memref<10240x64xf32, #tpu.memory_space<vmem_shared>> -> memref<128x64xf32, #tpu.memory_space<vmem_shared>>
        %dma_wait3A_77 = arith.constant 0 : i32
        %dma_wait3A_78 = arith.constant 0 : i32
        %dma_wait3A_79 = tpu.memref_slice %arg16[%run_scoped3A, %dma_wait3A_77, %dma_wait3A_78] : memref<2x128x64xf32, #tpu.memory_space<vmem>> -> memref<1x128x64xf32, #tpu.memory_space<vmem>>
        %dma_wait3A_80 = tpu.memref_squeeze %dma_wait3A_79 : memref<1x128x64xf32, #tpu.memory_space<vmem>> -> memref<128x64xf32, #tpu.memory_space<vmem>>
        tpu.wait_dma2 semaphore(%run_scoped3A_58 : memref<!tpu.dma_semaphore, #tpu.memory_space<semaphore_mem>>) src(%dma_wait3A_80 : memref<128x64xf32, #tpu.memory_space<vmem>>) dst(%dma_wait3A_76 : memref<128x64xf32, #tpu.memory_space<vmem_shared>>)
        tpu.yield
      }) : () -> ()
      %add3A_13 = arith.constant 128 : i32
      %add3A_14 = arith.addi %mul3A_0, %add3A_13 : i32
      %run_scoped3A_15 = arith.constant 0 : i32
      "tpu.region"() ({
        %run_scoped3A_58 = tpu.sem_alloc : memref<!tpu.dma_semaphore, #tpu.memory_space<semaphore_mem>>
        %dma_start3A = arith.constant 0 : i32
        %dma_start3A_59 = arith.constant 0 : i32
        %dma_start3A_60 = tpu.memref_slice %arg16[%run_scoped3A_15, %dma_start3A, %dma_start3A_59] : memref<2x128x64xf32, #tpu.memory_space<vmem>> -> memref<1x128x64xf32, #tpu.memory_space<vmem>>
        %dma_start3A_61 = tpu.memref_squeeze %dma_start3A_60 : memref<1x128x64xf32, #tpu.memory_space<vmem>> -> memref<128x64xf32, #tpu.memory_space<vmem>>
        %dma_start3A_62 = arith.constant 0 : i32
        %dma_start3A_63 = tpu.memref_slice %arg20[%add3A_14, %dma_start3A_62] : memref<10240x64xf32, #tpu.memory_space<vmem_shared>> -> memref<128x64xf32, #tpu.memory_space<vmem_shared>>
        %dma_start3A_64 = arith.constant 0 : i32
        %dma_start3A_65 = tpu.memref_slice %arg20[%add3A_14, %dma_start3A_64] : memref<10240x64xf32, #tpu.memory_space<vmem_shared>> -> memref<128x64xf32, #tpu.memory_space<vmem_shared>>
        %dma_start3A_66 = arith.constant 0 : i32
        %dma_start3A_67 = arith.constant 0 : i32
        %dma_start3A_68 = tpu.memref_slice %arg16[%run_scoped3A_15, %dma_start3A_66, %dma_start3A_67] : memref<2x128x64xf32, #tpu.memory_space<vmem>> -> memref<1x128x64xf32, #tpu.memory_space<vmem>>
        %dma_start3A_69 = tpu.memref_squeeze %dma_start3A_68 : memref<1x128x64xf32, #tpu.memory_space<vmem>> -> memref<128x64xf32, #tpu.memory_space<vmem>>
        tpu.enqueue_dma source(%dma_start3A_69 : memref<128x64xf32, #tpu.memory_space<vmem>>) target(%dma_start3A_65 : memref<128x64xf32, #tpu.memory_space<vmem_shared>>) target_semaphore(%run_scoped3A_58 : memref<!tpu.dma_semaphore, #tpu.memory_space<semaphore_mem>>)
        %dma_wait3A = arith.constant 0 : i32
        %dma_wait3A_70 = arith.constant 0 : i32
        %dma_wait3A_71 = tpu.memref_slice %arg16[%run_scoped3A_15, %dma_wait3A, %dma_wait3A_70] : memref<2x128x64xf32, #tpu.memory_space<vmem>> -> memref<1x128x64xf32, #tpu.memory_space<vmem>>
        %dma_wait3A_72 = tpu.memref_squeeze %dma_wait3A_71 : memref<1x128x64xf32, #tpu.memory_space<vmem>> -> memref<128x64xf32, #tpu.memory_space<vmem>>
        %dma_wait3A_73 = arith.constant 0 : i32
        %dma_wait3A_74 = tpu.memref_slice %arg20[%add3A_14, %dma_wait3A_73] : memref<10240x64xf32, #tpu.memory_space<vmem_shared>> -> memref<128x64xf32, #tpu.memory_space<vmem_shared>>
        %dma_wait3A_75 = arith.constant 0 : i32
        %dma_wait3A_76 = tpu.memref_slice %arg20[%add3A_14, %dma_wait3A_75] : memref<10240x64xf32, #tpu.memory_space<vmem_shared>> -> memref<128x64xf32, #tpu.memory_space<vmem_shared>>
        %dma_wait3A_77 = arith.constant 0 : i32
        %dma_wait3A_78 = arith.constant 0 : i32
        %dma_wait3A_79 = tpu.memref_slice %arg16[%run_scoped3A_15, %dma_wait3A_77, %dma_wait3A_78] : memref<2x128x64xf32, #tpu.memory_space<vmem>> -> memref<1x128x64xf32, #tpu.memory_space<vmem>>
        %dma_wait3A_80 = tpu.memref_squeeze %dma_wait3A_79 : memref<1x128x64xf32, #tpu.memory_space<vmem>> -> memref<128x64xf32, #tpu.memory_space<vmem>>
        tpu.wait_dma2 semaphore(%run_scoped3A_58 : memref<!tpu.dma_semaphore, #tpu.memory_space<semaphore_mem>>) src(%dma_wait3A_80 : memref<128x64xf32, #tpu.memory_space<vmem>>) dst(%dma_wait3A_76 : memref<128x64xf32, #tpu.memory_space<vmem_shared>>)
        tpu.yield
      }) : () -> ()
      %add3A_16 = arith.constant 256 : i32
      %add3A_17 = arith.addi %mul3A_0, %add3A_16 : i32
      %run_scoped3A_18 = arith.constant 0 : i32
      "tpu.region"() ({
        %run_scoped3A_58 = tpu.sem_alloc : memref<!tpu.dma_semaphore, #tpu.memory_space<semaphore_mem>>
        %dma_start3A = arith.constant 0 : i32
        %dma_start3A_59 = arith.constant 0 : i32
        %dma_start3A_60 = tpu.memref_slice %arg16[%run_scoped3A_18, %dma_start3A, %dma_start3A_59] : memref<2x128x64xf32, #tpu.memory_space<vmem>> -> memref<1x128x64xf32, #tpu.memory_space<vmem>>
        %dma_start3A_61 = tpu.memref_squeeze %dma_start3A_60 : memref<1x128x64xf32, #tpu.memory_space<vmem>> -> memref<128x64xf32, #tpu.memory_space<vmem>>
        %dma_start3A_62 = arith.constant 0 : i32
        %dma_start3A_63 = tpu.memref_slice %arg20[%add3A_17, %dma_start3A_62] : memref<10240x64xf32, #tpu.memory_space<vmem_shared>> -> memref<128x64xf32, #tpu.memory_space<vmem_shared>>
        %dma_start3A_64 = arith.constant 0 : i32
        %dma_start3A_65 = tpu.memref_slice %arg20[%add3A_17, %dma_start3A_64] : memref<10240x64xf32, #tpu.memory_space<vmem_shared>> -> memref<128x64xf32, #tpu.memory_space<vmem_shared>>
        %dma_start3A_66 = arith.constant 0 : i32
        %dma_start3A_67 = arith.constant 0 : i32
        %dma_start3A_68 = tpu.memref_slice %arg16[%run_scoped3A_18, %dma_start3A_66, %dma_start3A_67] : memref<2x128x64xf32, #tpu.memory_space<vmem>> -> memref<1x128x64xf32, #tpu.memory_space<vmem>>
        %dma_start3A_69 = tpu.memref_squeeze %dma_start3A_68 : memref<1x128x64xf32, #tpu.memory_space<vmem>> -> memref<128x64xf32, #tpu.memory_space<vmem>>
        tpu.enqueue_dma source(%dma_start3A_69 : memref<128x64xf32, #tpu.memory_space<vmem>>) target(%dma_start3A_65 : memref<128x64xf32, #tpu.memory_space<vmem_shared>>) target_semaphore(%run_scoped3A_58 : memref<!tpu.dma_semaphore, #tpu.memory_space<semaphore_mem>>)
        %dma_wait3A = arith.constant 0 : i32
        %dma_wait3A_70 = arith.constant 0 : i32
        %dma_wait3A_71 = tpu.memref_slice %arg16[%run_scoped3A_18, %dma_wait3A, %dma_wait3A_70] : memref<2x128x64xf32, #tpu.memory_space<vmem>> -> memref<1x128x64xf32, #tpu.memory_space<vmem>>
        %dma_wait3A_72 = tpu.memref_squeeze %dma_wait3A_71 : memref<1x128x64xf32, #tpu.memory_space<vmem>> -> memref<128x64xf32, #tpu.memory_space<vmem>>
        %dma_wait3A_73 = arith.constant 0 : i32
        %dma_wait3A_74 = tpu.memref_slice %arg20[%add3A_17, %dma_wait3A_73] : memref<10240x64xf32, #tpu.memory_space<vmem_shared>> -> memref<128x64xf32, #tpu.memory_space<vmem_shared>>
        %dma_wait3A_75 = arith.constant 0 : i32
        %dma_wait3A_76 = tpu.memref_slice %arg20[%add3A_17, %dma_wait3A_75] : memref<10240x64xf32, #tpu.memory_space<vmem_shared>> -> memref<128x64xf32, #tpu.memory_space<vmem_shared>>
        %dma_wait3A_77 = arith.constant 0 : i32
        %dma_wait3A_78 = arith.constant 0 : i32
        %dma_wait3A_79 = tpu.memref_slice %arg16[%run_scoped3A_18, %dma_wait3A_77, %dma_wait3A_78] : memref<2x128x64xf32, #tpu.memory_space<vmem>> -> memref<1x128x64xf32, #tpu.memory_space<vmem>>
        %dma_wait3A_80 = tpu.memref_squeeze %dma_wait3A_79 : memref<1x128x64xf32, #tpu.memory_space<vmem>> -> memref<128x64xf32, #tpu.memory_space<vmem>>
        tpu.wait_dma2 semaphore(%run_scoped3A_58 : memref<!tpu.dma_semaphore, #tpu.memory_space<semaphore_mem>>) src(%dma_wait3A_80 : memref<128x64xf32, #tpu.memory_space<vmem>>) dst(%dma_wait3A_76 : memref<128x64xf32, #tpu.memory_space<vmem_shared>>)
        tpu.yield
      }) : () -> ()
      %add3A_19 = arith.constant 384 : i32
      %add3A_20 = arith.addi %mul3A_0, %add3A_19 : i32
      %run_scoped3A_21 = arith.constant 0 : i32
      "tpu.region"() ({
        %run_scoped3A_58 = tpu.sem_alloc : memref<!tpu.dma_semaphore, #tpu.memory_space<semaphore_mem>>
        %dma_start3A = arith.constant 0 : i32
        %dma_start3A_59 = arith.constant 0 : i32
        %dma_start3A_60 = tpu.memref_slice %arg16[%run_scoped3A_21, %dma_start3A, %dma_start3A_59] : memref<2x128x64xf32, #tpu.memory_space<vmem>> -> memref<1x128x64xf32, #tpu.memory_space<vmem>>
        %dma_start3A_61 = tpu.memref_squeeze %dma_start3A_60 : memref<1x128x64xf32, #tpu.memory_space<vmem>> -> memref<128x64xf32, #tpu.memory_space<vmem>>
        %dma_start3A_62 = arith.constant 0 : i32
        %dma_start3A_63 = tpu.memref_slice %arg20[%add3A_20, %dma_start3A_62] : memref<10240x64xf32, #tpu.memory_space<vmem_shared>> -> memref<128x64xf32, #tpu.memory_space<vmem_shared>>
        %dma_start3A_64 = arith.constant 0 : i32
        %dma_start3A_65 = tpu.memref_slice %arg20[%add3A_20, %dma_start3A_64] : memref<10240x64xf32, #tpu.memory_space<vmem_shared>> -> memref<128x64xf32, #tpu.memory_space<vmem_shared>>
        %dma_start3A_66 = arith.constant 0 : i32
        %dma_start3A_67 = arith.constant 0 : i32
        %dma_start3A_68 = tpu.memref_slice %arg16[%run_scoped3A_21, %dma_start3A_66, %dma_start3A_67] : memref<2x128x64xf32, #tpu.memory_space<vmem>> -> memref<1x128x64xf32, #tpu.memory_space<vmem>>
        %dma_start3A_69 = tpu.memref_squeeze %dma_start3A_68 : memref<1x128x64xf32, #tpu.memory_space<vmem>> -> memref<128x64xf32, #tpu.memory_space<vmem>>
        tpu.enqueue_dma source(%dma_start3A_69 : memref<128x64xf32, #tpu.memory_space<vmem>>) target(%dma_start3A_65 : memref<128x64xf32, #tpu.memory_space<vmem_shared>>) target_semaphore(%run_scoped3A_58 : memref<!tpu.dma_semaphore, #tpu.memory_space<semaphore_mem>>)
        %dma_wait3A = arith.constant 0 : i32
        %dma_wait3A_70 = arith.constant 0 : i32
        %dma_wait3A_71 = tpu.memref_slice %arg16[%run_scoped3A_21, %dma_wait3A, %dma_wait3A_70] : memref<2x128x64xf32, #tpu.memory_space<vmem>> -> memref<1x128x64xf32, #tpu.memory_space<vmem>>
        %dma_wait3A_72 = tpu.memref_squeeze %dma_wait3A_71 : memref<1x128x64xf32, #tpu.memory_space<vmem>> -> memref<128x64xf32, #tpu.memory_space<vmem>>
        %dma_wait3A_73 = arith.constant 0 : i32
        %dma_wait3A_74 = tpu.memref_slice %arg20[%add3A_20, %dma_wait3A_73] : memref<10240x64xf32, #tpu.memory_space<vmem_shared>> -> memref<128x64xf32, #tpu.memory_space<vmem_shared>>
        %dma_wait3A_75 = arith.constant 0 : i32
        %dma_wait3A_76 = tpu.memref_slice %arg20[%add3A_20, %dma_wait3A_75] : memref<10240x64xf32, #tpu.memory_space<vmem_shared>> -> memref<128x64xf32, #tpu.memory_space<vmem_shared>>
        %dma_wait3A_77 = arith.constant 0 : i32
        %dma_wait3A_78 = arith.constant 0 : i32
        %dma_wait3A_79 = tpu.memref_slice %arg16[%run_scoped3A_21, %dma_wait3A_77, %dma_wait3A_78] : memref<2x128x64xf32, #tpu.memory_space<vmem>> -> memref<1x128x64xf32, #tpu.memory_space<vmem>>
        %dma_wait3A_80 = tpu.memref_squeeze %dma_wait3A_79 : memref<1x128x64xf32, #tpu.memory_space<vmem>> -> memref<128x64xf32, #tpu.memory_space<vmem>>
        tpu.wait_dma2 semaphore(%run_scoped3A_58 : memref<!tpu.dma_semaphore, #tpu.memory_space<semaphore_mem>>) src(%dma_wait3A_80 : memref<128x64xf32, #tpu.memory_space<vmem>>) dst(%dma_wait3A_76 : memref<128x64xf32, #tpu.memory_space<vmem_shared>>)
        tpu.yield
      }) : () -> ()
      %add3A_22 = arith.constant 512 : i32
      %add3A_23 = arith.addi %mul3A_0, %add3A_22 : i32
      %run_scoped3A_24 = arith.constant 0 : i32
      "tpu.region"() ({
        %run_scoped3A_58 = tpu.sem_alloc : memref<!tpu.dma_semaphore, #tpu.memory_space<semaphore_mem>>
        %dma_start3A = arith.constant 0 : i32
        %dma_start3A_59 = arith.constant 0 : i32
        %dma_start3A_60 = tpu.memref_slice %arg16[%run_scoped3A_24, %dma_start3A, %dma_start3A_59] : memref<2x128x64xf32, #tpu.memory_space<vmem>> -> memref<1x128x64xf32, #tpu.memory_space<vmem>>
        %dma_start3A_61 = tpu.memref_squeeze %dma_start3A_60 : memref<1x128x64xf32, #tpu.memory_space<vmem>> -> memref<128x64xf32, #tpu.memory_space<vmem>>
        %dma_start3A_62 = arith.constant 0 : i32
        %dma_start3A_63 = tpu.memref_slice %arg20[%add3A_23, %dma_start3A_62] : memref<10240x64xf32, #tpu.memory_space<vmem_shared>> -> memref<128x64xf32, #tpu.memory_space<vmem_shared>>
        %dma_start3A_64 = arith.constant 0 : i32
        %dma_start3A_65 = tpu.memref_slice %arg20[%add3A_23, %dma_start3A_64] : memref<10240x64xf32, #tpu.memory_space<vmem_shared>> -> memref<128x64xf32, #tpu.memory_space<vmem_shared>>
        %dma_start3A_66 = arith.constant 0 : i32
        %dma_start3A_67 = arith.constant 0 : i32
        %dma_start3A_68 = tpu.memref_slice %arg16[%run_scoped3A_24, %dma_start3A_66, %dma_start3A_67] : memref<2x128x64xf32, #tpu.memory_space<vmem>> -> memref<1x128x64xf32, #tpu.memory_space<vmem>>
        %dma_start3A_69 = tpu.memref_squeeze %dma_start3A_68 : memref<1x128x64xf32, #tpu.memory_space<vmem>> -> memref<128x64xf32, #tpu.memory_space<vmem>>
        tpu.enqueue_dma source(%dma_start3A_69 : memref<128x64xf32, #tpu.memory_space<vmem>>) target(%dma_start3A_65 : memref<128x64xf32, #tpu.memory_space<vmem_shared>>) target_semaphore(%run_scoped3A_58 : memref<!tpu.dma_semaphore, #tpu.memory_space<semaphore_mem>>)
        %dma_wait3A = arith.constant 0 : i32
        %dma_wait3A_70 = arith.constant 0 : i32
        %dma_wait3A_71 = tpu.memref_slice %arg16[%run_scoped3A_24, %dma_wait3A, %dma_wait3A_70] : memref<2x128x64xf32, #tpu.memory_space<vmem>> -> memref<1x128x64xf32, #tpu.memory_space<vmem>>
        %dma_wait3A_72 = tpu.memref_squeeze %dma_wait3A_71 : memref<1x128x64xf32, #tpu.memory_space<vmem>> -> memref<128x64xf32, #tpu.memory_space<vmem>>
        %dma_wait3A_73 = arith.constant 0 : i32
        %dma_wait3A_74 = tpu.memref_slice %arg20[%add3A_23, %dma_wait3A_73] : memref<10240x64xf32, #tpu.memory_space<vmem_shared>> -> memref<128x64xf32, #tpu.memory_space<vmem_shared>>
        %dma_wait3A_75 = arith.constant 0 : i32
        %dma_wait3A_76 = tpu.memref_slice %arg20[%add3A_23, %dma_wait3A_75] : memref<10240x64xf32, #tpu.memory_space<vmem_shared>> -> memref<128x64xf32, #tpu.memory_space<vmem_shared>>
        %dma_wait3A_77 = arith.constant 0 : i32
        %dma_wait3A_78 = arith.constant 0 : i32
        %dma_wait3A_79 = tpu.memref_slice %arg16[%run_scoped3A_24, %dma_wait3A_77, %dma_wait3A_78] : memref<2x128x64xf32, #tpu.memory_space<vmem>> -> memref<1x128x64xf32, #tpu.memory_space<vmem>>
        %dma_wait3A_80 = tpu.memref_squeeze %dma_wait3A_79 : memref<1x128x64xf32, #tpu.memory_space<vmem>> -> memref<128x64xf32, #tpu.memory_space<vmem>>
        tpu.wait_dma2 semaphore(%run_scoped3A_58 : memref<!tpu.dma_semaphore, #tpu.memory_space<semaphore_mem>>) src(%dma_wait3A_80 : memref<128x64xf32, #tpu.memory_space<vmem>>) dst(%dma_wait3A_76 : memref<128x64xf32, #tpu.memory_space<vmem_shared>>)
        tpu.yield
      }) : () -> ()
      %barrier3A = arith.constant 0 : index
      tpu.barrier barrier_id(%barrier3A)
      %scan3A_25 = arith.constant 0 : i32
      %scan3A_26 = arith.constant 157 : i32
      %scan3A_27 = arith.addi %scan3A_25, %scan3A_26 : i32
      %scan3A_28 = arith.constant 1 : i32
      scf.for %scan3A_58 = %scan3A_25 to %scan3A_27 step %scan3A_28  : i32 {
        %mul3A_59 = arith.constant 1 : i32
        %mul3A_60 = arith.muli %scan3A_58, %mul3A_59 : i32
        %add3A_61 = arith.constant 0 : i32
        %add3A_62 = arith.addi %add3A_61, %mul3A_60 : i32
        %mul3A_63 = arith.constant 20096 : i32
        %mul3A_64 = arith.muli %arg1, %mul3A_63 : i32
        %mul3A_65 = arith.constant 128 : i32
        %mul3A_66 = arith.muli %add3A_62, %mul3A_65 : i32
        %add3A_67 = arith.addi %mul3A_64, %mul3A_66 : i32
        %run_scoped3A_68 = arith.constant 0 : i32
        "tpu.region"() ({
          %run_scoped3A_123 = tpu.sem_alloc : memref<!tpu.dma_semaphore, #tpu.memory_space<semaphore_mem>>
          %dma_start3A_124 = arith.constant 0 : i32
          %dma_start3A_125 = tpu.memref_slice %arg18[%run_scoped3A_68, %dma_start3A_124] : memref<2x128xi32, #tpu.memory_space<vmem>> -> memref<1x128xi32, #tpu.memory_space<vmem>>
          %dma_start3A_126 = tpu.memref_squeeze %dma_start3A_125 : memref<1x128xi32, #tpu.memory_space<vmem>> -> memref<128xi32, #tpu.memory_space<vmem>>
          %dma_start3A_127 = tpu.memref_slice %arg10[%add3A_67] : memref<321536xi32, #tpu.memory_space<hbm>> -> memref<128xi32, #tpu.memory_space<hbm>>
          %dma_start3A_128 = arith.constant 0 : i32
          %dma_start3A_129 = tpu.memref_slice %arg18[%run_scoped3A_68, %dma_start3A_128] : memref<2x128xi32, #tpu.memory_space<vmem>> -> memref<1x128xi32, #tpu.memory_space<vmem>>
          %dma_start3A_130 = tpu.memref_squeeze %dma_start3A_129 : memref<1x128xi32, #tpu.memory_space<vmem>> -> memref<128xi32, #tpu.memory_space<vmem>>
          %dma_start3A_131 = tpu.memref_slice %arg10[%add3A_67] : memref<321536xi32, #tpu.memory_space<hbm>> -> memref<128xi32, #tpu.memory_space<hbm>>
          tpu.enqueue_dma source(%dma_start3A_131 : memref<128xi32, #tpu.memory_space<hbm>>) target(%dma_start3A_130 : memref<128xi32, #tpu.memory_space<vmem>>) target_semaphore(%run_scoped3A_123 : memref<!tpu.dma_semaphore, #tpu.memory_space<semaphore_mem>>)
          %dma_wait3A_132 = arith.constant 0 : i32
          %dma_wait3A_133 = tpu.memref_slice %arg18[%run_scoped3A_68, %dma_wait3A_132] : memref<2x128xi32, #tpu.memory_space<vmem>> -> memref<1x128xi32, #tpu.memory_space<vmem>>
          %dma_wait3A_134 = tpu.memref_squeeze %dma_wait3A_133 : memref<1x128xi32, #tpu.memory_space<vmem>> -> memref<128xi32, #tpu.memory_space<vmem>>
          %dma_wait3A_135 = tpu.memref_slice %arg10[%add3A_67] : memref<321536xi32, #tpu.memory_space<hbm>> -> memref<128xi32, #tpu.memory_space<hbm>>
          %dma_wait3A_136 = arith.constant 0 : i32
          %dma_wait3A_137 = tpu.memref_slice %arg18[%run_scoped3A_68, %dma_wait3A_136] : memref<2x128xi32, #tpu.memory_space<vmem>> -> memref<1x128xi32, #tpu.memory_space<vmem>>
          %dma_wait3A_138 = tpu.memref_squeeze %dma_wait3A_137 : memref<1x128xi32, #tpu.memory_space<vmem>> -> memref<128xi32, #tpu.memory_space<vmem>>
          %dma_wait3A_139 = tpu.memref_slice %arg10[%add3A_67] : memref<321536xi32, #tpu.memory_space<hbm>> -> memref<128xi32, #tpu.memory_space<hbm>>
          tpu.wait_dma2 semaphore(%run_scoped3A_123 : memref<!tpu.dma_semaphore, #tpu.memory_space<semaphore_mem>>) src(%dma_wait3A_139 : memref<128xi32, #tpu.memory_space<hbm>>) dst(%dma_wait3A_138 : memref<128xi32, #tpu.memory_space<vmem>>)
          tpu.yield
        }) : () -> ()
        %run_scoped3A_69 = arith.constant 0 : i32
        "tpu.region"() ({
          %run_scoped3A_123 = tpu.sem_alloc : memref<!tpu.dma_semaphore, #tpu.memory_space<semaphore_mem>>
          %dma_start3A_124 = arith.constant 0 : i32
          %dma_start3A_125 = tpu.memref_slice %arg19[%run_scoped3A_69, %dma_start3A_124] : memref<2x128xi32, #tpu.memory_space<vmem>> -> memref<1x128xi32, #tpu.memory_space<vmem>>
          %dma_start3A_126 = tpu.memref_squeeze %dma_start3A_125 : memref<1x128xi32, #tpu.memory_space<vmem>> -> memref<128xi32, #tpu.memory_space<vmem>>
          %dma_start3A_127 = tpu.memref_slice %arg11[%add3A_67] : memref<321536xi32, #tpu.memory_space<hbm>> -> memref<128xi32, #tpu.memory_space<hbm>>
          %dma_start3A_128 = arith.constant 0 : i32
          %dma_start3A_129 = tpu.memref_slice %arg19[%run_scoped3A_69, %dma_start3A_128] : memref<2x128xi32, #tpu.memory_space<vmem>> -> memref<1x128xi32, #tpu.memory_space<vmem>>
          %dma_start3A_130 = tpu.memref_squeeze %dma_start3A_129 : memref<1x128xi32, #tpu.memory_space<vmem>> -> memref<128xi32, #tpu.memory_space<vmem>>
          %dma_start3A_131 = tpu.memref_slice %arg11[%add3A_67] : memref<321536xi32, #tpu.memory_space<hbm>> -> memref<128xi32, #tpu.memory_space<hbm>>
          tpu.enqueue_dma source(%dma_start3A_131 : memref<128xi32, #tpu.memory_space<hbm>>) target(%dma_start3A_130 : memref<128xi32, #tpu.memory_space<vmem>>) target_semaphore(%run_scoped3A_123 : memref<!tpu.dma_semaphore, #tpu.memory_space<semaphore_mem>>)
          %dma_wait3A_132 = arith.constant 0 : i32
          %dma_wait3A_133 = tpu.memref_slice %arg19[%run_scoped3A_69, %dma_wait3A_132] : memref<2x128xi32, #tpu.memory_space<vmem>> -> memref<1x128xi32, #tpu.memory_space<vmem>>
          %dma_wait3A_134 = tpu.memref_squeeze %dma_wait3A_133 : memref<1x128xi32, #tpu.memory_space<vmem>> -> memref<128xi32, #tpu.memory_space<vmem>>
          %dma_wait3A_135 = tpu.memref_slice %arg11[%add3A_67] : memref<321536xi32, #tpu.memory_space<hbm>> -> memref<128xi32, #tpu.memory_space<hbm>>
          %dma_wait3A_136 = arith.constant 0 : i32
          %dma_wait3A_137 = tpu.memref_slice %arg19[%run_scoped3A_69, %dma_wait3A_136] : memref<2x128xi32, #tpu.memory_space<vmem>> -> memref<1x128xi32, #tpu.memory_space<vmem>>
          %dma_wait3A_138 = tpu.memref_squeeze %dma_wait3A_137 : memref<1x128xi32, #tpu.memory_space<vmem>> -> memref<128xi32, #tpu.memory_space<vmem>>
          %dma_wait3A_139 = tpu.memref_slice %arg11[%add3A_67] : memref<321536xi32, #tpu.memory_space<hbm>> -> memref<128xi32, #tpu.memory_space<hbm>>
          tpu.wait_dma2 semaphore(%run_scoped3A_123 : memref<!tpu.dma_semaphore, #tpu.memory_space<semaphore_mem>>) src(%dma_wait3A_139 : memref<128xi32, #tpu.memory_space<hbm>>) dst(%dma_wait3A_138 : memref<128xi32, #tpu.memory_space<vmem>>)
          tpu.yield
        }) : () -> ()
        %dma_start3A = arith.constant 0 : i32
        %dma_start3A_70 = arith.constant 0 : i32
        %dma_start3A_71 = arith.constant 0 : i32
        %dma_start3A_72 = arith.constant 0 : i32
        %dma_start3A_73 = tpu.memref_slice %arg16[%dma_start3A_70, %dma_start3A_71, %dma_start3A_72] : memref<2x128x64xf32, #tpu.memory_space<vmem>> -> memref<1x128x64xf32, #tpu.memory_space<vmem>>
        %dma_start3A_74 = tpu.memref_squeeze %dma_start3A_73 : memref<1x128x64xf32, #tpu.memory_space<vmem>> -> memref<128x64xf32, #tpu.memory_space<vmem>>
        %dma_start3A_75 = arith.constant 0 : i32
        %dma_start3A_76 = tpu.memref_slice %arg18[%dma_start3A, %dma_start3A_75] : memref<2x128xi32, #tpu.memory_space<vmem>> -> memref<1x128xi32, #tpu.memory_space<vmem>>
        %dma_start3A_77 = tpu.memref_squeeze %dma_start3A_76 : memref<1x128xi32, #tpu.memory_space<vmem>> -> memref<128xi32, #tpu.memory_space<vmem>>
        %dma_start3A_78 = arith.constant 0 : i32
        %dma_start3A_79 = arith.constant 0 : i32
        %dma_start3A_80 = tpu.memref_slice %arg3[%dma_start3A_78, %dma_start3A_79] : memref<10240x64xf32, #tpu.memory_space<hbm>> -> memref<10240x64xf32, #tpu.memory_space<hbm>>
        tpu.enqueue_indirect_dma source(%dma_start3A_80 : memref<10240x64xf32, #tpu.memory_space<hbm>>) target(%dma_start3A_74 : memref<128x64xf32, #tpu.memory_space<vmem>>) offsets(%dma_start3A_77 : memref<128xi32, #tpu.memory_space<vmem>>) semaphore(%arg21 : memref<!tpu.dma_semaphore, #tpu.memory_space<semaphore_mem>>)
        %dma_wait3A = arith.constant 0 : i32
        %dma_wait3A_81 = arith.constant 0 : i32
        %dma_wait3A_82 = arith.constant 0 : i32
        %dma_wait3A_83 = arith.constant 0 : i32
        %dma_wait3A_84 = tpu.memref_slice %arg16[%dma_wait3A_81, %dma_wait3A_82, %dma_wait3A_83] : memref<2x128x64xf32, #tpu.memory_space<vmem>> -> memref<1x128x64xf32, #tpu.memory_space<vmem>>
        %dma_wait3A_85 = tpu.memref_squeeze %dma_wait3A_84 : memref<1x128x64xf32, #tpu.memory_space<vmem>> -> memref<128x64xf32, #tpu.memory_space<vmem>>
        %dma_wait3A_86 = arith.constant 0 : i32
        %dma_wait3A_87 = tpu.memref_slice %arg18[%dma_wait3A, %dma_wait3A_86] : memref<2x128xi32, #tpu.memory_space<vmem>> -> memref<1x128xi32, #tpu.memory_space<vmem>>
        %dma_wait3A_88 = tpu.memref_squeeze %dma_wait3A_87 : memref<1x128xi32, #tpu.memory_space<vmem>> -> memref<128xi32, #tpu.memory_space<vmem>>
        %dma_wait3A_89 = arith.constant 0 : i32
        %dma_wait3A_90 = arith.constant 0 : i32
        %dma_wait3A_91 = tpu.memref_slice %arg3[%dma_wait3A_89, %dma_wait3A_90] : memref<10240x64xf32, #tpu.memory_space<hbm>> -> memref<10240x64xf32, #tpu.memory_space<hbm>>
        tpu.wait_indirect_dma semaphore(%arg21 : memref<!tpu.dma_semaphore, #tpu.memory_space<semaphore_mem>>) src(%dma_wait3A_91 : memref<10240x64xf32, #tpu.memory_space<hbm>>) dst(%dma_wait3A_85 : memref<128x64xf32, #tpu.memory_space<vmem>>)
        %dma_start3A_92 = arith.constant 0 : i32
        %dma_start3A_93 = arith.constant 0 : i32
        %dma_start3A_94 = arith.constant 0 : i32
        %dma_start3A_95 = arith.constant 0 : i32
        %dma_start3A_96 = tpu.memref_slice %arg17[%dma_start3A_93, %dma_start3A_94, %dma_start3A_95] : memref<2x128x64xf32, #tpu.memory_space<vmem>> -> memref<1x128x64xf32, #tpu.memory_space<vmem>>
        %dma_start3A_97 = tpu.memref_squeeze %dma_start3A_96 : memref<1x128x64xf32, #tpu.memory_space<vmem>> -> memref<128x64xf32, #tpu.memory_space<vmem>>
        %dma_start3A_98 = arith.constant 0 : i32
        %dma_start3A_99 = tpu.memref_slice %arg19[%dma_start3A_92, %dma_start3A_98] : memref<2x128xi32, #tpu.memory_space<vmem>> -> memref<1x128xi32, #tpu.memory_space<vmem>>
        %dma_start3A_100 = tpu.memref_squeeze %dma_start3A_99 : memref<1x128xi32, #tpu.memory_space<vmem>> -> memref<128xi32, #tpu.memory_space<vmem>>
        %dma_start3A_101 = arith.constant 0 : i32
        %dma_start3A_102 = arith.constant 0 : i32
        %dma_start3A_103 = tpu.memref_slice %arg5[%dma_start3A_101, %dma_start3A_102] : memref<10240x64xf32, #tpu.memory_space<hbm>> -> memref<10240x64xf32, #tpu.memory_space<hbm>>
        tpu.enqueue_indirect_dma source(%dma_start3A_103 : memref<10240x64xf32, #tpu.memory_space<hbm>>) target(%dma_start3A_97 : memref<128x64xf32, #tpu.memory_space<vmem>>) offsets(%dma_start3A_100 : memref<128xi32, #tpu.memory_space<vmem>>) semaphore(%arg22 : memref<!tpu.dma_semaphore, #tpu.memory_space<semaphore_mem>>)
        %dma_wait3A_104 = arith.constant 0 : i32
        %dma_wait3A_105 = arith.constant 0 : i32
        %dma_wait3A_106 = arith.constant 0 : i32
        %dma_wait3A_107 = arith.constant 0 : i32
        %dma_wait3A_108 = tpu.memref_slice %arg17[%dma_wait3A_105, %dma_wait3A_106, %dma_wait3A_107] : memref<2x128x64xf32, #tpu.memory_space<vmem>> -> memref<1x128x64xf32, #tpu.memory_space<vmem>>
        %dma_wait3A_109 = tpu.memref_squeeze %dma_wait3A_108 : memref<1x128x64xf32, #tpu.memory_space<vmem>> -> memref<128x64xf32, #tpu.memory_space<vmem>>
        %dma_wait3A_110 = arith.constant 0 : i32
        %dma_wait3A_111 = tpu.memref_slice %arg19[%dma_wait3A_104, %dma_wait3A_110] : memref<2x128xi32, #tpu.memory_space<vmem>> -> memref<1x128xi32, #tpu.memory_space<vmem>>
        %dma_wait3A_112 = tpu.memref_squeeze %dma_wait3A_111 : memref<1x128xi32, #tpu.memory_space<vmem>> -> memref<128xi32, #tpu.memory_space<vmem>>
        %dma_wait3A_113 = arith.constant 0 : i32
        %dma_wait3A_114 = arith.constant 0 : i32
        %dma_wait3A_115 = tpu.memref_slice %arg5[%dma_wait3A_113, %dma_wait3A_114] : memref<10240x64xf32, #tpu.memory_space<hbm>> -> memref<10240x64xf32, #tpu.memory_space<hbm>>
        tpu.wait_indirect_dma semaphore(%arg22 : memref<!tpu.dma_semaphore, #tpu.memory_space<semaphore_mem>>) src(%dma_wait3A_115 : memref<10240x64xf32, #tpu.memory_space<hbm>>) dst(%dma_wait3A_109 : memref<128x64xf32, #tpu.memory_space<vmem>>)
        %scan3A_116 = arith.constant 0 : i32
        %scan3A_117 = arith.constant 128 : i32
        %scan3A_118 = arith.addi %scan3A_116, %scan3A_117 : i32
        %scan3A_119 = arith.constant 1 : i32
        scf.for %scan3A_123 = %scan3A_116 to %scan3A_118 step %scan3A_119  : i32 {
          %mul3A_124 = arith.constant 1 : i32
          %mul3A_125 = arith.muli %scan3A_123, %mul3A_124 : i32
          %add3A_126 = arith.constant 0 : i32
          %add3A_127 = arith.addi %add3A_126, %mul3A_125 : i32
          %get3A = arith.constant 0 : i32
          %get3A_128 = arith.index_cast %get3A : i32 to index
          %get3A_129 = arith.index_cast %add3A_127 : i32 to index
          %get3A_130 = arith.constant 0 : index
          %get3A_131 = tpu.vector_load %arg16[%get3A_128, %get3A_129, %get3A_130] {strides = array<i32>} : memref<2x128x64xf32, #tpu.memory_space<vmem>>, vector<1x1x16xf32>,
          %get3A_132 = vector.shape_cast %get3A_131 : vector<1x1x16xf32> to vector<16xf32>
          %get3A_133 = arith.constant 0 : i32
          %get3A_134 = arith.index_cast %get3A_133 : i32 to index
          %get3A_135 = arith.index_cast %add3A_127 : i32 to index
          %get3A_136 = arith.constant 0 : index
          %get3A_137 = tpu.vector_load %arg17[%get3A_134, %get3A_135, %get3A_136] {strides = array<i32>} : memref<2x128x64xf32, #tpu.memory_space<vmem>>, vector<1x1x16xf32>,
          %get3A_138 = vector.shape_cast %get3A_137 : vector<1x1x16xf32> to vector<16xf32>
          %add3A_139 = arith.addf %get3A_132, %get3A_138 : vector<16xf32>
          %max3A = arith.constant 0.000000e+00 : f32
          %max3A_140 = vector.broadcast %max3A : f32 to vector<16xf32>
          %max3A_141 = arith.maximumf %add3A_139, %max3A_140 : vector<16xf32>
          %swap3A = arith.constant 0 : i32
          %swap3A_142 = arith.index_cast %swap3A : i32 to index
          %swap3A_143 = arith.index_cast %add3A_127 : i32 to index
          %swap3A_144 = arith.constant 0 : index
          %swap3A_145 = tpu.vector_load %arg16[%swap3A_142, %swap3A_143, %swap3A_144] {strides = array<i32>} : memref<2x128x64xf32, #tpu.memory_space<vmem>>, vector<1x1x16xf32>,
          %swap3A_146 = vector.shape_cast %swap3A_145 : vector<1x1x16xf32> to vector<16xf32>
          %swap3A_147 = vector.shape_cast %max3A_141 : vector<16xf32> to vector<1x1x16xf32>
          tpu.vector_store %arg16[%swap3A_142, %swap3A_143, %swap3A_144], %swap3A_147 {strides = array<i32>} : memref<2x128x64xf32, #tpu.memory_space<vmem>>, vector<1x1x16xf32>,
          %get3A_148 = arith.constant 0 : i32
          %get3A_149 = arith.index_cast %get3A_148 : i32 to index
          %get3A_150 = arith.index_cast %add3A_127 : i32 to index
          %get3A_151 = arith.constant 16 : index
          %get3A_152 = tpu.vector_load %arg16[%get3A_149, %get3A_150, %get3A_151] {strides = array<i32>} : memref<2x128x64xf32, #tpu.memory_space<vmem>>, vector<1x1x16xf32>,
          %get3A_153 = vector.shape_cast %get3A_152 : vector<1x1x16xf32> to vector<16xf32>
          %get3A_154 = arith.constant 0 : i32
          %get3A_155 = arith.index_cast %get3A_154 : i32 to index
          %get3A_156 = arith.index_cast %add3A_127 : i32 to index
          %get3A_157 = arith.constant 16 : index
          %get3A_158 = tpu.vector_load %arg17[%get3A_155, %get3A_156, %get3A_157] {strides = array<i32>} : memref<2x128x64xf32, #tpu.memory_space<vmem>>, vector<1x1x16xf32>,
          %get3A_159 = vector.shape_cast %get3A_158 : vector<1x1x16xf32> to vector<16xf32>
          %add3A_160 = arith.addf %get3A_153, %get3A_159 : vector<16xf32>
          %max3A_161 = arith.constant 0.000000e+00 : f32
          %max3A_162 = vector.broadcast %max3A_161 : f32 to vector<16xf32>
          %max3A_163 = arith.maximumf %add3A_160, %max3A_162 : vector<16xf32>
          %swap3A_164 = arith.constant 0 : i32
          %swap3A_165 = arith.index_cast %swap3A_164 : i32 to index
          %swap3A_166 = arith.index_cast %add3A_127 : i32 to index
          %swap3A_167 = arith.constant 16 : index
          %swap3A_168 = tpu.vector_load %arg16[%swap3A_165, %swap3A_166, %swap3A_167] {strides = array<i32>} : memref<2x128x64xf32, #tpu.memory_space<vmem>>, vector<1x1x16xf32>,
          %swap3A_169 = vector.shape_cast %swap3A_168 : vector<1x1x16xf32> to vector<16xf32>
          %swap3A_170 = vector.shape_cast %max3A_163 : vector<16xf32> to vector<1x1x16xf32>
          tpu.vector_store %arg16[%swap3A_165, %swap3A_166, %swap3A_167], %swap3A_170 {strides = array<i32>} : memref<2x128x64xf32, #tpu.memory_space<vmem>>, vector<1x1x16xf32>,
          %get3A_171 = arith.constant 0 : i32
          %get3A_172 = arith.index_cast %get3A_171 : i32 to index
          %get3A_173 = arith.index_cast %add3A_127 : i32 to index
          %get3A_174 = arith.constant 32 : index
          %get3A_175 = tpu.vector_load %arg16[%get3A_172, %get3A_173, %get3A_174] {strides = array<i32>} : memref<2x128x64xf32, #tpu.memory_space<vmem>>, vector<1x1x16xf32>,
          %get3A_176 = vector.shape_cast %get3A_175 : vector<1x1x16xf32> to vector<16xf32>
          %get3A_177 = arith.constant 0 : i32
          %get3A_178 = arith.index_cast %get3A_177 : i32 to index
          %get3A_179 = arith.index_cast %add3A_127 : i32 to index
          %get3A_180 = arith.constant 32 : index
          %get3A_181 = tpu.vector_load %arg17[%get3A_178, %get3A_179, %get3A_180] {strides = array<i32>} : memref<2x128x64xf32, #tpu.memory_space<vmem>>, vector<1x1x16xf32>,
          %get3A_182 = vector.shape_cast %get3A_181 : vector<1x1x16xf32> to vector<16xf32>
          %add3A_183 = arith.addf %get3A_176, %get3A_182 : vector<16xf32>
          %max3A_184 = arith.constant 0.000000e+00 : f32
          %max3A_185 = vector.broadcast %max3A_184 : f32 to vector<16xf32>
          %max3A_186 = arith.maximumf %add3A_183, %max3A_185 : vector<16xf32>
          %swap3A_187 = arith.constant 0 : i32
          %swap3A_188 = arith.index_cast %swap3A_187 : i32 to index
          %swap3A_189 = arith.index_cast %add3A_127 : i32 to index
          %swap3A_190 = arith.constant 32 : index
          %swap3A_191 = tpu.vector_load %arg16[%swap3A_188, %swap3A_189, %swap3A_190] {strides = array<i32>} : memref<2x128x64xf32, #tpu.memory_space<vmem>>, vector<1x1x16xf32>,
          %swap3A_192 = vector.shape_cast %swap3A_191 : vector<1x1x16xf32> to vector<16xf32>
          %swap3A_193 = vector.shape_cast %max3A_186 : vector<16xf32> to vector<1x1x16xf32>
          tpu.vector_store %arg16[%swap3A_188, %swap3A_189, %swap3A_190], %swap3A_193 {strides = array<i32>} : memref<2x128x64xf32, #tpu.memory_space<vmem>>, vector<1x1x16xf32>,
          %get3A_194 = arith.constant 0 : i32
          %get3A_195 = arith.index_cast %get3A_194 : i32 to index
          %get3A_196 = arith.index_cast %add3A_127 : i32 to index
          %get3A_197 = arith.constant 48 : index
          %get3A_198 = tpu.vector_load %arg16[%get3A_195, %get3A_196, %get3A_197] {strides = array<i32>} : memref<2x128x64xf32, #tpu.memory_space<vmem>>, vector<1x1x16xf32>,
          %get3A_199 = vector.shape_cast %get3A_198 : vector<1x1x16xf32> to vector<16xf32>
          %get3A_200 = arith.constant 0 : i32
          %get3A_201 = arith.index_cast %get3A_200 : i32 to index
          %get3A_202 = arith.index_cast %add3A_127 : i32 to index
          %get3A_203 = arith.constant 48 : index
          %get3A_204 = tpu.vector_load %arg17[%get3A_201, %get3A_202, %get3A_203] {strides = array<i32>} : memref<2x128x64xf32, #tpu.memory_space<vmem>>, vector<1x1x16xf32>,
          %get3A_205 = vector.shape_cast %get3A_204 : vector<1x1x16xf32> to vector<16xf32>
          %add3A_206 = arith.addf %get3A_199, %get3A_205 : vector<16xf32>
          %max3A_207 = arith.constant 0.000000e+00 : f32
          %max3A_208 = vector.broadcast %max3A_207 : f32 to vector<16xf32>
          %max3A_209 = arith.maximumf %add3A_206, %max3A_208 : vector<16xf32>
          %swap3A_210 = arith.constant 0 : i32
          %swap3A_211 = arith.index_cast %swap3A_210 : i32 to index
          %swap3A_212 = arith.index_cast %add3A_127 : i32 to index
          %swap3A_213 = arith.constant 48 : index
          %swap3A_214 = tpu.vector_load %arg16[%swap3A_211, %swap3A_212, %swap3A_213] {strides = array<i32>} : memref<2x128x64xf32, #tpu.memory_space<vmem>>, vector<1x1x16xf32>,
          %swap3A_215 = vector.shape_cast %swap3A_214 : vector<1x1x16xf32> to vector<16xf32>
          %swap3A_216 = vector.shape_cast %max3A_209 : vector<16xf32> to vector<1x1x16xf32>
          tpu.vector_store %arg16[%swap3A_211, %swap3A_212, %swap3A_213], %swap3A_216 {strides = array<i32>} : memref<2x128x64xf32, #tpu.memory_space<vmem>>, vector<1x1x16xf32>,
        }
        %scan3A_120 = arith.constant 128 : i32
        %run_scoped3A_121 = arith.constant 0 : i32
        %run_scoped3A_122 = arith.constant 0 : i32
        "tpu.region"() ({
          %run_scoped3A_123 = tpu.sem_alloc : memref<!tpu.dma_semaphore, #tpu.memory_space<semaphore_mem>>
          %dma_start3A_124 = arith.constant 0 : i32
          %dma_start3A_125 = arith.constant 0 : i32
          %dma_start3A_126 = tpu.memref_slice %arg16[%run_scoped3A_121, %dma_start3A_124, %dma_start3A_125] : memref<2x128x64xf32, #tpu.memory_space<vmem>> -> memref<1x128x64xf32, #tpu.memory_space<vmem>>
          %dma_start3A_127 = tpu.memref_squeeze %dma_start3A_126 : memref<1x128x64xf32, #tpu.memory_space<vmem>> -> memref<128x64xf32, #tpu.memory_space<vmem>>
          %dma_start3A_128 = arith.constant 0 : i32
          %dma_start3A_129 = tpu.memref_slice %arg18[%run_scoped3A_122, %dma_start3A_128] : memref<2x128xi32, #tpu.memory_space<vmem>> -> memref<1x128xi32, #tpu.memory_space<vmem>>
          %dma_start3A_130 = tpu.memref_squeeze %dma_start3A_129 : memref<1x128xi32, #tpu.memory_space<vmem>> -> memref<128xi32, #tpu.memory_space<vmem>>
          %dma_start3A_131 = arith.constant 0 : i32
          %dma_start3A_132 = arith.constant 0 : i32
          %dma_start3A_133 = tpu.memref_slice %arg20[%dma_start3A_131, %dma_start3A_132] : memref<10240x64xf32, #tpu.memory_space<vmem_shared>> -> memref<10240x64xf32, #tpu.memory_space<vmem_shared>>
          tpu.enqueue_indirect_dma source(%dma_start3A_127 : memref<128x64xf32, #tpu.memory_space<vmem>>) target(%dma_start3A_133 : memref<10240x64xf32, #tpu.memory_space<vmem_shared>>) offsets(%dma_start3A_130 : memref<128xi32, #tpu.memory_space<vmem>>) semaphore(%run_scoped3A_123 : memref<!tpu.dma_semaphore, #tpu.memory_space<semaphore_mem>>) {add = true}
          %dma_wait3A_134 = arith.constant 0 : i32
          %dma_wait3A_135 = arith.constant 0 : i32
          %dma_wait3A_136 = tpu.memref_slice %arg16[%run_scoped3A_121, %dma_wait3A_134, %dma_wait3A_135] : memref<2x128x64xf32, #tpu.memory_space<vmem>> -> memref<1x128x64xf32, #tpu.memory_space<vmem>>
          %dma_wait3A_137 = tpu.memref_squeeze %dma_wait3A_136 : memref<1x128x64xf32, #tpu.memory_space<vmem>> -> memref<128x64xf32, #tpu.memory_space<vmem>>
          %dma_wait3A_138 = arith.constant 0 : i32
          %dma_wait3A_139 = tpu.memref_slice %arg18[%run_scoped3A_122, %dma_wait3A_138] : memref<2x128xi32, #tpu.memory_space<vmem>> -> memref<1x128xi32, #tpu.memory_space<vmem>>
          %dma_wait3A_140 = tpu.memref_squeeze %dma_wait3A_139 : memref<1x128xi32, #tpu.memory_space<vmem>> -> memref<128xi32, #tpu.memory_space<vmem>>
          %dma_wait3A_141 = arith.constant 0 : i32
          %dma_wait3A_142 = arith.constant 0 : i32
          %dma_wait3A_143 = tpu.memref_slice %arg20[%dma_wait3A_141, %dma_wait3A_142] : memref<10240x64xf32, #tpu.memory_space<vmem_shared>> -> memref<10240x64xf32, #tpu.memory_space<vmem_shared>>
          tpu.wait_indirect_dma semaphore(%run_scoped3A_123 : memref<!tpu.dma_semaphore, #tpu.memory_space<semaphore_mem>>) src(%dma_wait3A_137 : memref<128x64xf32, #tpu.memory_space<vmem>>) dst(%dma_wait3A_143 : memref<10240x64xf32, #tpu.memory_space<vmem_shared>>)
          tpu.yield
        }) : () -> ()
      }
      %scan3A_29 = arith.constant 157 : i32
      %barrier3A_30 = arith.constant 0 : index
      tpu.barrier barrier_id(%barrier3A_30)
      "tpu.region"() ({
        %run_scoped3A_58 = tpu.sem_alloc : memref<!tpu.dma_semaphore, #tpu.memory_space<semaphore_mem>>
        %dma_start3A = arith.constant 0 : i32
        %dma_start3A_59 = tpu.memref_slice %arg13[%mul3A_0, %dma_start3A] : memref<10240x64xf32, #tpu.memory_space<hbm>> -> memref<640x64xf32, #tpu.memory_space<hbm>>
        %dma_start3A_60 = arith.constant 0 : i32
        %dma_start3A_61 = tpu.memref_slice %arg20[%mul3A_0, %dma_start3A_60] : memref<10240x64xf32, #tpu.memory_space<vmem_shared>> -> memref<640x64xf32, #tpu.memory_space<vmem_shared>>
        tpu.enqueue_dma source(%dma_start3A_61 : memref<640x64xf32, #tpu.memory_space<vmem_shared>>) target(%dma_start3A_59 : memref<640x64xf32, #tpu.memory_space<hbm>>) target_semaphore(%run_scoped3A_58 : memref<!tpu.dma_semaphore, #tpu.memory_space<semaphore_mem>>)
        %dma_wait3A = arith.constant 0 : i32
        %dma_wait3A_62 = tpu.memref_slice %arg13[%mul3A_0, %dma_wait3A] : memref<10240x64xf32, #tpu.memory_space<hbm>> -> memref<640x64xf32, #tpu.memory_space<hbm>>
        %dma_wait3A_63 = arith.constant 0 : i32
        %dma_wait3A_64 = tpu.memref_slice %arg20[%mul3A_0, %dma_wait3A_63] : memref<10240x64xf32, #tpu.memory_space<vmem_shared>> -> memref<640x64xf32, #tpu.memory_space<vmem_shared>>
        tpu.wait_dma2 semaphore(%run_scoped3A_58 : memref<!tpu.dma_semaphore, #tpu.memory_space<semaphore_mem>>) src(%dma_wait3A_64 : memref<640x64xf32, #tpu.memory_space<vmem_shared>>) dst(%dma_wait3A_62 : memref<640x64xf32, #tpu.memory_space<hbm>>)
        tpu.yield
      }) : () -> ()
      %scan3A_31 = arith.constant 0 : i32
      %scan3A_32 = arith.constant 128 : i32
      %scan3A_33 = arith.addi %scan3A_31, %scan3A_32 : i32
      %scan3A_34 = arith.constant 1 : i32
      scf.for %scan3A_58 = %scan3A_31 to %scan3A_33 step %scan3A_34  : i32 {
        %mul3A_59 = arith.constant 1 : i32
        %mul3A_60 = arith.muli %scan3A_58, %mul3A_59 : i32
        %add3A_61 = arith.constant 0 : i32
        %add3A_62 = arith.addi %add3A_61, %mul3A_60 : i32
        %broadcast_in_dim3A = arith.constant 0.000000e+00 : f32
        %broadcast_in_dim3A_63 = vector.broadcast %broadcast_in_dim3A : f32 to vector<16xf32>
        %swap3A = arith.constant 0 : i32
        %swap3A_64 = arith.index_cast %swap3A : i32 to index
        %swap3A_65 = arith.index_cast %add3A_62 : i32 to index
        %swap3A_66 = arith.constant 0 : index
        %swap3A_67 = tpu.vector_load %arg16[%swap3A_64, %swap3A_65, %swap3A_66] {strides = array<i32>} : memref<2x128x64xf32, #tpu.memory_space<vmem>>, vector<1x1x16xf32>,
        %swap3A_68 = vector.shape_cast %swap3A_67 : vector<1x1x16xf32> to vector<16xf32>
        %swap3A_69 = vector.shape_cast %broadcast_in_dim3A_63 : vector<16xf32> to vector<1x1x16xf32>
        tpu.vector_store %arg16[%swap3A_64, %swap3A_65, %swap3A_66], %swap3A_69 {strides = array<i32>} : memref<2x128x64xf32, #tpu.memory_space<vmem>>, vector<1x1x16xf32>,
        %broadcast_in_dim3A_70 = arith.constant 0.000000e+00 : f32
        %broadcast_in_dim3A_71 = vector.broadcast %broadcast_in_dim3A_70 : f32 to vector<16xf32>
        %swap3A_72 = arith.constant 0 : i32
        %swap3A_73 = arith.index_cast %swap3A_72 : i32 to index
        %swap3A_74 = arith.index_cast %add3A_62 : i32 to index
        %swap3A_75 = arith.constant 16 : index
        %swap3A_76 = tpu.vector_load %arg16[%swap3A_73, %swap3A_74, %swap3A_75] {strides = array<i32>} : memref<2x128x64xf32, #tpu.memory_space<vmem>>, vector<1x1x16xf32>,
        %swap3A_77 = vector.shape_cast %swap3A_76 : vector<1x1x16xf32> to vector<16xf32>
        %swap3A_78 = vector.shape_cast %broadcast_in_dim3A_71 : vector<16xf32> to vector<1x1x16xf32>
        tpu.vector_store %arg16[%swap3A_73, %swap3A_74, %swap3A_75], %swap3A_78 {strides = array<i32>} : memref<2x128x64xf32, #tpu.memory_space<vmem>>, vector<1x1x16xf32>,
        %broadcast_in_dim3A_79 = arith.constant 0.000000e+00 : f32
        %broadcast_in_dim3A_80 = vector.broadcast %broadcast_in_dim3A_79 : f32 to vector<16xf32>
        %swap3A_81 = arith.constant 0 : i32
        %swap3A_82 = arith.index_cast %swap3A_81 : i32 to index
        %swap3A_83 = arith.index_cast %add3A_62 : i32 to index
        %swap3A_84 = arith.constant 32 : index
        %swap3A_85 = tpu.vector_load %arg16[%swap3A_82, %swap3A_83, %swap3A_84] {strides = array<i32>} : memref<2x128x64xf32, #tpu.memory_space<vmem>>, vector<1x1x16xf32>,
        %swap3A_86 = vector.shape_cast %swap3A_85 : vector<1x1x16xf32> to vector<16xf32>
        %swap3A_87 = vector.shape_cast %broadcast_in_dim3A_80 : vector<16xf32> to vector<1x1x16xf32>
        tpu.vector_store %arg16[%swap3A_82, %swap3A_83, %swap3A_84], %swap3A_87 {strides = array<i32>} : memref<2x128x64xf32, #tpu.memory_space<vmem>>, vector<1x1x16xf32>,
        %broadcast_in_dim3A_88 = arith.constant 0.000000e+00 : f32
        %broadcast_in_dim3A_89 = vector.broadcast %broadcast_in_dim3A_88 : f32 to vector<16xf32>
        %swap3A_90 = arith.constant 0 : i32
        %swap3A_91 = arith.index_cast %swap3A_90 : i32 to index
        %swap3A_92 = arith.index_cast %add3A_62 : i32 to index
        %swap3A_93 = arith.constant 48 : index
        %swap3A_94 = tpu.vector_load %arg16[%swap3A_91, %swap3A_92, %swap3A_93] {strides = array<i32>} : memref<2x128x64xf32, #tpu.memory_space<vmem>>, vector<1x1x16xf32>,
        %swap3A_95 = vector.shape_cast %swap3A_94 : vector<1x1x16xf32> to vector<16xf32>
        %swap3A_96 = vector.shape_cast %broadcast_in_dim3A_89 : vector<16xf32> to vector<1x1x16xf32>
        tpu.vector_store %arg16[%swap3A_91, %swap3A_92, %swap3A_93], %swap3A_96 {strides = array<i32>} : memref<2x128x64xf32, #tpu.memory_space<vmem>>, vector<1x1x16xf32>,
      }
      %scan3A_35 = arith.constant 128 : i32
      %add3A_36 = arith.constant 0 : i32
      %add3A_37 = arith.addi %mul3A_0, %add3A_36 : i32
      %run_scoped3A_38 = arith.constant 0 : i32
      "tpu.region"() ({
        %run_scoped3A_58 = tpu.sem_alloc : memref<!tpu.dma_semaphore, #tpu.memory_space<semaphore_mem>>
        %dma_start3A = arith.constant 0 : i32
        %dma_start3A_59 = arith.constant 0 : i32
        %dma_start3A_60 = tpu.memref_slice %arg16[%run_scoped3A_38, %dma_start3A, %dma_start3A_59] : memref<2x128x64xf32, #tpu.memory_space<vmem>> -> memref<1x128x64xf32, #tpu.memory_space<vmem>>
        %dma_start3A_61 = tpu.memref_squeeze %dma_start3A_60 : memref<1x128x64xf32, #tpu.memory_space<vmem>> -> memref<128x64xf32, #tpu.memory_space<vmem>>
        %dma_start3A_62 = arith.constant 0 : i32
        %dma_start3A_63 = tpu.memref_slice %arg20[%add3A_37, %dma_start3A_62] : memref<10240x64xf32, #tpu.memory_space<vmem_shared>> -> memref<128x64xf32, #tpu.memory_space<vmem_shared>>
        %dma_start3A_64 = arith.constant 0 : i32
        %dma_start3A_65 = tpu.memref_slice %arg20[%add3A_37, %dma_start3A_64] : memref<10240x64xf32, #tpu.memory_space<vmem_shared>> -> memref<128x64xf32, #tpu.memory_space<vmem_shared>>
        %dma_start3A_66 = arith.constant 0 : i32
        %dma_start3A_67 = arith.constant 0 : i32
        %dma_start3A_68 = tpu.memref_slice %arg16[%run_scoped3A_38, %dma_start3A_66, %dma_start3A_67] : memref<2x128x64xf32, #tpu.memory_space<vmem>> -> memref<1x128x64xf32, #tpu.memory_space<vmem>>
        %dma_start3A_69 = tpu.memref_squeeze %dma_start3A_68 : memref<1x128x64xf32, #tpu.memory_space<vmem>> -> memref<128x64xf32, #tpu.memory_space<vmem>>
        tpu.enqueue_dma source(%dma_start3A_69 : memref<128x64xf32, #tpu.memory_space<vmem>>) target(%dma_start3A_65 : memref<128x64xf32, #tpu.memory_space<vmem_shared>>) target_semaphore(%run_scoped3A_58 : memref<!tpu.dma_semaphore, #tpu.memory_space<semaphore_mem>>)
        %dma_wait3A = arith.constant 0 : i32
        %dma_wait3A_70 = arith.constant 0 : i32
        %dma_wait3A_71 = tpu.memref_slice %arg16[%run_scoped3A_38, %dma_wait3A, %dma_wait3A_70] : memref<2x128x64xf32, #tpu.memory_space<vmem>> -> memref<1x128x64xf32, #tpu.memory_space<vmem>>
        %dma_wait3A_72 = tpu.memref_squeeze %dma_wait3A_71 : memref<1x128x64xf32, #tpu.memory_space<vmem>> -> memref<128x64xf32, #tpu.memory_space<vmem>>
        %dma_wait3A_73 = arith.constant 0 : i32
        %dma_wait3A_74 = tpu.memref_slice %arg20[%add3A_37, %dma_wait3A_73] : memref<10240x64xf32, #tpu.memory_space<vmem_shared>> -> memref<128x64xf32, #tpu.memory_space<vmem_shared>>
        %dma_wait3A_75 = arith.constant 0 : i32
        %dma_wait3A_76 = tpu.memref_slice %arg20[%add3A_37, %dma_wait3A_75] : memref<10240x64xf32, #tpu.memory_space<vmem_shared>> -> memref<128x64xf32, #tpu.memory_space<vmem_shared>>
        %dma_wait3A_77 = arith.constant 0 : i32
        %dma_wait3A_78 = arith.constant 0 : i32
        %dma_wait3A_79 = tpu.memref_slice %arg16[%run_scoped3A_38, %dma_wait3A_77, %dma_wait3A_78] : memref<2x128x64xf32, #tpu.memory_space<vmem>> -> memref<1x128x64xf32, #tpu.memory_space<vmem>>
        %dma_wait3A_80 = tpu.memref_squeeze %dma_wait3A_79 : memref<1x128x64xf32, #tpu.memory_space<vmem>> -> memref<128x64xf32, #tpu.memory_space<vmem>>
        tpu.wait_dma2 semaphore(%run_scoped3A_58 : memref<!tpu.dma_semaphore, #tpu.memory_space<semaphore_mem>>) src(%dma_wait3A_80 : memref<128x64xf32, #tpu.memory_space<vmem>>) dst(%dma_wait3A_76 : memref<128x64xf32, #tpu.memory_space<vmem_shared>>)
        tpu.yield
      }) : () -> ()
      %add3A_39 = arith.constant 128 : i32
      %add3A_40 = arith.addi %mul3A_0, %add3A_39 : i32
      %run_scoped3A_41 = arith.constant 0 : i32
      "tpu.region"() ({
        %run_scoped3A_58 = tpu.sem_alloc : memref<!tpu.dma_semaphore, #tpu.memory_space<semaphore_mem>>
        %dma_start3A = arith.constant 0 : i32
        %dma_start3A_59 = arith.constant 0 : i32
        %dma_start3A_60 = tpu.memref_slice %arg16[%run_scoped3A_41, %dma_start3A, %dma_start3A_59] : memref<2x128x64xf32, #tpu.memory_space<vmem>> -> memref<1x128x64xf32, #tpu.memory_space<vmem>>
        %dma_start3A_61 = tpu.memref_squeeze %dma_start3A_60 : memref<1x128x64xf32, #tpu.memory_space<vmem>> -> memref<128x64xf32, #tpu.memory_space<vmem>>
        %dma_start3A_62 = arith.constant 0 : i32
        %dma_start3A_63 = tpu.memref_slice %arg20[%add3A_40, %dma_start3A_62] : memref<10240x64xf32, #tpu.memory_space<vmem_shared>> -> memref<128x64xf32, #tpu.memory_space<vmem_shared>>
        %dma_start3A_64 = arith.constant 0 : i32
        %dma_start3A_65 = tpu.memref_slice %arg20[%add3A_40, %dma_start3A_64] : memref<10240x64xf32, #tpu.memory_space<vmem_shared>> -> memref<128x64xf32, #tpu.memory_space<vmem_shared>>
        %dma_start3A_66 = arith.constant 0 : i32
        %dma_start3A_67 = arith.constant 0 : i32
        %dma_start3A_68 = tpu.memref_slice %arg16[%run_scoped3A_41, %dma_start3A_66, %dma_start3A_67] : memref<2x128x64xf32, #tpu.memory_space<vmem>> -> memref<1x128x64xf32, #tpu.memory_space<vmem>>
        %dma_start3A_69 = tpu.memref_squeeze %dma_start3A_68 : memref<1x128x64xf32, #tpu.memory_space<vmem>> -> memref<128x64xf32, #tpu.memory_space<vmem>>
        tpu.enqueue_dma source(%dma_start3A_69 : memref<128x64xf32, #tpu.memory_space<vmem>>) target(%dma_start3A_65 : memref<128x64xf32, #tpu.memory_space<vmem_shared>>) target_semaphore(%run_scoped3A_58 : memref<!tpu.dma_semaphore, #tpu.memory_space<semaphore_mem>>)
        %dma_wait3A = arith.constant 0 : i32
        %dma_wait3A_70 = arith.constant 0 : i32
        %dma_wait3A_71 = tpu.memref_slice %arg16[%run_scoped3A_41, %dma_wait3A, %dma_wait3A_70] : memref<2x128x64xf32, #tpu.memory_space<vmem>> -> memref<1x128x64xf32, #tpu.memory_space<vmem>>
        %dma_wait3A_72 = tpu.memref_squeeze %dma_wait3A_71 : memref<1x128x64xf32, #tpu.memory_space<vmem>> -> memref<128x64xf32, #tpu.memory_space<vmem>>
        %dma_wait3A_73 = arith.constant 0 : i32
        %dma_wait3A_74 = tpu.memref_slice %arg20[%add3A_40, %dma_wait3A_73] : memref<10240x64xf32, #tpu.memory_space<vmem_shared>> -> memref<128x64xf32, #tpu.memory_space<vmem_shared>>
        %dma_wait3A_75 = arith.constant 0 : i32
        %dma_wait3A_76 = tpu.memref_slice %arg20[%add3A_40, %dma_wait3A_75] : memref<10240x64xf32, #tpu.memory_space<vmem_shared>> -> memref<128x64xf32, #tpu.memory_space<vmem_shared>>
        %dma_wait3A_77 = arith.constant 0 : i32
        %dma_wait3A_78 = arith.constant 0 : i32
        %dma_wait3A_79 = tpu.memref_slice %arg16[%run_scoped3A_41, %dma_wait3A_77, %dma_wait3A_78] : memref<2x128x64xf32, #tpu.memory_space<vmem>> -> memref<1x128x64xf32, #tpu.memory_space<vmem>>
        %dma_wait3A_80 = tpu.memref_squeeze %dma_wait3A_79 : memref<1x128x64xf32, #tpu.memory_space<vmem>> -> memref<128x64xf32, #tpu.memory_space<vmem>>
        tpu.wait_dma2 semaphore(%run_scoped3A_58 : memref<!tpu.dma_semaphore, #tpu.memory_space<semaphore_mem>>) src(%dma_wait3A_80 : memref<128x64xf32, #tpu.memory_space<vmem>>) dst(%dma_wait3A_76 : memref<128x64xf32, #tpu.memory_space<vmem_shared>>)
        tpu.yield
      }) : () -> ()
      %add3A_42 = arith.constant 256 : i32
      %add3A_43 = arith.addi %mul3A_0, %add3A_42 : i32
      %run_scoped3A_44 = arith.constant 0 : i32
      "tpu.region"() ({
        %run_scoped3A_58 = tpu.sem_alloc : memref<!tpu.dma_semaphore, #tpu.memory_space<semaphore_mem>>
        %dma_start3A = arith.constant 0 : i32
        %dma_start3A_59 = arith.constant 0 : i32
        %dma_start3A_60 = tpu.memref_slice %arg16[%run_scoped3A_44, %dma_start3A, %dma_start3A_59] : memref<2x128x64xf32, #tpu.memory_space<vmem>> -> memref<1x128x64xf32, #tpu.memory_space<vmem>>
        %dma_start3A_61 = tpu.memref_squeeze %dma_start3A_60 : memref<1x128x64xf32, #tpu.memory_space<vmem>> -> memref<128x64xf32, #tpu.memory_space<vmem>>
        %dma_start3A_62 = arith.constant 0 : i32
        %dma_start3A_63 = tpu.memref_slice %arg20[%add3A_43, %dma_start3A_62] : memref<10240x64xf32, #tpu.memory_space<vmem_shared>> -> memref<128x64xf32, #tpu.memory_space<vmem_shared>>
        %dma_start3A_64 = arith.constant 0 : i32
        %dma_start3A_65 = tpu.memref_slice %arg20[%add3A_43, %dma_start3A_64] : memref<10240x64xf32, #tpu.memory_space<vmem_shared>> -> memref<128x64xf32, #tpu.memory_space<vmem_shared>>
        %dma_start3A_66 = arith.constant 0 : i32
        %dma_start3A_67 = arith.constant 0 : i32
        %dma_start3A_68 = tpu.memref_slice %arg16[%run_scoped3A_44, %dma_start3A_66, %dma_start3A_67] : memref<2x128x64xf32, #tpu.memory_space<vmem>> -> memref<1x128x64xf32, #tpu.memory_space<vmem>>
        %dma_start3A_69 = tpu.memref_squeeze %dma_start3A_68 : memref<1x128x64xf32, #tpu.memory_space<vmem>> -> memref<128x64xf32, #tpu.memory_space<vmem>>
        tpu.enqueue_dma source(%dma_start3A_69 : memref<128x64xf32, #tpu.memory_space<vmem>>) target(%dma_start3A_65 : memref<128x64xf32, #tpu.memory_space<vmem_shared>>) target_semaphore(%run_scoped3A_58 : memref<!tpu.dma_semaphore, #tpu.memory_space<semaphore_mem>>)
        %dma_wait3A = arith.constant 0 : i32
        %dma_wait3A_70 = arith.constant 0 : i32
        %dma_wait3A_71 = tpu.memref_slice %arg16[%run_scoped3A_44, %dma_wait3A, %dma_wait3A_70] : memref<2x128x64xf32, #tpu.memory_space<vmem>> -> memref<1x128x64xf32, #tpu.memory_space<vmem>>
        %dma_wait3A_72 = tpu.memref_squeeze %dma_wait3A_71 : memref<1x128x64xf32, #tpu.memory_space<vmem>> -> memref<128x64xf32, #tpu.memory_space<vmem>>
        %dma_wait3A_73 = arith.constant 0 : i32
        %dma_wait3A_74 = tpu.memref_slice %arg20[%add3A_43, %dma_wait3A_73] : memref<10240x64xf32, #tpu.memory_space<vmem_shared>> -> memref<128x64xf32, #tpu.memory_space<vmem_shared>>
        %dma_wait3A_75 = arith.constant 0 : i32
        %dma_wait3A_76 = tpu.memref_slice %arg20[%add3A_43, %dma_wait3A_75] : memref<10240x64xf32, #tpu.memory_space<vmem_shared>> -> memref<128x64xf32, #tpu.memory_space<vmem_shared>>
        %dma_wait3A_77 = arith.constant 0 : i32
        %dma_wait3A_78 = arith.constant 0 : i32
        %dma_wait3A_79 = tpu.memref_slice %arg16[%run_scoped3A_44, %dma_wait3A_77, %dma_wait3A_78] : memref<2x128x64xf32, #tpu.memory_space<vmem>> -> memref<1x128x64xf32, #tpu.memory_space<vmem>>
        %dma_wait3A_80 = tpu.memref_squeeze %dma_wait3A_79 : memref<1x128x64xf32, #tpu.memory_space<vmem>> -> memref<128x64xf32, #tpu.memory_space<vmem>>
        tpu.wait_dma2 semaphore(%run_scoped3A_58 : memref<!tpu.dma_semaphore, #tpu.memory_space<semaphore_mem>>) src(%dma_wait3A_80 : memref<128x64xf32, #tpu.memory_space<vmem>>) dst(%dma_wait3A_76 : memref<128x64xf32, #tpu.memory_space<vmem_shared>>)
        tpu.yield
      }) : () -> ()
      %add3A_45 = arith.constant 384 : i32
      %add3A_46 = arith.addi %mul3A_0, %add3A_45 : i32
      %run_scoped3A_47 = arith.constant 0 : i32
      "tpu.region"() ({
        %run_scoped3A_58 = tpu.sem_alloc : memref<!tpu.dma_semaphore, #tpu.memory_space<semaphore_mem>>
        %dma_start3A = arith.constant 0 : i32
        %dma_start3A_59 = arith.constant 0 : i32
        %dma_start3A_60 = tpu.memref_slice %arg16[%run_scoped3A_47, %dma_start3A, %dma_start3A_59] : memref<2x128x64xf32, #tpu.memory_space<vmem>> -> memref<1x128x64xf32, #tpu.memory_space<vmem>>
        %dma_start3A_61 = tpu.memref_squeeze %dma_start3A_60 : memref<1x128x64xf32, #tpu.memory_space<vmem>> -> memref<128x64xf32, #tpu.memory_space<vmem>>
        %dma_start3A_62 = arith.constant 0 : i32
        %dma_start3A_63 = tpu.memref_slice %arg20[%add3A_46, %dma_start3A_62] : memref<10240x64xf32, #tpu.memory_space<vmem_shared>> -> memref<128x64xf32, #tpu.memory_space<vmem_shared>>
        %dma_start3A_64 = arith.constant 0 : i32
        %dma_start3A_65 = tpu.memref_slice %arg20[%add3A_46, %dma_start3A_64] : memref<10240x64xf32, #tpu.memory_space<vmem_shared>> -> memref<128x64xf32, #tpu.memory_space<vmem_shared>>
        %dma_start3A_66 = arith.constant 0 : i32
        %dma_start3A_67 = arith.constant 0 : i32
        %dma_start3A_68 = tpu.memref_slice %arg16[%run_scoped3A_47, %dma_start3A_66, %dma_start3A_67] : memref<2x128x64xf32, #tpu.memory_space<vmem>> -> memref<1x128x64xf32, #tpu.memory_space<vmem>>
        %dma_start3A_69 = tpu.memref_squeeze %dma_start3A_68 : memref<1x128x64xf32, #tpu.memory_space<vmem>> -> memref<128x64xf32, #tpu.memory_space<vmem>>
        tpu.enqueue_dma source(%dma_start3A_69 : memref<128x64xf32, #tpu.memory_space<vmem>>) target(%dma_start3A_65 : memref<128x64xf32, #tpu.memory_space<vmem_shared>>) target_semaphore(%run_scoped3A_58 : memref<!tpu.dma_semaphore, #tpu.memory_space<semaphore_mem>>)
        %dma_wait3A = arith.constant 0 : i32
        %dma_wait3A_70 = arith.constant 0 : i32
        %dma_wait3A_71 = tpu.memref_slice %arg16[%run_scoped3A_47, %dma_wait3A, %dma_wait3A_70] : memref<2x128x64xf32, #tpu.memory_space<vmem>> -> memref<1x128x64xf32, #tpu.memory_space<vmem>>
        %dma_wait3A_72 = tpu.memref_squeeze %dma_wait3A_71 : memref<1x128x64xf32, #tpu.memory_space<vmem>> -> memref<128x64xf32, #tpu.memory_space<vmem>>
        %dma_wait3A_73 = arith.constant 0 : i32
        %dma_wait3A_74 = tpu.memref_slice %arg20[%add3A_46, %dma_wait3A_73] : memref<10240x64xf32, #tpu.memory_space<vmem_shared>> -> memref<128x64xf32, #tpu.memory_space<vmem_shared>>
        %dma_wait3A_75 = arith.constant 0 : i32
        %dma_wait3A_76 = tpu.memref_slice %arg20[%add3A_46, %dma_wait3A_75] : memref<10240x64xf32, #tpu.memory_space<vmem_shared>> -> memref<128x64xf32, #tpu.memory_space<vmem_shared>>
        %dma_wait3A_77 = arith.constant 0 : i32
        %dma_wait3A_78 = arith.constant 0 : i32
        %dma_wait3A_79 = tpu.memref_slice %arg16[%run_scoped3A_47, %dma_wait3A_77, %dma_wait3A_78] : memref<2x128x64xf32, #tpu.memory_space<vmem>> -> memref<1x128x64xf32, #tpu.memory_space<vmem>>
        %dma_wait3A_80 = tpu.memref_squeeze %dma_wait3A_79 : memref<1x128x64xf32, #tpu.memory_space<vmem>> -> memref<128x64xf32, #tpu.memory_space<vmem>>
        tpu.wait_dma2 semaphore(%run_scoped3A_58 : memref<!tpu.dma_semaphore, #tpu.memory_space<semaphore_mem>>) src(%dma_wait3A_80 : memref<128x64xf32, #tpu.memory_space<vmem>>) dst(%dma_wait3A_76 : memref<128x64xf32, #tpu.memory_space<vmem_shared>>)
        tpu.yield
      }) : () -> ()
      %add3A_48 = arith.constant 512 : i32
      %add3A_49 = arith.addi %mul3A_0, %add3A_48 : i32
      %run_scoped3A_50 = arith.constant 0 : i32
      "tpu.region"() ({
        %run_scoped3A_58 = tpu.sem_alloc : memref<!tpu.dma_semaphore, #tpu.memory_space<semaphore_mem>>
        %dma_start3A = arith.constant 0 : i32
        %dma_start3A_59 = arith.constant 0 : i32
        %dma_start3A_60 = tpu.memref_slice %arg16[%run_scoped3A_50, %dma_start3A, %dma_start3A_59] : memref<2x128x64xf32, #tpu.memory_space<vmem>> -> memref<1x128x64xf32, #tpu.memory_space<vmem>>
        %dma_start3A_61 = tpu.memref_squeeze %dma_start3A_60 : memref<1x128x64xf32, #tpu.memory_space<vmem>> -> memref<128x64xf32, #tpu.memory_space<vmem>>
        %dma_start3A_62 = arith.constant 0 : i32
        %dma_start3A_63 = tpu.memref_slice %arg20[%add3A_49, %dma_start3A_62] : memref<10240x64xf32, #tpu.memory_space<vmem_shared>> -> memref<128x64xf32, #tpu.memory_space<vmem_shared>>
        %dma_start3A_64 = arith.constant 0 : i32
        %dma_start3A_65 = tpu.memref_slice %arg20[%add3A_49, %dma_start3A_64] : memref<10240x64xf32, #tpu.memory_space<vmem_shared>> -> memref<128x64xf32, #tpu.memory_space<vmem_shared>>
        %dma_start3A_66 = arith.constant 0 : i32
        %dma_start3A_67 = arith.constant 0 : i32
        %dma_start3A_68 = tpu.memref_slice %arg16[%run_scoped3A_50, %dma_start3A_66, %dma_start3A_67] : memref<2x128x64xf32, #tpu.memory_space<vmem>> -> memref<1x128x64xf32, #tpu.memory_space<vmem>>
        %dma_start3A_69 = tpu.memref_squeeze %dma_start3A_68 : memref<1x128x64xf32, #tpu.memory_space<vmem>> -> memref<128x64xf32, #tpu.memory_space<vmem>>
        tpu.enqueue_dma source(%dma_start3A_69 : memref<128x64xf32, #tpu.memory_space<vmem>>) target(%dma_start3A_65 : memref<128x64xf32, #tpu.memory_space<vmem_shared>>) target_semaphore(%run_scoped3A_58 : memref<!tpu.dma_semaphore, #tpu.memory_space<semaphore_mem>>)
        %dma_wait3A = arith.constant 0 : i32
        %dma_wait3A_70 = arith.constant 0 : i32
        %dma_wait3A_71 = tpu.memref_slice %arg16[%run_scoped3A_50, %dma_wait3A, %dma_wait3A_70] : memref<2x128x64xf32, #tpu.memory_space<vmem>> -> memref<1x128x64xf32, #tpu.memory_space<vmem>>
        %dma_wait3A_72 = tpu.memref_squeeze %dma_wait3A_71 : memref<1x128x64xf32, #tpu.memory_space<vmem>> -> memref<128x64xf32, #tpu.memory_space<vmem>>
        %dma_wait3A_73 = arith.constant 0 : i32
        %dma_wait3A_74 = tpu.memref_slice %arg20[%add3A_49, %dma_wait3A_73] : memref<10240x64xf32, #tpu.memory_space<vmem_shared>> -> memref<128x64xf32, #tpu.memory_space<vmem_shared>>
        %dma_wait3A_75 = arith.constant 0 : i32
        %dma_wait3A_76 = tpu.memref_slice %arg20[%add3A_49, %dma_wait3A_75] : memref<10240x64xf32, #tpu.memory_space<vmem_shared>> -> memref<128x64xf32, #tpu.memory_space<vmem_shared>>
        %dma_wait3A_77 = arith.constant 0 : i32
        %dma_wait3A_78 = arith.constant 0 : i32
        %dma_wait3A_79 = tpu.memref_slice %arg16[%run_scoped3A_50, %dma_wait3A_77, %dma_wait3A_78] : memref<2x128x64xf32, #tpu.memory_space<vmem>> -> memref<1x128x64xf32, #tpu.memory_space<vmem>>
        %dma_wait3A_80 = tpu.memref_squeeze %dma_wait3A_79 : memref<1x128x64xf32, #tpu.memory_space<vmem>> -> memref<128x64xf32, #tpu.memory_space<vmem>>
        tpu.wait_dma2 semaphore(%run_scoped3A_58 : memref<!tpu.dma_semaphore, #tpu.memory_space<semaphore_mem>>) src(%dma_wait3A_80 : memref<128x64xf32, #tpu.memory_space<vmem>>) dst(%dma_wait3A_76 : memref<128x64xf32, #tpu.memory_space<vmem_shared>>)
        tpu.yield
      }) : () -> ()
      %barrier3A_51 = arith.constant 0 : index
      tpu.barrier barrier_id(%barrier3A_51)
      %scan3A_52 = arith.constant 0 : i32
      %scan3A_53 = arith.constant 157 : i32
      %scan3A_54 = arith.addi %scan3A_52, %scan3A_53 : i32
      %scan3A_55 = arith.constant 1 : i32
      scf.for %scan3A_58 = %scan3A_52 to %scan3A_54 step %scan3A_55  : i32 {
        %mul3A_59 = arith.constant 1 : i32
        %mul3A_60 = arith.muli %scan3A_58, %mul3A_59 : i32
        %add3A_61 = arith.constant 0 : i32
        %add3A_62 = arith.addi %add3A_61, %mul3A_60 : i32
        %mul3A_63 = arith.constant 20096 : i32
        %mul3A_64 = arith.muli %arg1, %mul3A_63 : i32
        %mul3A_65 = arith.constant 128 : i32
        %mul3A_66 = arith.muli %add3A_62, %mul3A_65 : i32
        %add3A_67 = arith.addi %mul3A_64, %mul3A_66 : i32
        %run_scoped3A_68 = arith.constant 0 : i32
        "tpu.region"() ({
          %run_scoped3A_123 = tpu.sem_alloc : memref<!tpu.dma_semaphore, #tpu.memory_space<semaphore_mem>>
          %dma_start3A_124 = arith.constant 0 : i32
          %dma_start3A_125 = tpu.memref_slice %arg18[%run_scoped3A_68, %dma_start3A_124] : memref<2x128xi32, #tpu.memory_space<vmem>> -> memref<1x128xi32, #tpu.memory_space<vmem>>
          %dma_start3A_126 = tpu.memref_squeeze %dma_start3A_125 : memref<1x128xi32, #tpu.memory_space<vmem>> -> memref<128xi32, #tpu.memory_space<vmem>>
          %dma_start3A_127 = tpu.memref_slice %arg11[%add3A_67] : memref<321536xi32, #tpu.memory_space<hbm>> -> memref<128xi32, #tpu.memory_space<hbm>>
          %dma_start3A_128 = arith.constant 0 : i32
          %dma_start3A_129 = tpu.memref_slice %arg18[%run_scoped3A_68, %dma_start3A_128] : memref<2x128xi32, #tpu.memory_space<vmem>> -> memref<1x128xi32, #tpu.memory_space<vmem>>
          %dma_start3A_130 = tpu.memref_squeeze %dma_start3A_129 : memref<1x128xi32, #tpu.memory_space<vmem>> -> memref<128xi32, #tpu.memory_space<vmem>>
          %dma_start3A_131 = tpu.memref_slice %arg11[%add3A_67] : memref<321536xi32, #tpu.memory_space<hbm>> -> memref<128xi32, #tpu.memory_space<hbm>>
          tpu.enqueue_dma source(%dma_start3A_131 : memref<128xi32, #tpu.memory_space<hbm>>) target(%dma_start3A_130 : memref<128xi32, #tpu.memory_space<vmem>>) target_semaphore(%run_scoped3A_123 : memref<!tpu.dma_semaphore, #tpu.memory_space<semaphore_mem>>)
          %dma_wait3A_132 = arith.constant 0 : i32
          %dma_wait3A_133 = tpu.memref_slice %arg18[%run_scoped3A_68, %dma_wait3A_132] : memref<2x128xi32, #tpu.memory_space<vmem>> -> memref<1x128xi32, #tpu.memory_space<vmem>>
          %dma_wait3A_134 = tpu.memref_squeeze %dma_wait3A_133 : memref<1x128xi32, #tpu.memory_space<vmem>> -> memref<128xi32, #tpu.memory_space<vmem>>
          %dma_wait3A_135 = tpu.memref_slice %arg11[%add3A_67] : memref<321536xi32, #tpu.memory_space<hbm>> -> memref<128xi32, #tpu.memory_space<hbm>>
          %dma_wait3A_136 = arith.constant 0 : i32
          %dma_wait3A_137 = tpu.memref_slice %arg18[%run_scoped3A_68, %dma_wait3A_136] : memref<2x128xi32, #tpu.memory_space<vmem>> -> memref<1x128xi32, #tpu.memory_space<vmem>>
          %dma_wait3A_138 = tpu.memref_squeeze %dma_wait3A_137 : memref<1x128xi32, #tpu.memory_space<vmem>> -> memref<128xi32, #tpu.memory_space<vmem>>
          %dma_wait3A_139 = tpu.memref_slice %arg11[%add3A_67] : memref<321536xi32, #tpu.memory_space<hbm>> -> memref<128xi32, #tpu.memory_space<hbm>>
          tpu.wait_dma2 semaphore(%run_scoped3A_123 : memref<!tpu.dma_semaphore, #tpu.memory_space<semaphore_mem>>) src(%dma_wait3A_139 : memref<128xi32, #tpu.memory_space<hbm>>) dst(%dma_wait3A_138 : memref<128xi32, #tpu.memory_space<vmem>>)
          tpu.yield
        }) : () -> ()
        %run_scoped3A_69 = arith.constant 0 : i32
        "tpu.region"() ({
          %run_scoped3A_123 = tpu.sem_alloc : memref<!tpu.dma_semaphore, #tpu.memory_space<semaphore_mem>>
          %dma_start3A_124 = arith.constant 0 : i32
          %dma_start3A_125 = tpu.memref_slice %arg19[%run_scoped3A_69, %dma_start3A_124] : memref<2x128xi32, #tpu.memory_space<vmem>> -> memref<1x128xi32, #tpu.memory_space<vmem>>
          %dma_start3A_126 = tpu.memref_squeeze %dma_start3A_125 : memref<1x128xi32, #tpu.memory_space<vmem>> -> memref<128xi32, #tpu.memory_space<vmem>>
          %dma_start3A_127 = tpu.memref_slice %arg10[%add3A_67] : memref<321536xi32, #tpu.memory_space<hbm>> -> memref<128xi32, #tpu.memory_space<hbm>>
          %dma_start3A_128 = arith.constant 0 : i32
          %dma_start3A_129 = tpu.memref_slice %arg19[%run_scoped3A_69, %dma_start3A_128] : memref<2x128xi32, #tpu.memory_space<vmem>> -> memref<1x128xi32, #tpu.memory_space<vmem>>
          %dma_start3A_130 = tpu.memref_squeeze %dma_start3A_129 : memref<1x128xi32, #tpu.memory_space<vmem>> -> memref<128xi32, #tpu.memory_space<vmem>>
          %dma_start3A_131 = tpu.memref_slice %arg10[%add3A_67] : memref<321536xi32, #tpu.memory_space<hbm>> -> memref<128xi32, #tpu.memory_space<hbm>>
          tpu.enqueue_dma source(%dma_start3A_131 : memref<128xi32, #tpu.memory_space<hbm>>) target(%dma_start3A_130 : memref<128xi32, #tpu.memory_space<vmem>>) target_semaphore(%run_scoped3A_123 : memref<!tpu.dma_semaphore, #tpu.memory_space<semaphore_mem>>)
          %dma_wait3A_132 = arith.constant 0 : i32
          %dma_wait3A_133 = tpu.memref_slice %arg19[%run_scoped3A_69, %dma_wait3A_132] : memref<2x128xi32, #tpu.memory_space<vmem>> -> memref<1x128xi32, #tpu.memory_space<vmem>>
          %dma_wait3A_134 = tpu.memref_squeeze %dma_wait3A_133 : memref<1x128xi32, #tpu.memory_space<vmem>> -> memref<128xi32, #tpu.memory_space<vmem>>
          %dma_wait3A_135 = tpu.memref_slice %arg10[%add3A_67] : memref<321536xi32, #tpu.memory_space<hbm>> -> memref<128xi32, #tpu.memory_space<hbm>>
          %dma_wait3A_136 = arith.constant 0 : i32
          %dma_wait3A_137 = tpu.memref_slice %arg19[%run_scoped3A_69, %dma_wait3A_136] : memref<2x128xi32, #tpu.memory_space<vmem>> -> memref<1x128xi32, #tpu.memory_space<vmem>>
          %dma_wait3A_138 = tpu.memref_squeeze %dma_wait3A_137 : memref<1x128xi32, #tpu.memory_space<vmem>> -> memref<128xi32, #tpu.memory_space<vmem>>
          %dma_wait3A_139 = tpu.memref_slice %arg10[%add3A_67] : memref<321536xi32, #tpu.memory_space<hbm>> -> memref<128xi32, #tpu.memory_space<hbm>>
          tpu.wait_dma2 semaphore(%run_scoped3A_123 : memref<!tpu.dma_semaphore, #tpu.memory_space<semaphore_mem>>) src(%dma_wait3A_139 : memref<128xi32, #tpu.memory_space<hbm>>) dst(%dma_wait3A_138 : memref<128xi32, #tpu.memory_space<vmem>>)
          tpu.yield
        }) : () -> ()
        %dma_start3A = arith.constant 0 : i32
        %dma_start3A_70 = arith.constant 0 : i32
        %dma_start3A_71 = arith.constant 0 : i32
        %dma_start3A_72 = arith.constant 0 : i32
        %dma_start3A_73 = tpu.memref_slice %arg16[%dma_start3A_70, %dma_start3A_71, %dma_start3A_72] : memref<2x128x64xf32, #tpu.memory_space<vmem>> -> memref<1x128x64xf32, #tpu.memory_space<vmem>>
        %dma_start3A_74 = tpu.memref_squeeze %dma_start3A_73 : memref<1x128x64xf32, #tpu.memory_space<vmem>> -> memref<128x64xf32, #tpu.memory_space<vmem>>
        %dma_start3A_75 = arith.constant 0 : i32
        %dma_start3A_76 = tpu.memref_slice %arg18[%dma_start3A, %dma_start3A_75] : memref<2x128xi32, #tpu.memory_space<vmem>> -> memref<1x128xi32, #tpu.memory_space<vmem>>
        %dma_start3A_77 = tpu.memref_squeeze %dma_start3A_76 : memref<1x128xi32, #tpu.memory_space<vmem>> -> memref<128xi32, #tpu.memory_space<vmem>>
        %dma_start3A_78 = arith.constant 0 : i32
        %dma_start3A_79 = arith.constant 0 : i32
        %dma_start3A_80 = tpu.memref_slice %arg7[%dma_start3A_78, %dma_start3A_79] : memref<10240x64xf32, #tpu.memory_space<hbm>> -> memref<10240x64xf32, #tpu.memory_space<hbm>>
        tpu.enqueue_indirect_dma source(%dma_start3A_80 : memref<10240x64xf32, #tpu.memory_space<hbm>>) target(%dma_start3A_74 : memref<128x64xf32, #tpu.memory_space<vmem>>) offsets(%dma_start3A_77 : memref<128xi32, #tpu.memory_space<vmem>>) semaphore(%arg21 : memref<!tpu.dma_semaphore, #tpu.memory_space<semaphore_mem>>)
        %dma_wait3A = arith.constant 0 : i32
        %dma_wait3A_81 = arith.constant 0 : i32
        %dma_wait3A_82 = arith.constant 0 : i32
        %dma_wait3A_83 = arith.constant 0 : i32
        %dma_wait3A_84 = tpu.memref_slice %arg16[%dma_wait3A_81, %dma_wait3A_82, %dma_wait3A_83] : memref<2x128x64xf32, #tpu.memory_space<vmem>> -> memref<1x128x64xf32, #tpu.memory_space<vmem>>
        %dma_wait3A_85 = tpu.memref_squeeze %dma_wait3A_84 : memref<1x128x64xf32, #tpu.memory_space<vmem>> -> memref<128x64xf32, #tpu.memory_space<vmem>>
        %dma_wait3A_86 = arith.constant 0 : i32
        %dma_wait3A_87 = tpu.memref_slice %arg18[%dma_wait3A, %dma_wait3A_86] : memref<2x128xi32, #tpu.memory_space<vmem>> -> memref<1x128xi32, #tpu.memory_space<vmem>>
        %dma_wait3A_88 = tpu.memref_squeeze %dma_wait3A_87 : memref<1x128xi32, #tpu.memory_space<vmem>> -> memref<128xi32, #tpu.memory_space<vmem>>
        %dma_wait3A_89 = arith.constant 0 : i32
        %dma_wait3A_90 = arith.constant 0 : i32
        %dma_wait3A_91 = tpu.memref_slice %arg7[%dma_wait3A_89, %dma_wait3A_90] : memref<10240x64xf32, #tpu.memory_space<hbm>> -> memref<10240x64xf32, #tpu.memory_space<hbm>>
        tpu.wait_indirect_dma semaphore(%arg21 : memref<!tpu.dma_semaphore, #tpu.memory_space<semaphore_mem>>) src(%dma_wait3A_91 : memref<10240x64xf32, #tpu.memory_space<hbm>>) dst(%dma_wait3A_85 : memref<128x64xf32, #tpu.memory_space<vmem>>)
        %dma_start3A_92 = arith.constant 0 : i32
        %dma_start3A_93 = arith.constant 0 : i32
        %dma_start3A_94 = arith.constant 0 : i32
        %dma_start3A_95 = arith.constant 0 : i32
        %dma_start3A_96 = tpu.memref_slice %arg17[%dma_start3A_93, %dma_start3A_94, %dma_start3A_95] : memref<2x128x64xf32, #tpu.memory_space<vmem>> -> memref<1x128x64xf32, #tpu.memory_space<vmem>>
        %dma_start3A_97 = tpu.memref_squeeze %dma_start3A_96 : memref<1x128x64xf32, #tpu.memory_space<vmem>> -> memref<128x64xf32, #tpu.memory_space<vmem>>
        %dma_start3A_98 = arith.constant 0 : i32
        %dma_start3A_99 = tpu.memref_slice %arg19[%dma_start3A_92, %dma_start3A_98] : memref<2x128xi32, #tpu.memory_space<vmem>> -> memref<1x128xi32, #tpu.memory_space<vmem>>
        %dma_start3A_100 = tpu.memref_squeeze %dma_start3A_99 : memref<1x128xi32, #tpu.memory_space<vmem>> -> memref<128xi32, #tpu.memory_space<vmem>>
        %dma_start3A_101 = arith.constant 0 : i32
        %dma_start3A_102 = arith.constant 0 : i32
        %dma_start3A_103 = tpu.memref_slice %arg9[%dma_start3A_101, %dma_start3A_102] : memref<10240x64xf32, #tpu.memory_space<hbm>> -> memref<10240x64xf32, #tpu.memory_space<hbm>>
        tpu.enqueue_indirect_dma source(%dma_start3A_103 : memref<10240x64xf32, #tpu.memory_space<hbm>>) target(%dma_start3A_97 : memref<128x64xf32, #tpu.memory_space<vmem>>) offsets(%dma_start3A_100 : memref<128xi32, #tpu.memory_space<vmem>>) semaphore(%arg22 : memref<!tpu.dma_semaphore, #tpu.memory_space<semaphore_mem>>)
        %dma_wait3A_104 = arith.constant 0 : i32
        %dma_wait3A_105 = arith.constant 0 : i32
        %dma_wait3A_106 = arith.constant 0 : i32
        %dma_wait3A_107 = arith.constant 0 : i32
        %dma_wait3A_108 = tpu.memref_slice %arg17[%dma_wait3A_105, %dma_wait3A_106, %dma_wait3A_107] : memref<2x128x64xf32, #tpu.memory_space<vmem>> -> memref<1x128x64xf32, #tpu.memory_space<vmem>>
        %dma_wait3A_109 = tpu.memref_squeeze %dma_wait3A_108 : memref<1x128x64xf32, #tpu.memory_space<vmem>> -> memref<128x64xf32, #tpu.memory_space<vmem>>
        %dma_wait3A_110 = arith.constant 0 : i32
        %dma_wait3A_111 = tpu.memref_slice %arg19[%dma_wait3A_104, %dma_wait3A_110] : memref<2x128xi32, #tpu.memory_space<vmem>> -> memref<1x128xi32, #tpu.memory_space<vmem>>
        %dma_wait3A_112 = tpu.memref_squeeze %dma_wait3A_111 : memref<1x128xi32, #tpu.memory_space<vmem>> -> memref<128xi32, #tpu.memory_space<vmem>>
        %dma_wait3A_113 = arith.constant 0 : i32
        %dma_wait3A_114 = arith.constant 0 : i32
        %dma_wait3A_115 = tpu.memref_slice %arg9[%dma_wait3A_113, %dma_wait3A_114] : memref<10240x64xf32, #tpu.memory_space<hbm>> -> memref<10240x64xf32, #tpu.memory_space<hbm>>
        tpu.wait_indirect_dma semaphore(%arg22 : memref<!tpu.dma_semaphore, #tpu.memory_space<semaphore_mem>>) src(%dma_wait3A_115 : memref<10240x64xf32, #tpu.memory_space<hbm>>) dst(%dma_wait3A_109 : memref<128x64xf32, #tpu.memory_space<vmem>>)
        %scan3A_116 = arith.constant 0 : i32
        %scan3A_117 = arith.constant 128 : i32
        %scan3A_118 = arith.addi %scan3A_116, %scan3A_117 : i32
        %scan3A_119 = arith.constant 1 : i32
        scf.for %scan3A_123 = %scan3A_116 to %scan3A_118 step %scan3A_119  : i32 {
          %mul3A_124 = arith.constant 1 : i32
          %mul3A_125 = arith.muli %scan3A_123, %mul3A_124 : i32
          %add3A_126 = arith.constant 0 : i32
          %add3A_127 = arith.addi %add3A_126, %mul3A_125 : i32
          %get3A = arith.constant 0 : i32
          %get3A_128 = arith.index_cast %get3A : i32 to index
          %get3A_129 = arith.index_cast %add3A_127 : i32 to index
          %get3A_130 = arith.constant 0 : index
          %get3A_131 = tpu.vector_load %arg16[%get3A_128, %get3A_129, %get3A_130] {strides = array<i32>} : memref<2x128x64xf32, #tpu.memory_space<vmem>>, vector<1x1x16xf32>,
          %get3A_132 = vector.shape_cast %get3A_131 : vector<1x1x16xf32> to vector<16xf32>
          %get3A_133 = arith.constant 0 : i32
          %get3A_134 = arith.index_cast %get3A_133 : i32 to index
          %get3A_135 = arith.index_cast %add3A_127 : i32 to index
          %get3A_136 = arith.constant 0 : index
          %get3A_137 = tpu.vector_load %arg17[%get3A_134, %get3A_135, %get3A_136] {strides = array<i32>} : memref<2x128x64xf32, #tpu.memory_space<vmem>>, vector<1x1x16xf32>,
          %get3A_138 = vector.shape_cast %get3A_137 : vector<1x1x16xf32> to vector<16xf32>
          %add3A_139 = arith.addf %get3A_132, %get3A_138 : vector<16xf32>
          %max3A = arith.constant 0.000000e+00 : f32
          %max3A_140 = vector.broadcast %max3A : f32 to vector<16xf32>
          %max3A_141 = arith.maximumf %add3A_139, %max3A_140 : vector<16xf32>
          %swap3A = arith.constant 0 : i32
          %swap3A_142 = arith.index_cast %swap3A : i32 to index
          %swap3A_143 = arith.index_cast %add3A_127 : i32 to index
          %swap3A_144 = arith.constant 0 : index
          %swap3A_145 = tpu.vector_load %arg16[%swap3A_142, %swap3A_143, %swap3A_144] {strides = array<i32>} : memref<2x128x64xf32, #tpu.memory_space<vmem>>, vector<1x1x16xf32>,
          %swap3A_146 = vector.shape_cast %swap3A_145 : vector<1x1x16xf32> to vector<16xf32>
          %swap3A_147 = vector.shape_cast %max3A_141 : vector<16xf32> to vector<1x1x16xf32>
          tpu.vector_store %arg16[%swap3A_142, %swap3A_143, %swap3A_144], %swap3A_147 {strides = array<i32>} : memref<2x128x64xf32, #tpu.memory_space<vmem>>, vector<1x1x16xf32>,
          %get3A_148 = arith.constant 0 : i32
          %get3A_149 = arith.index_cast %get3A_148 : i32 to index
          %get3A_150 = arith.index_cast %add3A_127 : i32 to index
          %get3A_151 = arith.constant 16 : index
          %get3A_152 = tpu.vector_load %arg16[%get3A_149, %get3A_150, %get3A_151] {strides = array<i32>} : memref<2x128x64xf32, #tpu.memory_space<vmem>>, vector<1x1x16xf32>,
          %get3A_153 = vector.shape_cast %get3A_152 : vector<1x1x16xf32> to vector<16xf32>
          %get3A_154 = arith.constant 0 : i32
          %get3A_155 = arith.index_cast %get3A_154 : i32 to index
          %get3A_156 = arith.index_cast %add3A_127 : i32 to index
          %get3A_157 = arith.constant 16 : index
          %get3A_158 = tpu.vector_load %arg17[%get3A_155, %get3A_156, %get3A_157] {strides = array<i32>} : memref<2x128x64xf32, #tpu.memory_space<vmem>>, vector<1x1x16xf32>,
          %get3A_159 = vector.shape_cast %get3A_158 : vector<1x1x16xf32> to vector<16xf32>
          %add3A_160 = arith.addf %get3A_153, %get3A_159 : vector<16xf32>
          %max3A_161 = arith.constant 0.000000e+00 : f32
          %max3A_162 = vector.broadcast %max3A_161 : f32 to vector<16xf32>
          %max3A_163 = arith.maximumf %add3A_160, %max3A_162 : vector<16xf32>
          %swap3A_164 = arith.constant 0 : i32
          %swap3A_165 = arith.index_cast %swap3A_164 : i32 to index
          %swap3A_166 = arith.index_cast %add3A_127 : i32 to index
          %swap3A_167 = arith.constant 16 : index
          %swap3A_168 = tpu.vector_load %arg16[%swap3A_165, %swap3A_166, %swap3A_167] {strides = array<i32>} : memref<2x128x64xf32, #tpu.memory_space<vmem>>, vector<1x1x16xf32>,
          %swap3A_169 = vector.shape_cast %swap3A_168 : vector<1x1x16xf32> to vector<16xf32>
          %swap3A_170 = vector.shape_cast %max3A_163 : vector<16xf32> to vector<1x1x16xf32>
          tpu.vector_store %arg16[%swap3A_165, %swap3A_166, %swap3A_167], %swap3A_170 {strides = array<i32>} : memref<2x128x64xf32, #tpu.memory_space<vmem>>, vector<1x1x16xf32>,
          %get3A_171 = arith.constant 0 : i32
          %get3A_172 = arith.index_cast %get3A_171 : i32 to index
          %get3A_173 = arith.index_cast %add3A_127 : i32 to index
          %get3A_174 = arith.constant 32 : index
          %get3A_175 = tpu.vector_load %arg16[%get3A_172, %get3A_173, %get3A_174] {strides = array<i32>} : memref<2x128x64xf32, #tpu.memory_space<vmem>>, vector<1x1x16xf32>,
          %get3A_176 = vector.shape_cast %get3A_175 : vector<1x1x16xf32> to vector<16xf32>
          %get3A_177 = arith.constant 0 : i32
          %get3A_178 = arith.index_cast %get3A_177 : i32 to index
          %get3A_179 = arith.index_cast %add3A_127 : i32 to index
          %get3A_180 = arith.constant 32 : index
          %get3A_181 = tpu.vector_load %arg17[%get3A_178, %get3A_179, %get3A_180] {strides = array<i32>} : memref<2x128x64xf32, #tpu.memory_space<vmem>>, vector<1x1x16xf32>,
          %get3A_182 = vector.shape_cast %get3A_181 : vector<1x1x16xf32> to vector<16xf32>
          %add3A_183 = arith.addf %get3A_176, %get3A_182 : vector<16xf32>
          %max3A_184 = arith.constant 0.000000e+00 : f32
          %max3A_185 = vector.broadcast %max3A_184 : f32 to vector<16xf32>
          %max3A_186 = arith.maximumf %add3A_183, %max3A_185 : vector<16xf32>
          %swap3A_187 = arith.constant 0 : i32
          %swap3A_188 = arith.index_cast %swap3A_187 : i32 to index
          %swap3A_189 = arith.index_cast %add3A_127 : i32 to index
          %swap3A_190 = arith.constant 32 : index
          %swap3A_191 = tpu.vector_load %arg16[%swap3A_188, %swap3A_189, %swap3A_190] {strides = array<i32>} : memref<2x128x64xf32, #tpu.memory_space<vmem>>, vector<1x1x16xf32>,
          %swap3A_192 = vector.shape_cast %swap3A_191 : vector<1x1x16xf32> to vector<16xf32>
          %swap3A_193 = vector.shape_cast %max3A_186 : vector<16xf32> to vector<1x1x16xf32>
          tpu.vector_store %arg16[%swap3A_188, %swap3A_189, %swap3A_190], %swap3A_193 {strides = array<i32>} : memref<2x128x64xf32, #tpu.memory_space<vmem>>, vector<1x1x16xf32>,
          %get3A_194 = arith.constant 0 : i32
          %get3A_195 = arith.index_cast %get3A_194 : i32 to index
          %get3A_196 = arith.index_cast %add3A_127 : i32 to index
          %get3A_197 = arith.constant 48 : index
          %get3A_198 = tpu.vector_load %arg16[%get3A_195, %get3A_196, %get3A_197] {strides = array<i32>} : memref<2x128x64xf32, #tpu.memory_space<vmem>>, vector<1x1x16xf32>,
          %get3A_199 = vector.shape_cast %get3A_198 : vector<1x1x16xf32> to vector<16xf32>
          %get3A_200 = arith.constant 0 : i32
          %get3A_201 = arith.index_cast %get3A_200 : i32 to index
          %get3A_202 = arith.index_cast %add3A_127 : i32 to index
          %get3A_203 = arith.constant 48 : index
          %get3A_204 = tpu.vector_load %arg17[%get3A_201, %get3A_202, %get3A_203] {strides = array<i32>} : memref<2x128x64xf32, #tpu.memory_space<vmem>>, vector<1x1x16xf32>,
          %get3A_205 = vector.shape_cast %get3A_204 : vector<1x1x16xf32> to vector<16xf32>
          %add3A_206 = arith.addf %get3A_199, %get3A_205 : vector<16xf32>
          %max3A_207 = arith.constant 0.000000e+00 : f32
          %max3A_208 = vector.broadcast %max3A_207 : f32 to vector<16xf32>
          %max3A_209 = arith.maximumf %add3A_206, %max3A_208 : vector<16xf32>
          %swap3A_210 = arith.constant 0 : i32
          %swap3A_211 = arith.index_cast %swap3A_210 : i32 to index
          %swap3A_212 = arith.index_cast %add3A_127 : i32 to index
          %swap3A_213 = arith.constant 48 : index
          %swap3A_214 = tpu.vector_load %arg16[%swap3A_211, %swap3A_212, %swap3A_213] {strides = array<i32>} : memref<2x128x64xf32, #tpu.memory_space<vmem>>, vector<1x1x16xf32>,
          %swap3A_215 = vector.shape_cast %swap3A_214 : vector<1x1x16xf32> to vector<16xf32>
          %swap3A_216 = vector.shape_cast %max3A_209 : vector<16xf32> to vector<1x1x16xf32>
          tpu.vector_store %arg16[%swap3A_211, %swap3A_212, %swap3A_213], %swap3A_216 {strides = array<i32>} : memref<2x128x64xf32, #tpu.memory_space<vmem>>, vector<1x1x16xf32>,
        }
        %scan3A_120 = arith.constant 128 : i32
        %run_scoped3A_121 = arith.constant 0 : i32
        %run_scoped3A_122 = arith.constant 0 : i32
        "tpu.region"() ({
          %run_scoped3A_123 = tpu.sem_alloc : memref<!tpu.dma_semaphore, #tpu.memory_space<semaphore_mem>>
          %dma_start3A_124 = arith.constant 0 : i32
          %dma_start3A_125 = arith.constant 0 : i32
          %dma_start3A_126 = tpu.memref_slice %arg16[%run_scoped3A_121, %dma_start3A_124, %dma_start3A_125] : memref<2x128x64xf32, #tpu.memory_space<vmem>> -> memref<1x128x64xf32, #tpu.memory_space<vmem>>
          %dma_start3A_127 = tpu.memref_squeeze %dma_start3A_126 : memref<1x128x64xf32, #tpu.memory_space<vmem>> -> memref<128x64xf32, #tpu.memory_space<vmem>>
          %dma_start3A_128 = arith.constant 0 : i32
          %dma_start3A_129 = tpu.memref_slice %arg18[%run_scoped3A_122, %dma_start3A_128] : memref<2x128xi32, #tpu.memory_space<vmem>> -> memref<1x128xi32, #tpu.memory_space<vmem>>
          %dma_start3A_130 = tpu.memref_squeeze %dma_start3A_129 : memref<1x128xi32, #tpu.memory_space<vmem>> -> memref<128xi32, #tpu.memory_space<vmem>>
          %dma_start3A_131 = arith.constant 0 : i32
          %dma_start3A_132 = arith.constant 0 : i32
          %dma_start3A_133 = tpu.memref_slice %arg20[%dma_start3A_131, %dma_start3A_132] : memref<10240x64xf32, #tpu.memory_space<vmem_shared>> -> memref<10240x64xf32, #tpu.memory_space<vmem_shared>>
          tpu.enqueue_indirect_dma source(%dma_start3A_127 : memref<128x64xf32, #tpu.memory_space<vmem>>) target(%dma_start3A_133 : memref<10240x64xf32, #tpu.memory_space<vmem_shared>>) offsets(%dma_start3A_130 : memref<128xi32, #tpu.memory_space<vmem>>) semaphore(%run_scoped3A_123 : memref<!tpu.dma_semaphore, #tpu.memory_space<semaphore_mem>>) {add = true}
          %dma_wait3A_134 = arith.constant 0 : i32
          %dma_wait3A_135 = arith.constant 0 : i32
          %dma_wait3A_136 = tpu.memref_slice %arg16[%run_scoped3A_121, %dma_wait3A_134, %dma_wait3A_135] : memref<2x128x64xf32, #tpu.memory_space<vmem>> -> memref<1x128x64xf32, #tpu.memory_space<vmem>>
          %dma_wait3A_137 = tpu.memref_squeeze %dma_wait3A_136 : memref<1x128x64xf32, #tpu.memory_space<vmem>> -> memref<128x64xf32, #tpu.memory_space<vmem>>
          %dma_wait3A_138 = arith.constant 0 : i32
          %dma_wait3A_139 = tpu.memref_slice %arg18[%run_scoped3A_122, %dma_wait3A_138] : memref<2x128xi32, #tpu.memory_space<vmem>> -> memref<1x128xi32, #tpu.memory_space<vmem>>
          %dma_wait3A_140 = tpu.memref_squeeze %dma_wait3A_139 : memref<1x128xi32, #tpu.memory_space<vmem>> -> memref<128xi32, #tpu.memory_space<vmem>>
          %dma_wait3A_141 = arith.constant 0 : i32
          %dma_wait3A_142 = arith.constant 0 : i32
          %dma_wait3A_143 = tpu.memref_slice %arg20[%dma_wait3A_141, %dma_wait3A_142] : memref<10240x64xf32, #tpu.memory_space<vmem_shared>> -> memref<10240x64xf32, #tpu.memory_space<vmem_shared>>
          tpu.wait_indirect_dma semaphore(%run_scoped3A_123 : memref<!tpu.dma_semaphore, #tpu.memory_space<semaphore_mem>>) src(%dma_wait3A_137 : memref<128x64xf32, #tpu.memory_space<vmem>>) dst(%dma_wait3A_143 : memref<10240x64xf32, #tpu.memory_space<vmem_shared>>)
          tpu.yield
        }) : () -> ()
      }
      %scan3A_56 = arith.constant 157 : i32
      %barrier3A_57 = arith.constant 0 : index
      tpu.barrier barrier_id(%barrier3A_57)
      "tpu.region"() ({
        %run_scoped3A_58 = tpu.sem_alloc : memref<!tpu.dma_semaphore, #tpu.memory_space<semaphore_mem>>
        %dma_start3A = arith.constant 0 : i32
        %dma_start3A_59 = tpu.memref_slice %arg15[%mul3A_0, %dma_start3A] : memref<10240x64xf32, #tpu.memory_space<hbm>> -> memref<640x64xf32, #tpu.memory_space<hbm>>
        %dma_start3A_60 = arith.constant 0 : i32
        %dma_start3A_61 = tpu.memref_slice %arg20[%mul3A_0, %dma_start3A_60] : memref<10240x64xf32, #tpu.memory_space<vmem_shared>> -> memref<640x64xf32, #tpu.memory_space<vmem_shared>>
        tpu.enqueue_dma source(%dma_start3A_61 : memref<640x64xf32, #tpu.memory_space<vmem_shared>>) target(%dma_start3A_59 : memref<640x64xf32, #tpu.memory_space<hbm>>) target_semaphore(%run_scoped3A_58 : memref<!tpu.dma_semaphore, #tpu.memory_space<semaphore_mem>>)
        %dma_wait3A = arith.constant 0 : i32
        %dma_wait3A_62 = tpu.memref_slice %arg15[%mul3A_0, %dma_wait3A] : memref<10240x64xf32, #tpu.memory_space<hbm>> -> memref<640x64xf32, #tpu.memory_space<hbm>>
        %dma_wait3A_63 = arith.constant 0 : i32
        %dma_wait3A_64 = tpu.memref_slice %arg20[%mul3A_0, %dma_wait3A_63] : memref<10240x64xf32, #tpu.memory_space<vmem_shared>> -> memref<640x64xf32, #tpu.memory_space<vmem_shared>>
        tpu.wait_dma2 semaphore(%run_scoped3A_58 : memref<!tpu.dma_semaphore, #tpu.memory_space<semaphore_mem>>) src(%dma_wait3A_64 : memref<640x64xf32, #tpu.memory_space<vmem_shared>>) dst(%dma_wait3A_62 : memref<640x64xf32, #tpu.memory_space<hbm>>)
        tpu.yield
      }) : () -> ()
    } else {
    }
    return
  }
}

module attributes {stable_mosaic.version = 14 : i64} {
  func.func @_proj_body(%arg0: i32, %arg1: memref<2048x128xf32, #tpu.memory_space<vmem>>, %arg2: memref<2048x128xf32, #tpu.memory_space<vmem>>, %arg3: memref<128x128xf32, #tpu.memory_space<vmem>>, %arg4: memref<128x128xf32, #tpu.memory_space<vmem>>, %arg5: memref<128x128xf32, #tpu.memory_space<vmem>>, %arg6: memref<128x128xf32, #tpu.memory_space<vmem>>, %arg7: memref<1x128xf32, #tpu.memory_space<vmem>>, %arg8: memref<1x128xf32, #tpu.memory_space<vmem>>, %arg9: memref<2048x64xf32, #tpu.memory_space<vmem>>, %arg10: memref<2048x64xf32, #tpu.memory_space<vmem>>, %arg11: memref<2048x64xf32, #tpu.memory_space<vmem>>, %arg12: memref<2048x64xf32, #tpu.memory_space<vmem>>, %arg13: memref<2048x64xf32, #tpu.memory_space<vmem>>, %arg14: memref<2048x64xf32, #tpu.memory_space<vmem>>, %arg15: memref<2048x64xf32, #tpu.memory_space<vmem>>, %arg16: memref<2048x64xf32, #tpu.memory_space<vmem>>) attributes {dimension_semantics = [#tpu.dimension_semantics<arbitrary>], iteration_bounds = array<i64: 5>, scalar_prefetch = 0 : i64, scratch_operands = 0 : i64, tpu.core_type = #tpu.core_type<tc>, window_params = [{transform_indices = @transform_0, window_bounds = array<i64: 2048, 128>}, {transform_indices = @transform_1, window_bounds = array<i64: 2048, 128>}, {pipeline_mode = #tpu.pipeline_mode<synchronous>, transform_indices = @transform_2, window_bounds = array<i64: 128, 128>}, {pipeline_mode = #tpu.pipeline_mode<synchronous>, transform_indices = @transform_3, window_bounds = array<i64: 128, 128>}, {pipeline_mode = #tpu.pipeline_mode<synchronous>, transform_indices = @transform_4, window_bounds = array<i64: 128, 128>}, {pipeline_mode = #tpu.pipeline_mode<synchronous>, transform_indices = @transform_5, window_bounds = array<i64: 128, 128>}, {pipeline_mode = #tpu.pipeline_mode<synchronous>, transform_indices = @transform_6, window_bounds = array<i64: 1, 128>}, {pipeline_mode = #tpu.pipeline_mode<synchronous>, transform_indices = @transform_7, window_bounds = array<i64: 1, 128>}, {transform_indices = @transform_8, window_bounds = array<i64: 2048, 64>}, {transform_indices = @transform_9, window_bounds = array<i64: 2048, 64>}, {transform_indices = @transform_10, window_bounds = array<i64: 2048, 64>}, {transform_indices = @transform_11, window_bounds = array<i64: 2048, 64>}, {transform_indices = @transform_12, window_bounds = array<i64: 2048, 64>}, {transform_indices = @transform_13, window_bounds = array<i64: 2048, 64>}, {transform_indices = @transform_14, window_bounds = array<i64: 2048, 64>}, {transform_indices = @transform_15, window_bounds = array<i64: 2048, 64>}]} {
    %get3A = arith.constant 0 : index
    %get3A_0 = arith.constant 0 : index
    %get3A_1 = vector.load %arg1[%get3A, %get3A_0] : memref<2048x128xf32, #tpu.memory_space<vmem>>, vector<2048x128xf32>
    %get3A_2 = arith.constant 0 : index
    %get3A_3 = arith.constant 0 : index
    %get3A_4 = vector.load %arg2[%get3A_2, %get3A_3] : memref<2048x128xf32, #tpu.memory_space<vmem>>, vector<2048x128xf32>
    %get3A_5 = arith.constant 0 : index
    %get3A_6 = arith.constant 0 : index
    %get3A_7 = vector.load %arg3[%get3A_5, %get3A_6] : memref<128x128xf32, #tpu.memory_space<vmem>>, vector<128x128xf32>
    %dot_general3A = arith.constant dense<0.000000e+00> : vector<2048x128xf32>
    %dot_general3A_8 = tpu.matmul %get3A_1, %get3A_7, %dot_general3A {dimension_numbers = #tpu.dot_dimension_numbers<[1], [0], [0], [1], [0, 0, 1, 1], [], []>, transpose_lhs_hint = false} : vector<2048x128xf32>, vector<128x128xf32>, vector<2048x128xf32> -> vector<2048x128xf32>
    %get3A_9 = arith.constant 0 : index
    %get3A_10 = arith.constant 0 : index
    %get3A_11 = vector.load %arg7[%get3A_9, %get3A_10] : memref<1x128xf32, #tpu.memory_space<vmem>>, vector<1x128xf32>
    %add3A = vector.broadcast %get3A_11 : vector<1x128xf32> to vector<2048x128xf32>
    %add3A_12 = arith.addf %dot_general3A_8, %add3A : vector<2048x128xf32>
    %get3A_13 = arith.constant 0 : index
    %get3A_14 = arith.constant 0 : index
    %get3A_15 = vector.load %arg4[%get3A_13, %get3A_14] : memref<128x128xf32, #tpu.memory_space<vmem>>, vector<128x128xf32>
    %dot_general3A_16 = arith.constant dense<0.000000e+00> : vector<2048x128xf32>
    %dot_general3A_17 = tpu.matmul %get3A_4, %get3A_15, %dot_general3A_16 {dimension_numbers = #tpu.dot_dimension_numbers<[1], [0], [0], [1], [0, 0, 1, 1], [], []>, transpose_lhs_hint = false} : vector<2048x128xf32>, vector<128x128xf32>, vector<2048x128xf32> -> vector<2048x128xf32>
    %get3A_18 = arith.constant 0 : index
    %get3A_19 = arith.constant 0 : index
    %get3A_20 = vector.load %arg5[%get3A_18, %get3A_19] : memref<128x128xf32, #tpu.memory_space<vmem>>, vector<128x128xf32>
    %dot_general3A_21 = arith.constant dense<0.000000e+00> : vector<2048x128xf32>
    %dot_general3A_22 = tpu.matmul %get3A_4, %get3A_20, %dot_general3A_21 {dimension_numbers = #tpu.dot_dimension_numbers<[1], [0], [0], [1], [0, 0, 1, 1], [], []>, transpose_lhs_hint = false} : vector<2048x128xf32>, vector<128x128xf32>, vector<2048x128xf32> -> vector<2048x128xf32>
    %get3A_23 = arith.constant 0 : index
    %get3A_24 = arith.constant 0 : index
    %get3A_25 = vector.load %arg8[%get3A_23, %get3A_24] : memref<1x128xf32, #tpu.memory_space<vmem>>, vector<1x128xf32>
    %add3A_26 = vector.broadcast %get3A_25 : vector<1x128xf32> to vector<2048x128xf32>
    %add3A_27 = arith.addf %dot_general3A_22, %add3A_26 : vector<2048x128xf32>
    %get3A_28 = arith.constant 0 : index
    %get3A_29 = arith.constant 0 : index
    %get3A_30 = vector.load %arg6[%get3A_28, %get3A_29] : memref<128x128xf32, #tpu.memory_space<vmem>>, vector<128x128xf32>
    %dot_general3A_31 = arith.constant dense<0.000000e+00> : vector<2048x128xf32>
    %dot_general3A_32 = tpu.matmul %get3A_1, %get3A_30, %dot_general3A_31 {dimension_numbers = #tpu.dot_dimension_numbers<[1], [0], [0], [1], [0, 0, 1, 1], [], []>, transpose_lhs_hint = false} : vector<2048x128xf32>, vector<128x128xf32>, vector<2048x128xf32> -> vector<2048x128xf32>
    %slice3A = vector.extract_strided_slice %add3A_12 {offsets = [0, 0], sizes = [2048, 64], strides = [1, 1]} : vector<2048x128xf32> to vector<2048x64xf32>
    %slice3A_33 = vector.extract_strided_slice %add3A_12 {offsets = [0, 64], sizes = [2048, 64], strides = [1, 1]} : vector<2048x128xf32> to vector<2048x64xf32>
    %swap3A = arith.constant 0 : index
    %swap3A_34 = arith.constant 0 : index
    %swap3A_35 = vector.load %arg9[%swap3A, %swap3A_34] : memref<2048x64xf32, #tpu.memory_space<vmem>>, vector<2048x64xf32>
    tpu.vector_store %arg9[%swap3A, %swap3A_34], %slice3A {strides = array<i32>} : memref<2048x64xf32, #tpu.memory_space<vmem>>, vector<2048x64xf32>,
    %swap3A_36 = arith.constant 0 : index
    %swap3A_37 = arith.constant 0 : index
    %swap3A_38 = vector.load %arg10[%swap3A_36, %swap3A_37] : memref<2048x64xf32, #tpu.memory_space<vmem>>, vector<2048x64xf32>
    tpu.vector_store %arg10[%swap3A_36, %swap3A_37], %slice3A_33 {strides = array<i32>} : memref<2048x64xf32, #tpu.memory_space<vmem>>, vector<2048x64xf32>,
    %slice3A_39 = vector.extract_strided_slice %dot_general3A_17 {offsets = [0, 0], sizes = [2048, 64], strides = [1, 1]} : vector<2048x128xf32> to vector<2048x64xf32>
    %slice3A_40 = vector.extract_strided_slice %dot_general3A_17 {offsets = [0, 64], sizes = [2048, 64], strides = [1, 1]} : vector<2048x128xf32> to vector<2048x64xf32>
    %swap3A_41 = arith.constant 0 : index
    %swap3A_42 = arith.constant 0 : index
    %swap3A_43 = vector.load %arg11[%swap3A_41, %swap3A_42] : memref<2048x64xf32, #tpu.memory_space<vmem>>, vector<2048x64xf32>
    tpu.vector_store %arg11[%swap3A_41, %swap3A_42], %slice3A_39 {strides = array<i32>} : memref<2048x64xf32, #tpu.memory_space<vmem>>, vector<2048x64xf32>,
    %swap3A_44 = arith.constant 0 : index
    %swap3A_45 = arith.constant 0 : index
    %swap3A_46 = vector.load %arg12[%swap3A_44, %swap3A_45] : memref<2048x64xf32, #tpu.memory_space<vmem>>, vector<2048x64xf32>
    tpu.vector_store %arg12[%swap3A_44, %swap3A_45], %slice3A_40 {strides = array<i32>} : memref<2048x64xf32, #tpu.memory_space<vmem>>, vector<2048x64xf32>,
    %slice3A_47 = vector.extract_strided_slice %add3A_27 {offsets = [0, 0], sizes = [2048, 64], strides = [1, 1]} : vector<2048x128xf32> to vector<2048x64xf32>
    %slice3A_48 = vector.extract_strided_slice %add3A_27 {offsets = [0, 64], sizes = [2048, 64], strides = [1, 1]} : vector<2048x128xf32> to vector<2048x64xf32>
    %swap3A_49 = arith.constant 0 : index
    %swap3A_50 = arith.constant 0 : index
    %swap3A_51 = vector.load %arg13[%swap3A_49, %swap3A_50] : memref<2048x64xf32, #tpu.memory_space<vmem>>, vector<2048x64xf32>
    tpu.vector_store %arg13[%swap3A_49, %swap3A_50], %slice3A_47 {strides = array<i32>} : memref<2048x64xf32, #tpu.memory_space<vmem>>, vector<2048x64xf32>,
    %swap3A_52 = arith.constant 0 : index
    %swap3A_53 = arith.constant 0 : index
    %swap3A_54 = vector.load %arg14[%swap3A_52, %swap3A_53] : memref<2048x64xf32, #tpu.memory_space<vmem>>, vector<2048x64xf32>
    tpu.vector_store %arg14[%swap3A_52, %swap3A_53], %slice3A_48 {strides = array<i32>} : memref<2048x64xf32, #tpu.memory_space<vmem>>, vector<2048x64xf32>,
    %slice3A_55 = vector.extract_strided_slice %dot_general3A_32 {offsets = [0, 0], sizes = [2048, 64], strides = [1, 1]} : vector<2048x128xf32> to vector<2048x64xf32>
    %slice3A_56 = vector.extract_strided_slice %dot_general3A_32 {offsets = [0, 64], sizes = [2048, 64], strides = [1, 1]} : vector<2048x128xf32> to vector<2048x64xf32>
    %swap3A_57 = arith.constant 0 : index
    %swap3A_58 = arith.constant 0 : index
    %swap3A_59 = vector.load %arg15[%swap3A_57, %swap3A_58] : memref<2048x64xf32, #tpu.memory_space<vmem>>, vector<2048x64xf32>
    tpu.vector_store %arg15[%swap3A_57, %swap3A_58], %slice3A_55 {strides = array<i32>} : memref<2048x64xf32, #tpu.memory_space<vmem>>, vector<2048x64xf32>,
    %swap3A_60 = arith.constant 0 : index
    %swap3A_61 = arith.constant 0 : index
    %swap3A_62 = vector.load %arg16[%swap3A_60, %swap3A_61] : memref<2048x64xf32, #tpu.memory_space<vmem>>, vector<2048x64xf32>
    tpu.vector_store %arg16[%swap3A_60, %swap3A_61], %slice3A_56 {strides = array<i32>} : memref<2048x64xf32, #tpu.memory_space<vmem>>, vector<2048x64xf32>,
    return
  }
  func.func @transform_0(%arg0: i32) -> (i32, i32) {
    %c0_i32 = arith.constant 0 : i32
    %c0_i32_0 = arith.constant 0 : i32
    return %arg0, %c0_i32 : i32, i32
  }
  func.func @transform_1(%arg0: i32) -> (i32, i32) {
    %c0_i32 = arith.constant 0 : i32
    %c0_i32_0 = arith.constant 0 : i32
    return %arg0, %c0_i32 : i32, i32
  }
  func.func @transform_2(%arg0: i32) -> (i32, i32) {
    %c0_i32 = arith.constant 0 : i32
    %c0_i32_0 = arith.constant 0 : i32
    %c0_i32_1 = arith.constant 0 : i32
    return %c0_i32, %c0_i32_0 : i32, i32
  }
  func.func @transform_3(%arg0: i32) -> (i32, i32) {
    %c0_i32 = arith.constant 0 : i32
    %c0_i32_0 = arith.constant 0 : i32
    %c0_i32_1 = arith.constant 0 : i32
    return %c0_i32, %c0_i32_0 : i32, i32
  }
  func.func @transform_4(%arg0: i32) -> (i32, i32) {
    %c0_i32 = arith.constant 0 : i32
    %c0_i32_0 = arith.constant 0 : i32
    %c0_i32_1 = arith.constant 0 : i32
    return %c0_i32, %c0_i32_0 : i32, i32
  }
  func.func @transform_5(%arg0: i32) -> (i32, i32) {
    %c0_i32 = arith.constant 0 : i32
    %c0_i32_0 = arith.constant 0 : i32
    %c0_i32_1 = arith.constant 0 : i32
    return %c0_i32, %c0_i32_0 : i32, i32
  }
  func.func @transform_6(%arg0: i32) -> (i32, i32) {
    %c0_i32 = arith.constant 0 : i32
    %c0_i32_0 = arith.constant 0 : i32
    %c0_i32_1 = arith.constant 0 : i32
    return %c0_i32, %c0_i32_0 : i32, i32
  }
  func.func @transform_7(%arg0: i32) -> (i32, i32) {
    %c0_i32 = arith.constant 0 : i32
    %c0_i32_0 = arith.constant 0 : i32
    %c0_i32_1 = arith.constant 0 : i32
    return %c0_i32, %c0_i32_0 : i32, i32
  }
  func.func @transform_8(%arg0: i32) -> (i32, i32) {
    %c0_i32 = arith.constant 0 : i32
    %c0_i32_0 = arith.constant 0 : i32
    return %arg0, %c0_i32 : i32, i32
  }
  func.func @transform_9(%arg0: i32) -> (i32, i32) {
    %c0_i32 = arith.constant 0 : i32
    %c0_i32_0 = arith.constant 0 : i32
    return %arg0, %c0_i32 : i32, i32
  }
  func.func @transform_10(%arg0: i32) -> (i32, i32) {
    %c0_i32 = arith.constant 0 : i32
    %c0_i32_0 = arith.constant 0 : i32
    return %arg0, %c0_i32 : i32, i32
  }
  func.func @transform_11(%arg0: i32) -> (i32, i32) {
    %c0_i32 = arith.constant 0 : i32
    %c0_i32_0 = arith.constant 0 : i32
    return %arg0, %c0_i32 : i32, i32
  }
  func.func @transform_12(%arg0: i32) -> (i32, i32) {
    %c0_i32 = arith.constant 0 : i32
    %c0_i32_0 = arith.constant 0 : i32
    return %arg0, %c0_i32 : i32, i32
  }
  func.func @transform_13(%arg0: i32) -> (i32, i32) {
    %c0_i32 = arith.constant 0 : i32
    %c0_i32_0 = arith.constant 0 : i32
    return %arg0, %c0_i32 : i32, i32
  }
  func.func @transform_14(%arg0: i32) -> (i32, i32) {
    %c0_i32 = arith.constant 0 : i32
    %c0_i32_0 = arith.constant 0 : i32
    return %arg0, %c0_i32 : i32, i32
  }
  func.func @transform_15(%arg0: i32) -> (i32, i32) {
    %c0_i32 = arith.constant 0 : i32
    %c0_i32_0 = arith.constant 0 : i32
    return %arg0, %c0_i32 : i32, i32
  }
}

module attributes {stable_mosaic.version = 14 : i64} {
  func.func @_comb_body(%arg0: i32, %arg1: memref<2000x128xf32, #tpu.memory_space<vmem>>, %arg2: memref<2000x64xf32, #tpu.memory_space<vmem>>, %arg3: memref<2000x64xf32, #tpu.memory_space<vmem>>, %arg4: memref<2000x128xf32, #tpu.memory_space<vmem>>, %arg5: memref<2000x64xf32, #tpu.memory_space<vmem>>, %arg6: memref<2000x64xf32, #tpu.memory_space<vmem>>, %arg7: memref<128x128xf32, #tpu.memory_space<vmem>>, %arg8: memref<64x128xf32, #tpu.memory_space<vmem>>, %arg9: memref<64x128xf32, #tpu.memory_space<vmem>>, %arg10: memref<128x128xf32, #tpu.memory_space<vmem>>, %arg11: memref<64x128xf32, #tpu.memory_space<vmem>>, %arg12: memref<64x128xf32, #tpu.memory_space<vmem>>, %arg13: memref<1x128xf32, #tpu.memory_space<vmem>>, %arg14: memref<1x128xf32, #tpu.memory_space<vmem>>, %arg15: memref<2000x128xf32, #tpu.memory_space<vmem>>, %arg16: memref<2000x128xf32, #tpu.memory_space<vmem>>) attributes {dimension_semantics = [#tpu.dimension_semantics<arbitrary>], iteration_bounds = array<i64: 5>, scalar_prefetch = 0 : i64, scratch_operands = 0 : i64, tpu.core_type = #tpu.core_type<tc>, window_params = [{transform_indices = @transform_0, window_bounds = array<i64: 2000, 128>}, {transform_indices = @transform_1, window_bounds = array<i64: 2000, 64>}, {transform_indices = @transform_2, window_bounds = array<i64: 2000, 64>}, {transform_indices = @transform_3, window_bounds = array<i64: 2000, 128>}, {transform_indices = @transform_4, window_bounds = array<i64: 2000, 64>}, {transform_indices = @transform_5, window_bounds = array<i64: 2000, 64>}, {pipeline_mode = #tpu.pipeline_mode<synchronous>, transform_indices = @transform_6, window_bounds = array<i64: 128, 128>}, {pipeline_mode = #tpu.pipeline_mode<synchronous>, transform_indices = @transform_7, window_bounds = array<i64: 64, 128>}, {pipeline_mode = #tpu.pipeline_mode<synchronous>, transform_indices = @transform_8, window_bounds = array<i64: 64, 128>}, {pipeline_mode = #tpu.pipeline_mode<synchronous>, transform_indices = @transform_9, window_bounds = array<i64: 128, 128>}, {pipeline_mode = #tpu.pipeline_mode<synchronous>, transform_indices = @transform_10, window_bounds = array<i64: 64, 128>}, {pipeline_mode = #tpu.pipeline_mode<synchronous>, transform_indices = @transform_11, window_bounds = array<i64: 64, 128>}, {pipeline_mode = #tpu.pipeline_mode<synchronous>, transform_indices = @transform_12, window_bounds = array<i64: 1, 128>}, {pipeline_mode = #tpu.pipeline_mode<synchronous>, transform_indices = @transform_13, window_bounds = array<i64: 1, 128>}, {transform_indices = @transform_14, window_bounds = array<i64: 2000, 128>}, {transform_indices = @transform_15, window_bounds = array<i64: 2000, 128>}]} {
    %get3A = arith.constant 0 : index
    %get3A_0 = arith.constant 0 : index
    %get3A_1 = vector.load %arg1[%get3A, %get3A_0] : memref<2000x128xf32, #tpu.memory_space<vmem>>, vector<2000x128xf32>
    %get3A_2 = arith.constant 0 : index
    %get3A_3 = arith.constant 0 : index
    %get3A_4 = vector.load %arg4[%get3A_2, %get3A_3] : memref<2000x128xf32, #tpu.memory_space<vmem>>, vector<2000x128xf32>
    %get3A_5 = arith.constant 0 : index
    %get3A_6 = arith.constant 0 : index
    %get3A_7 = vector.load %arg7[%get3A_5, %get3A_6] : memref<128x128xf32, #tpu.memory_space<vmem>>, vector<128x128xf32>
    %dot_general3A = arith.constant dense<0.000000e+00> : vector<2000x128xf32>
    %dot_general3A_8 = tpu.matmul %get3A_1, %get3A_7, %dot_general3A {dimension_numbers = #tpu.dot_dimension_numbers<[1], [0], [0], [1], [0, 0, 1, 1], [], []>, transpose_lhs_hint = false} : vector<2000x128xf32>, vector<128x128xf32>, vector<2000x128xf32> -> vector<2000x128xf32>
    %get3A_9 = arith.constant 0 : index
    %get3A_10 = arith.constant 0 : index
    %get3A_11 = vector.load %arg2[%get3A_9, %get3A_10] : memref<2000x64xf32, #tpu.memory_space<vmem>>, vector<2000x64xf32>
    %get3A_12 = arith.constant 0 : index
    %get3A_13 = arith.constant 0 : index
    %get3A_14 = vector.load %arg8[%get3A_12, %get3A_13] : memref<64x128xf32, #tpu.memory_space<vmem>>, vector<64x128xf32>
    %dot_general3A_15 = arith.constant dense<0.000000e+00> : vector<2000x128xf32>
    %dot_general3A_16 = tpu.matmul %get3A_11, %get3A_14, %dot_general3A_15 {dimension_numbers = #tpu.dot_dimension_numbers<[1], [0], [0], [1], [0, 0, 1, 1], [], []>, transpose_lhs_hint = false} : vector<2000x64xf32>, vector<64x128xf32>, vector<2000x128xf32> -> vector<2000x128xf32>
    %add3A = arith.addf %dot_general3A_8, %dot_general3A_16 : vector<2000x128xf32>
    %get3A_17 = arith.constant 0 : index
    %get3A_18 = arith.constant 0 : index
    %get3A_19 = vector.load %arg3[%get3A_17, %get3A_18] : memref<2000x64xf32, #tpu.memory_space<vmem>>, vector<2000x64xf32>
    %get3A_20 = arith.constant 0 : index
    %get3A_21 = arith.constant 0 : index
    %get3A_22 = vector.load %arg9[%get3A_20, %get3A_21] : memref<64x128xf32, #tpu.memory_space<vmem>>, vector<64x128xf32>
    %dot_general3A_23 = arith.constant dense<0.000000e+00> : vector<2000x128xf32>
    %dot_general3A_24 = tpu.matmul %get3A_19, %get3A_22, %dot_general3A_23 {dimension_numbers = #tpu.dot_dimension_numbers<[1], [0], [0], [1], [0, 0, 1, 1], [], []>, transpose_lhs_hint = false} : vector<2000x64xf32>, vector<64x128xf32>, vector<2000x128xf32> -> vector<2000x128xf32>
    %add3A_25 = arith.addf %add3A, %dot_general3A_24 : vector<2000x128xf32>
    %get3A_26 = arith.constant 0 : index
    %get3A_27 = arith.constant 0 : index
    %get3A_28 = vector.load %arg13[%get3A_26, %get3A_27] : memref<1x128xf32, #tpu.memory_space<vmem>>, vector<1x128xf32>
    %add3A_29 = vector.broadcast %get3A_28 : vector<1x128xf32> to vector<2000x128xf32>
    %add3A_30 = arith.addf %add3A_25, %add3A_29 : vector<2000x128xf32>
    %max3A = arith.constant 0.000000e+00 : f32
    %max3A_31 = vector.broadcast %max3A : f32 to vector<2000x128xf32>
    %max3A_32 = arith.maximumf %add3A_30, %max3A_31 : vector<2000x128xf32>
    %swap3A = arith.constant 0 : index
    %swap3A_33 = arith.constant 0 : index
    %swap3A_34 = vector.load %arg15[%swap3A, %swap3A_33] : memref<2000x128xf32, #tpu.memory_space<vmem>>, vector<2000x128xf32>
    tpu.vector_store %arg15[%swap3A, %swap3A_33], %max3A_32 {strides = array<i32>} : memref<2000x128xf32, #tpu.memory_space<vmem>>, vector<2000x128xf32>,
    %get3A_35 = arith.constant 0 : index
    %get3A_36 = arith.constant 0 : index
    %get3A_37 = vector.load %arg10[%get3A_35, %get3A_36] : memref<128x128xf32, #tpu.memory_space<vmem>>, vector<128x128xf32>
    %dot_general3A_38 = arith.constant dense<0.000000e+00> : vector<2000x128xf32>
    %dot_general3A_39 = tpu.matmul %get3A_4, %get3A_37, %dot_general3A_38 {dimension_numbers = #tpu.dot_dimension_numbers<[1], [0], [0], [1], [0, 0, 1, 1], [], []>, transpose_lhs_hint = false} : vector<2000x128xf32>, vector<128x128xf32>, vector<2000x128xf32> -> vector<2000x128xf32>
    %get3A_40 = arith.constant 0 : index
    %get3A_41 = arith.constant 0 : index
    %get3A_42 = vector.load %arg5[%get3A_40, %get3A_41] : memref<2000x64xf32, #tpu.memory_space<vmem>>, vector<2000x64xf32>
    %get3A_43 = arith.constant 0 : index
    %get3A_44 = arith.constant 0 : index
    %get3A_45 = vector.load %arg11[%get3A_43, %get3A_44] : memref<64x128xf32, #tpu.memory_space<vmem>>, vector<64x128xf32>
    %dot_general3A_46 = arith.constant dense<0.000000e+00> : vector<2000x128xf32>
    %dot_general3A_47 = tpu.matmul %get3A_42, %get3A_45, %dot_general3A_46 {dimension_numbers = #tpu.dot_dimension_numbers<[1], [0], [0], [1], [0, 0, 1, 1], [], []>, transpose_lhs_hint = false} : vector<2000x64xf32>, vector<64x128xf32>, vector<2000x128xf32> -> vector<2000x128xf32>
    %add3A_48 = arith.addf %dot_general3A_39, %dot_general3A_47 : vector<2000x128xf32>
    %get3A_49 = arith.constant 0 : index
    %get3A_50 = arith.constant 0 : index
    %get3A_51 = vector.load %arg6[%get3A_49, %get3A_50] : memref<2000x64xf32, #tpu.memory_space<vmem>>, vector<2000x64xf32>
    %get3A_52 = arith.constant 0 : index
    %get3A_53 = arith.constant 0 : index
    %get3A_54 = vector.load %arg12[%get3A_52, %get3A_53] : memref<64x128xf32, #tpu.memory_space<vmem>>, vector<64x128xf32>
    %dot_general3A_55 = arith.constant dense<0.000000e+00> : vector<2000x128xf32>
    %dot_general3A_56 = tpu.matmul %get3A_51, %get3A_54, %dot_general3A_55 {dimension_numbers = #tpu.dot_dimension_numbers<[1], [0], [0], [1], [0, 0, 1, 1], [], []>, transpose_lhs_hint = false} : vector<2000x64xf32>, vector<64x128xf32>, vector<2000x128xf32> -> vector<2000x128xf32>
    %add3A_57 = arith.addf %add3A_48, %dot_general3A_56 : vector<2000x128xf32>
    %get3A_58 = arith.constant 0 : index
    %get3A_59 = arith.constant 0 : index
    %get3A_60 = vector.load %arg14[%get3A_58, %get3A_59] : memref<1x128xf32, #tpu.memory_space<vmem>>, vector<1x128xf32>
    %add3A_61 = vector.broadcast %get3A_60 : vector<1x128xf32> to vector<2000x128xf32>
    %add3A_62 = arith.addf %add3A_57, %add3A_61 : vector<2000x128xf32>
    %max3A_63 = arith.constant 0.000000e+00 : f32
    %max3A_64 = vector.broadcast %max3A_63 : f32 to vector<2000x128xf32>
    %max3A_65 = arith.maximumf %add3A_62, %max3A_64 : vector<2000x128xf32>
    %add3A_66 = arith.addf %get3A_4, %max3A_65 : vector<2000x128xf32>
    %swap3A_67 = arith.constant 0 : index
    %swap3A_68 = arith.constant 0 : index
    %swap3A_69 = vector.load %arg16[%swap3A_67, %swap3A_68] : memref<2000x128xf32, #tpu.memory_space<vmem>>, vector<2000x128xf32>
    tpu.vector_store %arg16[%swap3A_67, %swap3A_68], %add3A_66 {strides = array<i32>} : memref<2000x128xf32, #tpu.memory_space<vmem>>, vector<2000x128xf32>,
    return
  }
  func.func @transform_0(%arg0: i32) -> (i32, i32) {
    %c0_i32 = arith.constant 0 : i32
    %c0_i32_0 = arith.constant 0 : i32
    return %arg0, %c0_i32 : i32, i32
  }
  func.func @transform_1(%arg0: i32) -> (i32, i32) {
    %c0_i32 = arith.constant 0 : i32
    %c0_i32_0 = arith.constant 0 : i32
    return %arg0, %c0_i32 : i32, i32
  }
  func.func @transform_2(%arg0: i32) -> (i32, i32) {
    %c0_i32 = arith.constant 0 : i32
    %c0_i32_0 = arith.constant 0 : i32
    return %arg0, %c0_i32 : i32, i32
  }
  func.func @transform_3(%arg0: i32) -> (i32, i32) {
    %c0_i32 = arith.constant 0 : i32
    %c0_i32_0 = arith.constant 0 : i32
    return %arg0, %c0_i32 : i32, i32
  }
  func.func @transform_4(%arg0: i32) -> (i32, i32) {
    %c0_i32 = arith.constant 0 : i32
    %c0_i32_0 = arith.constant 0 : i32
    return %arg0, %c0_i32 : i32, i32
  }
  func.func @transform_5(%arg0: i32) -> (i32, i32) {
    %c0_i32 = arith.constant 0 : i32
    %c0_i32_0 = arith.constant 0 : i32
    return %arg0, %c0_i32 : i32, i32
  }
  func.func @transform_6(%arg0: i32) -> (i32, i32) {
    %c0_i32 = arith.constant 0 : i32
    %c0_i32_0 = arith.constant 0 : i32
    %c0_i32_1 = arith.constant 0 : i32
    return %c0_i32, %c0_i32_0 : i32, i32
  }
  func.func @transform_7(%arg0: i32) -> (i32, i32) {
    %c0_i32 = arith.constant 0 : i32
    %c0_i32_0 = arith.constant 0 : i32
    %c0_i32_1 = arith.constant 0 : i32
    return %c0_i32, %c0_i32_0 : i32, i32
  }
  func.func @transform_8(%arg0: i32) -> (i32, i32) {
    %c0_i32 = arith.constant 0 : i32
    %c0_i32_0 = arith.constant 0 : i32
    %c0_i32_1 = arith.constant 0 : i32
    return %c0_i32, %c0_i32_0 : i32, i32
  }
  func.func @transform_9(%arg0: i32) -> (i32, i32) {
    %c0_i32 = arith.constant 0 : i32
    %c0_i32_0 = arith.constant 0 : i32
    %c0_i32_1 = arith.constant 0 : i32
    return %c0_i32, %c0_i32_0 : i32, i32
  }
  func.func @transform_10(%arg0: i32) -> (i32, i32) {
    %c0_i32 = arith.constant 0 : i32
    %c0_i32_0 = arith.constant 0 : i32
    %c0_i32_1 = arith.constant 0 : i32
    return %c0_i32, %c0_i32_0 : i32, i32
  }
  func.func @transform_11(%arg0: i32) -> (i32, i32) {
    %c0_i32 = arith.constant 0 : i32
    %c0_i32_0 = arith.constant 0 : i32
    %c0_i32_1 = arith.constant 0 : i32
    return %c0_i32, %c0_i32_0 : i32, i32
  }
  func.func @transform_12(%arg0: i32) -> (i32, i32) {
    %c0_i32 = arith.constant 0 : i32
    %c0_i32_0 = arith.constant 0 : i32
    %c0_i32_1 = arith.constant 0 : i32
    return %c0_i32, %c0_i32_0 : i32, i32
  }
  func.func @transform_13(%arg0: i32) -> (i32, i32) {
    %c0_i32 = arith.constant 0 : i32
    %c0_i32_0 = arith.constant 0 : i32
    %c0_i32_1 = arith.constant 0 : i32
    return %c0_i32, %c0_i32_0 : i32, i32
  }
  func.func @transform_14(%arg0: i32) -> (i32, i32) {
    %c0_i32 = arith.constant 0 : i32
    %c0_i32_0 = arith.constant 0 : i32
    return %arg0, %c0_i32 : i32, i32
  }
  func.func @transform_15(%arg0: i32) -> (i32, i32) {
    %c0_i32 = arith.constant 0 : i32
    %c0_i32_0 = arith.constant 0 : i32
    return %arg0, %c0_i32 : i32, i32
  }
}

</mosaic_0001>

<sc_bundles>
// kernel: kernel.5.cloned.1.call-start
scs
__scs_entry_jumppad:
0x0: {  	(pc) =	sbr.rel $0x88, $3  }
0x1: {  	(tag) =	ssettag $0x0;
	lr =	simm.s32 $0x1  }
0x2: {  	[smem:$0x3F96] =	sst lr;
	_ =	strace $0xD0000000  }
0x3: {  	_ = 	snop  }
0x4: {  	_ = 	snop  }
0x5: {  	_ = 	snop  }
0x6: {  	_ = 	snop  }
0x7: {  	_ = 	snop  }
__scs_overlays_trampoline_lowered:
0x8: {  	[smem:$0x3FA5] =	sst s0  }
0x9: {  	[smem:$0x3FA6] =	sst s1  }
0xa: {  	[smem:$0x3FA7] =	sst s2  }
0xb: {  	[smem:$0x3FA8] =	sst s3  }
0xc: {  	[smem:$0x3FA9] =	sst s4  }
0xd: {  	[smem:$0x3FAA] =	sst s5  }
0xe: {  	[smem:$0x3FAB] =	sst s6  }
0xf: {  	[smem:$0x3FAC] =	sst s7  }
0x10: {  	[smem:$0x3FAD] =	sst s8  }
0x11: {  	[smem:$0x3FAE] =	sst s9;
	s0 =	simm.s32 @!p0 $0x0  }
0x12: {  	s1 =	sld [smem:$0x3F94];
	s0 =	simm.s32 @p0 $0x1  }
0x13: {  	[smem:$0x3FAF] =	sst s0;
	s0 =	simm.s32 @!p1 $0x0  }
0x14: {  	s2 =	sld [smem:$0x3F93];
	s0 =	simm.s32 @p1 $0x1  }
0x15: {  	[smem:$0x3FB0] =	sst s0;
	s0 =	simm.s32 @!p2 $0x0  }
0x16: {  	s3 =	sld [smem:$0x3FDB];
	s0 =	simm.s32 @p2 $0x1  }
0x17: {  	s4 =	simm.s32 $0x1BF5;
	[smem:$0x3FB2] =	sst s0  }
0x18: {  	s0 =	sld [smem:$0x3F95];
	_ =	swait.ge [sflag:s4], $0x0  }
0x19: {  	s7 =	sld [smem:$0x3F96]  }
0x1a: {  	s8 =	sadd.s32 $0xFFFFE003, lr  }
0x1b: {  	s9 =	sadd.s32 $0xFFFFFEF7, lr;
	s5 =	simm.s32 $0xFFFFFFFF;
	p2 =	slt.u32 s8, $0xFFFFF086  }
0x1c: {  	p1 =	slt.u32 s9, $0xF7A;
	s5 =	simm.s32 @!p2 $0x0  }
0x1d: {  	s5 =	simm.s32 @p1 $0x1;
	p0 =	seq.s32 s7, s2  }
0x1e: {  	s7 =	smul.u32 @!p0 $0xF7A, s2;
	p2 =	seq.s32 @!p0 s5, $0x0  }
0x1f: {  	s9 =	smul.u32 $0xF7A, s1;
	s8 =	simm.s32 @!p0 $0x1BF5;
	p2 =	por !p2, p0  }
0x20: {  	[sflag:s8] =	ssyncset.s32 @!p0 $0xFFFFF086;
	s6 =	sadd.s32 @!p0 s3, s7;
	s7 =	simm.s32 @!p0 $0x108  }
0x21: {  	s3 =	sadd.s32 s3, s9;
	s6 =	sadd.s32 @!p0 $0x88, s6;
	s7 =	simm.s32 @p2 $0x1082  }
0x22: {  	[simem:s7], [sflag:s8] =	dma.local @!p0 [hbm:s6], $0xF7A  }
0x23: {  	s9 =	sor.u32 $0xD0000000, s2;
	s6 =	simm.s32 $0x108;
	_ =	swait.ge @!p0 [sflag:s8], $0x0  }
0x24: {  	s3 =	sadd.s32 $0x88, s3;
	s6 =	simm.s32 @!p1 $0x1082;
	[sflag:s4] =	ssyncset.s32 $0xFFFFF086  }
0x25: {  	[simem:s6], [sflag:s4] =	dma.local [hbm:s3], $0xF7A  }
0x26: {  	[smem:$0x3F96] =	sst s1;
	(tag) =	ssettag s2;
	_ =	strace s9  }
0x27: {  	s1 =	sld [smem:$0x3FA6]  }
0x28: {  	s2 =	sld [smem:$0x3FA7]  }
0x29: {  	s4 =	sld [smem:$0x3FA9]  }
0x2a: {  	p0 =	seq.s32 s5, $0x0;
	s5 =	sld [smem:$0x3FAA]  }
0x2b: {  	s6 =	sld [smem:$0x3FAB]  }
0x2c: {  	s7 =	sld [smem:$0x3FAC]  }
0x2d: {  	s3 =	simm.s32 $0x108;
	s8 =	sld [smem:$0x3FAD]  }
0x2e: {  	s3 =	simm.s32 @!p0 $0x1082;
	s9 =	sld [smem:$0x3FAE]  }
0x2f: {  	lr =	sadd.s32 s0, s3;
	s0 =	sld [smem:$0x3FA5]  }
0x30: {  	s3 =	sld [smem:$0x3FA8]  }
0x31: {  	[smem:$0x3FB1] =	sst s10  }
0x32: {  	s10 =	sld [smem:$0x3FAF];
	_ =	sdelay $0x3  }
0x33: {  	p0 =	seq.s32 s10, $0x1;
	s10 =	sld [smem:$0x3FB1];
	_ =	sdelay $0x3  }
0x34: {  	[smem:$0x3FB1] =	sst s10  }
0x35: {  	s10 =	sld [smem:$0x3FB0];
	_ =	sdelay $0x3  }
0x36: {  	p1 =	seq.s32 s10, $0x1;
	s10 =	sld [smem:$0x3FB1];
	_ =	sdelay $0x3  }
0x37: {  	[smem:$0x3FB1] =	sst s10  }
0x38: {  	s10 =	sld [smem:$0x3FB2]  }
0x39: {  	_ = 	snop;
	(pc) =	sbr.ind lr, $3  }
0x3a: {  	_ = 	snop  }
0x3b: {  	_ = 	snop  }
0x3c: {  	p2 =	seq.s32 s10, $0x1;
	s10 =	sld [smem:$0x3FB1]  }
0x3d: {  	_ =	shalt  }
0x3e: {  	_ =	shalt  }
0x3f: {  	_ =	shalt  }
0x40: {  	_ =	shalt  }
0x41: {  	_ =	shalt  }
0x42: {  	_ =	shalt  }
0x43: {  	_ =	shalt  }
0x44: {  	_ =	shalt  }
0x45: {  	_ =	shalt  }
0x46: {  	_ =	shalt  }
0x47: {  	_ =	shalt  }
0x48: {  	_ =	shalt  }
0x49: {  	_ =	shalt  }
0x4a: {  	_ =	shalt  }
0x4b: {  	_ =	shalt  }
0x4c: {  	_ =	shalt  }
0x4d: {  	_ =	shalt  }
0x4e: {  	_ =	shalt  }
0x4f: {  	_ =	shalt  }
0x50: {  	_ =	shalt  }
0x51: {  	_ =	shalt  }
0x52: {  	_ =	shalt  }
0x53: {  	_ =	shalt  }
0x54: {  	_ =	shalt  }
0x55: {  	_ =	shalt  }
0x56: {  	_ =	shalt  }
0x57: {  	_ =	shalt  }
0x58: {  	_ =	shalt  }
0x59: {  	_ =	shalt  }
0x5a: {  	_ =	shalt  }
0x5b: {  	_ =	shalt  }
0x5c: {  	_ =	shalt  }
0x5d: {  	_ =	shalt  }
0x5e: {  	_ =	shalt  }
0x5f: {  	_ =	shalt  }
0x60: {  	_ =	shalt  }
0x61: {  	_ =	shalt  }
0x62: {  	_ =	shalt  }
0x63: {  	_ =	shalt  }
0x64: {  	_ =	shalt  }
0x65: {  	_ =	shalt  }
0x66: {  	_ =	shalt  }
0x67: {  	_ =	shalt  }
0x68: {  	_ =	shalt  }
0x69: {  	_ =	shalt  }
0x6a: {  	_ =	shalt  }
0x6b: {  	_ =	shalt  }
0x6c: {  	_ =	shalt  }
0x6d: {  	_ =	shalt  }
0x6e: {  	_ =	shalt  }
0x6f: {  	_ =	shalt  }
0x70: {  	_ =	shalt  }
0x71: {  	_ =	shalt  }
0x72: {  	_ =	shalt  }
0x73: {  	_ =	shalt  }
0x74: {  	_ =	shalt  }
0x75: {  	_ =	shalt  }
0x76: {  	_ =	shalt  }
0x77: {  	_ =	shalt  }
0x78: {  	_ =	shalt  }
0x79: {  	_ =	shalt  }
0x7a: {  	_ =	shalt  }
0x7b: {  	_ =	shalt  }
0x7c: {  	_ =	shalt  }
0x7d: {  	_ =	shalt  }
0x7e: {  	_ =	shalt  }
0x7f: {  	_ =	shalt  }
0x80: {  	_ =	shalt  }
0x81: {  	_ =	shalt  }
0x82: {  	_ =	shalt  }
0x83: {  	_ =	shalt  }
0x84: {  	_ =	shalt  }
0x85: {  	_ =	shalt  }
0x86: {  	_ =	shalt  }
0x87: {  	_ =	shalt  }
.Lfunc_end0:
.L_simem_size_0:
called_computation_lowered:
.L_overlay_start_0:
0x88: {  	s2 =	sld [smem:$0x3FD9]  }
0x89: {  	s3 =	sld [smem:$0x3FFE];
	_ =	sdelay $0x1  }
0x8a: {  	s1 =	srdreg.scid  }
0x8b: {  	s0 =	sand.u32 $0x1, s1  }
0x8c: {  	s14 =	sshll.u32 s0, $0xA;
	s2 =	sadd.s32 s3, s2  }
0x8d: {  	s2 =	sadd.s32 s2, s14  }
0x8e: {  	[smem:$0x3FBD] =	sst s2  }
0x8f: {  	_ = 	snop  }
0x90: {  	s2 =	sld [smem:$0x3FD0];
	_ =	sdelay $0x2  }
0x91: {  	s15 =	simm.s32 $0xA;
	s4 =	simm.s32 $0x10  }
0x92: {  	[smem:s4], [sflag:s15] =	dma.local [hbm:s2], $0x1  }
0x93: {  	_ =	swait.eq [sflag:s15], $0x1  }
0x94: {  	[sflag:s15] =	ssyncset.done $0x0  }
0x95: {  	s16 =	sld [smem:$0x10];
	[sflag:s15] =	ssyncadd.s32 $0xFFFFFFFF  }
0x96: {  	s17 =	sld [smem:$0x11];
	(tm) =	ssettm $0x1  }
0x97: {  	s18 =	sld [smem:$0x3FFB];
	_ =	sdelay $0x3  }
0x98: {  	_ =	strace s18  }
0x99: {  	s4 =	sld [smem:$0x3FFC];
	_ =	sdelay $0x3  }
0x9a: {  	_ =	strace s4  }
0x9b: {  	s4 =	sld [smem:$0x3FFD];
	_ =	sdelay $0x3  }
0x9c: {  	_ =	strace s4  }
0x9d: {  	_ =	strace $0x8FFFFFFF  }
0x9e: {  	s19 =	sld [smem:$0x3FDB];
	_ =	sdelay $0x1  }
0x9f: {  	s5 =	simm.s32 $_scs_section_size  }
0xa0: {  	s6 =	simm.s32 $_size__tile_overlayer_lowered;
	s7 =	simm.s32 $_tile_overlayer_lowered  }
0xa1: {  	s22 =	simm.s32 $0x1BFF;
	s21 =	sshll.u32 s7, $0x1;
	s4 =	sadd.s32 s5, s19  }
0xa2: {  	s8 =	simm.s32 $0x0;
	s20 =	sshll.u32 s6, $0x1;
	s6 =	sadd.s32 s21, s4  }
0xa3: {  	[timem:s8], [sflag:s22] =	dma.local [hbm:s6], s20  }
0xa4: {  	_ =	swait.ge [sflag:s22], s20  }
0xa5: {  	s5 =	ssub.s32 $0x0, s20;
	[sflag:s22] =	ssyncset.done $0x0  }
0xa6: {  	[sflag:s22] =	ssyncadd.s32 s5;
	_ =	sdelay $0x1  }
0xa7: {  	s23 =	simm.s32 $0x1B8B  }
0xa8: {  	_ =	swait.ge [sflag:s23], $0x1  }
0xa9: {  	[sflag:s23] =	ssyncset.done $0x0  }
0xaa: {  	s25 =	simm.s32 $0x1B8E;
	s24 =	sld [smem:$0x3FFE];
	[sflag:s23] =	ssyncadd.s32 $0xFFFFFFFF  }
0xab: {  	s26 =	simm.s32 $execute0_lowered;
	[smem:$0x3FD2] =	sst s25  }
0xac: {  	s6 =	sshll.u32 s26, $0x1;
	_ =	strace $0x80000046;
	[dreg:$0x1] =	wrdreg $0xFFFFFFFF  }
0xad: {  	s28 =	simm.s32 $_size_execute0_lowered;
	s4 =	sadd.s32 s4, s6;
	[dreg:$0x0] =	wrdreg $0x0  }
0xae: {  	s6 =	sshll.u32 s28, $0x1;
	[dreg:$0x2] =	wrdreg s4  }
0xaf: {  	[dreg:$0x3] =	wrdreg s6  }
0xb0: {  	[dreg:$0x4] =	wrdreg $0xC0  }
0xb1: {  	_ =	task [dreg:s8], $0x5FFFF  }
0xb2: {  	[dreg:$0x1] =	wrdreg $0xFFFFFFFF  }
0xb3: {  	[dreg:$0x0] =	wrdreg $0x60  }
0xb4: {  	[dreg:$0x2] =	wrdreg s16  }
0xb5: {  	[dreg:$0x3] =	wrdreg s17  }
0xb6: {  	[dreg:$0x4] =	wrdreg s24  }
0xb7: {  	[dreg:$0x5] =	wrdreg $0x82000  }
0xb8: {  	[dreg:$0x6] =	wrdreg $0x9  }
0xb9: {  	_ =	task.clear_ibuf [dreg:s8], $0x7FFFF;
	_ =	strace $0x90000046  }
0xba: {  	s29 =	simm.s32 $0x9;
	_ =	strace $0x80000048  }
0xbb: {  	_ =	swait.ge [sflag:s29], $0x1  }
0xbc: {  	[sflag:s29] =	ssyncadd.s32 $0xFFFFFFFF  }
0xbd: {  	_ =	strace $0x90000048  }
0xbe: {  	_ =	sfence  }
0xbf: {  	s30 =	sld [smem:$0x0];
	_ =	sdelay $0x2  }
0xc0: {  	s31 =	sshll.u32 s1, $0xD;
	s1 =	sshrl.u32 s1, $0x2  }
0xc1: {  	s3 =	sand.u32 $0x4000, s31;
	s1 =	sadd.s32 s1, s30  }
0xc2: {  	s0 =	sor.u32 s3, s0;
	s1 =	sshll.u32 s1, $0x11  }
0xc3: {  	s0 =	sor.u32 s1, s0  }
0xc4: {  	s0 =	sadd.s32 $0x8F2B, s0  }
0xc5: {  	[sflag:s0] =	ssyncadd.remote.s32 $0x1  }
0xc6: {  	_ =	sfence.sel $0xFFFF  }
0xc7: {  	[dreg:$0x0] =	wrdreg $0xFFFFFFFF;
	(pc) =	sbr.abs _section_cstart, $3  }
0xc8: {  	[dreg:$0x1] =	wrdreg $0xFFFFFFFF  }
0xc9: {  	_ =	task.clear_ibuf [dreg:s8], $0x2FFFF;
	_ =	strace $0x9FFFFFFF  }
0xca: {  	(tm) =	ssettm $0x7FFFFFFF  }
0xcb: {  	_ =	shalt  }
tec
execute0_lowered:
.L_overlay_start_1:
0x0: {  	(tag) =	ssettag $0x1  }
0x1: {  	s1 =	rddreg [dreg:$0x0]  }
0x2: {  	s2 =	rddreg [dreg:$0x1]  }
0x3: {  	s0 =	rddreg [dreg:$0x2]  }
0x4: {  	s3 =	rddreg [dreg:$0x3]  }
0x5: {  	s4 =	simm.s32 $0x0;
	s22 =	stileid.u32;
	s13 =	srdreg.scid  }
0x6: {  	s28 =	simm.s32 $0x8000;
	s29 =	simm.s32 $0x8100;
	s30 =	simm.s32 $0x80  }
0x7: {  	s31 =	simm.s32 $0x1;
	[smem:$0x7FF] =	sst s4;
	s6 =	sadd.s32 $0x18A00, s0  }
0x8: {  	s7 =	sadd.s32 $0x4A00, s0;
	s8 =	sadd.s32 $0x68A00, s0;
	s9 =	sadd.s32 $0x54A00, s0  }
0x9: {  	s10 =	sadd.s32 $0x40A00, s0;
	s5 =	smul.u32 $0xA000, s22;
	s11 =	sadd.s32 $0x2CA00, s0  }
0xa: {  	s12 =	sadd.s32 $0x86800, s0;
	s13 =	sand.u32 $0x1, s13;
	s15 =	smul.u32 $0x28000, s22  }
0xb: {  	s14 =	sadd.s32 $0x7CA00, s0;
	s18 =	sadd.s32 $0xB8600, s0;
	s22 =	smul.u32 $0x4E80, s22  }
0xc: {  	_ =	strace $0x80000047;
	s17 =	ssub.s32 $0x2, s13;
	[dreg:$0x6] =	wrdreg s18  }
0xd: {  	p0 =	seq.s32 s13, $0x1;
	s16 =	sshrl.u32 s5, $0x3;
	s21 =	sshrl.u32 s17, $0x1  }
0xe: {  	s15 =	sshrl.u32 s15, $0x2;
	[dreg:$0x5] =	wrdreg s16;
	s16 =	sadd.s32 s16, s0  }
0xf: {  	s0 =	sadd.s32 $0xCC600, s0;
	s23 =	ssub.s32 s17, s21;
	s15 =	sadd.s32 s15, s3  }
0x10: {  	s17 =	sadd.s32 s5, s3;
	[dreg:$0x7] =	wrdreg s0;
	s24 =	sadd.s32 $0x2000, s15  }
.Ltmp0:
0x11: {  	s19 =	sadd.s32 $0x4000, s15;
	s20 =	sadd.s32 $0x6000, s15;
	(pc) =	sbr.rel .LBB2_1-.Ltmp0, $4  }
0x12: {  	s21 =	sadd.s32 $0x8000, s15;
	s25 =	sadd.s32 $0x90600, s16;
	[dreg:$0x8] =	wrdreg s24  }
0x13: {  	s26 =	sadd.s32 $0xA4600, s16;
	s0 =	smax.u32 s23, $0x1;
	[dreg:$0x9] =	wrdreg s25  }
0x14: {  	s15 =	simm.s32 $0x2;
	s16 =	simm.s32 $0x0;
	[dreg:$0xa] =	wrdreg s26  }
0x15: {  	v0 =	vimm.f32 $0.0e+00;
	[dreg:$0xb] =	wrdreg s0;
	s26 =	simm.s32 $0x3;
	s0 =	simm.s32 $0x4000  }
.LBB2_26:
0x16: {  	s13 =	rddreg [dreg:$0x5]  }
0x17: {  	[bflag:$0x0] =	sbarrier.arrive $0xFFFF;
	s24 =	sshrl.u32 s17, $0x3;
	s5 =	sadd.s32 s5, s13  }
0x18: {  	[hbm:s5], [sflag:s23] =	dma.local [spmem:s24], $0x1400  }
0x19: {  	_ =	swait.ge [sflag:s26], $0x1400  }
0x1a: {  	s16 =	sadd.s32 $0x1, s16;
	s25 =	rddreg [dreg:$0xb]  }
0x1b: {  	p1 =	sne.s32 s16, s25  }
.Ltmp1:
0x1c: {  	_ = 	snop;
	(pc) =	sbr.rel @!p1 .LBB2_27-.Ltmp1, $3  }
0x1d: {  	_ =	sdelay $0x1  }
0x1e: {  	[sflag:s26] =	ssyncset.done $0x0  }
0x1f: {  	[sflag:s26] =	ssyncadd.s32 $0xFFFFEC00  }
.LBB2_1:
.Ltmp2:
0x20: {  	(pc) =	sbr.rel @!p0 .LBB2_2-.Ltmp2, $2  }
0x21: {  	_ =	sdelay $0x2  }
0x22: {  	s13 =	simm.s32 $0x100;
	s5 =	simm.s32 $0x0  }
.LBB2_14:
0x23: {  	p1 =	sne.s32 s13, $0x7F00;
	[tilespmem:s5+$0x30] =	vst v0;
	s18 =	smov.u32 s13;
	s13 =	sadd.s32 $0x100, s13  }
.Ltmp3:
0x24: {  	[tilespmem:s5+$0x20] =	vst v0;
	(pc) =	sbr.rel @p1 .LBB2_14-.Ltmp3, $3  }
0x25: {  	[tilespmem:s5+$0x0] =	vst v0  }
0x26: {  	[tilespmem:s5+$0x10] =	vst v0;
	_ =	sdelay $0x1  }
0x27: {  	s5 =	sshra.s32 s18, $0x2  }
0x28: {  	[tilespmem:s5+$0x30] =	vst v0  }
0x29: {  	[tilespmem:s5+$0x20] =	vst v0  }
0x2a: {  	[tilespmem:s5+$0x0] =	vst v0  }
0x2b: {  	[tilespmem:s5+$0x10] =	vst v0;
	s23 =	simm.s32 $0x0  }
0x2c: {  	[spmem:s17] =	stream.linear.scatter [tilespmem:s23], [sflag:$0x3], $0x2000, $0x38;
	[tilespmem:$0x12200] =	vst v63  }
0x2d: {  	_ =	swait.ge [sflag:s26], $0x2000  }
0x2e: {  	[sflag:s26] =	ssyncset.done $0x0  }
0x2f: {  	s25 =	rddreg [dreg:$0x8];
	[sflag:s26] =	ssyncadd.s32 $0xFFFFE000  }
0x30: {  	[spmem:s25] =	stream.linear.scatter [tilespmem:s23], [sflag:$0x3], $0x2000, $0x38;
	[tilespmem:$0x12200] =	vst v63  }
0x31: {  	_ =	swait.ge [sflag:s26], $0x2000  }
0x32: {  	[sflag:s26] =	ssyncset.done $0x0  }
0x33: {  	[sflag:s26] =	ssyncadd.s32 $0xFFFFE000  }
0x34: {  	[spmem:s19] =	stream.linear.scatter [tilespmem:s23], [sflag:$0x3], $0x2000, $0x38;
	[tilespmem:$0x12200] =	vst v63  }
0x35: {  	_ =	swait.ge [sflag:s26], $0x2000  }
0x36: {  	[sflag:s26] =	ssyncset.done $0x0  }
0x37: {  	[sflag:s26] =	ssyncadd.s32 $0xFFFFE000  }
0x38: {  	[spmem:s20] =	stream.linear.scatter [tilespmem:s23], [sflag:$0x3], $0x2000, $0x38;
	[tilespmem:$0x12200] =	vst v63  }
0x39: {  	_ =	swait.ge [sflag:s26], $0x2000  }
0x3a: {  	[sflag:s26] =	ssyncset.done $0x0  }
0x3b: {  	[sflag:s26] =	ssyncadd.s32 $0xFFFFE000  }
0x3c: {  	[spmem:s21] =	stream.linear.scatter [tilespmem:s23], [sflag:$0x3], $0x2000, $0x38;
	[tilespmem:$0x12200] =	vst v63  }
0x3d: {  	_ =	swait.ge [sflag:s26], $0x2000  }
0x3e: {  	[sflag:s26] =	ssyncset.done $0x0  }
0x3f: {  	[sflag:s26] =	ssyncadd.s32 $0xFFFFE000  }
0x40: {  	s24 =	simm.s32 $0x0;
	[bflag:$0x0] =	sbarrier.arrive $0xFFFF  }
.LBB2_16:
0x41: {  	s5 =	sshll.u32 s24, $0x7  }
0x42: {  	s5 =	sadd.s32 s22, s5  }
0x43: {  	s5 =	sshrl.u32 s5, $0x3  }
0x44: {  	s13 =	sadd.s32 s12, s5  }
0x45: {  	[tilespmem:s28], [sflag:$0x3] =	stream.linear.gather [hbm4b:s13+s23], $0x80, $0x38;
	[tilespmem:$0x12200] =	vst v63  }
0x46: {  	_ =	swait.ge [sflag:s26], $0x80  }
0x47: {  	[sflag:s26] =	ssyncset.done $0x0  }
0x48: {  	s5 =	sadd.s32 s14, s5;
	[sflag:s26] =	ssyncadd.s32 $0xFFFFFF80  }
0x49: {  	[tilespmem:s29], [sflag:$0x3] =	stream.linear.gather [hbm4b:s5+s23], $0x80, $0x38;
	[tilespmem:$0x12200] =	vst v63  }
0x4a: {  	_ =	swait.ge [sflag:s26], $0x80  }
0x4b: {  	[sflag:s26] =	ssyncset.done $0x0  }
0x4c: {  	[sflag:s26] =	ssyncadd.s32 $0xFFFFFF80  }
0x4d: {  	[tilespmem:s23], [sflag:$0x1] =	stream.indirect.gather [hbm4b:s2+s30], $0x40, s28, s30, $0xb8;
	[tilespmem:$0x12200] =	vst v63  }
0x4e: {  	_ =	swait.ge [sflag:s31], $0x2000  }
0x4f: {  	[sflag:s31] =	ssyncset.done $0x0  }
0x50: {  	[sflag:s31] =	ssyncadd.s32 $0xFFFFE000  }
0x51: {  	[tilespmem:s0], [sflag:$0x2] =	stream.indirect.gather [hbm4b:s7+s30], $0x40, s29, s30, $0xb8;
	[tilespmem:$0x12200] =	vst v63  }
0x52: {  	_ =	swait.ge [sflag:s15], $0x2000  }
0x53: {  	[sflag:s15] =	ssyncset.done $0x0  }
0x54: {  	s5 =	simm.s32 $0x0;
	[sflag:s15] =	ssyncadd.s32 $0xFFFFE000  }
0x55: {  	v3 =	vld [tilespmem:s5+$0x4000]  }
0x56: {  	v4 =	vld [tilespmem:s5+$0x4010]  }
0x57: {  	v2 =	vld [tilespmem:s5+$0x4020]  }
0x58: {  	v1 =	vld [tilespmem:s5+$0x4030]  }
0x59: {  	v5 =	vld [tilespmem:s5+$0x0]  }
0x5a: {  	v7 =	vld [tilespmem:s5+$0x10]  }
0x5b: {  	s13 =	simm.s32 $0x100;
	v6 =	vld [tilespmem:s5+$0x20]  }
.LBB2_17:
0x5c: {  	p1 =	sne.s32 s13, $0x7F00;
	v8 =	vld [tilespmem:s5+$0x30]  }
0x5d: {  	s18 =	sshra.s32 s13, $0x2  }
0x5e: {  	v5 =	vadd.f32 v3, v5;
	v3 =	vld [tilespmem:s18+$0x4000]  }
0x5f: {  	v7 =	vadd.f32 v4, v7;
	v4 =	vld [tilespmem:s18+$0x4010]  }
.Ltmp4:
0x60: {  	v5 =	vmax.f32 v5, $0.0e+00;
	v6 =	vadd.f32 v2, v6;
	v2 =	vld [tilespmem:s18+$0x4020];
	(pc) =	sbr.rel @p1 .LBB2_17-.Ltmp4, $4  }
0x61: {  	[tilespmem:s5+$0x0] =	vst v5;
	v7 =	vmax.f32 v7, $0.0e+00;
	v8 =	vadd.f32 v1, v8;
	v1 =	vld [tilespmem:s18+$0x4030]  }
0x62: {  	v5 =	vld [tilespmem:s18+$0x0];
	[tilespmem:s5+$0x10] =	vst v7;
	v6 =	vmax.f32 v6, $0.0e+00  }
0x63: {  	v7 =	vld [tilespmem:s18+$0x10];
	[tilespmem:s5+$0x20] =	vst v6;
	v8 =	vmax.f32 v8, $0.0e+00  }
0x64: {  	s13 =	sadd.s32 $0x100, s13;
	v6 =	vld [tilespmem:s18+$0x20];
	[tilespmem:s5+$0x30] =	vst v8;
	s5 =	smov.u32 s18  }
0x65: {  	v8 =	vld [tilespmem:s5+$0x30];
	_ =	sdelay $0x1  }
0x66: {  	v3 =	vadd.f32 v3, v5  }
0x67: {  	v4 =	vadd.f32 v4, v7  }
0x68: {  	v3 =	vmax.f32 v3, $0.0e+00;
	v2 =	vadd.f32 v2, v6  }
0x69: {  	[tilespmem:s5+$0x0] =	vst v3;
	v3 =	vmax.f32 v4, $0.0e+00;
	v1 =	vadd.f32 v1, v8  }
0x6a: {  	s24 =	sadd.s32 $0x1, s24;
	[tilespmem:s5+$0x10] =	vst v3;
	v2 =	vmax.f32 v2, $0.0e+00  }
0x6b: {  	p1 =	sne.s32 s24, $0x9D;
	[tilespmem:s5+$0x20] =	vst v2;
	v1 =	vmax.f32 v1, $0.0e+00  }
.Ltmp5:
0x6c: {  	[tilespmem:s5+$0x30] =	vst v1;
	(pc) =	sbr.rel @p1 .LBB2_16-.Ltmp5, $4  }
0x6d: {  	[spmem:s3] =	stream.indirect.scatter.add.f32 [tilespmem:s4], [sflag:$0x3], $0x40, s28, s30, $0xb8;
	[tilespmem:$0x12200] =	vst v63  }
0x6e: {  	_ =	swait.ge [sflag:s26], $0x2000  }
0x6f: {  	[sflag:s26] =	ssyncset.done $0x0  }
0x70: {  	[sflag:s26] =	ssyncadd.s32 $0xFFFFE000  }
0x71: {  	s5 =	stileid.u32  }
0x72: {  	[bflag:$0x0] =	sbarrier.arrive $0xFFFF;
	s5 =	sshll.u32 s5, $0x6  }
0x73: {  	s25 =	sshrl.u32 s17, $0x3;
	s13 =	rddreg [dreg:$0xa];
	s23 =	sor.u32 $0x1C03, s5  }
0x74: {  	[hbm:s13], [sflag:s23] =	dma.local [spmem:s25], $0x1400  }
0x75: {  	_ =	swait.ge [sflag:s26], $0x1400  }
0x76: {  	[sflag:s26] =	ssyncset.done $0x0  }
0x77: {  	s5 =	simm.s32 $0x0;
	s13 =	simm.s32 $0x100;
	[sflag:s26] =	ssyncadd.s32 $0xFFFFEC00  }
.LBB2_20:
0x78: {  	p1 =	sne.s32 s13, $0x7F00;
	[tilespmem:s5+$0x30] =	vst v0;
	s18 =	smov.u32 s13;
	s13 =	sadd.s32 $0x100, s13  }
.Ltmp6:
0x79: {  	[tilespmem:s5+$0x20] =	vst v0;
	(pc) =	sbr.rel @p1 .LBB2_20-.Ltmp6, $3  }
0x7a: {  	[tilespmem:s5+$0x0] =	vst v0  }
0x7b: {  	[tilespmem:s5+$0x10] =	vst v0;
	_ =	sdelay $0x1  }
0x7c: {  	s5 =	sshra.s32 s18, $0x2  }
0x7d: {  	[tilespmem:s5+$0x30] =	vst v0  }
0x7e: {  	[tilespmem:s5+$0x20] =	vst v0  }
0x7f: {  	[tilespmem:s5+$0x0] =	vst v0  }
0x80: {  	[tilespmem:s5+$0x10] =	vst v0;
	s24 =	simm.s32 $0x0  }
0x81: {  	[spmem:s17] =	stream.linear.scatter [tilespmem:s24], [sflag:$0x3], $0x2000, $0x38;
	[tilespmem:$0x12200] =	vst v63  }
0x82: {  	_ =	swait.ge [sflag:s26], $0x2000  }
0x83: {  	[sflag:s26] =	ssyncset.done $0x0  }
0x84: {  	s25 =	rddreg [dreg:$0x8];
	[sflag:s26] =	ssyncadd.s32 $0xFFFFE000  }
0x85: {  	[spmem:s25] =	stream.linear.scatter [tilespmem:s24], [sflag:$0x3], $0x2000, $0x38;
	[tilespmem:$0x12200] =	vst v63  }
0x86: {  	_ =	swait.ge [sflag:s26], $0x2000  }
0x87: {  	[sflag:s26] =	ssyncset.done $0x0  }
0x88: {  	[sflag:s26] =	ssyncadd.s32 $0xFFFFE000  }
0x89: {  	[spmem:s19] =	stream.linear.scatter [tilespmem:s24], [sflag:$0x3], $0x2000, $0x38;
	[tilespmem:$0x12200] =	vst v63  }
0x8a: {  	_ =	swait.ge [sflag:s26], $0x2000  }
0x8b: {  	[sflag:s26] =	ssyncset.done $0x0  }
0x8c: {  	[sflag:s26] =	ssyncadd.s32 $0xFFFFE000  }
0x8d: {  	[spmem:s20] =	stream.linear.scatter [tilespmem:s24], [sflag:$0x3], $0x2000, $0x38;
	[tilespmem:$0x12200] =	vst v63  }
0x8e: {  	_ =	swait.ge [sflag:s26], $0x2000  }
0x8f: {  	[sflag:s26] =	ssyncset.done $0x0  }
0x90: {  	[sflag:s26] =	ssyncadd.s32 $0xFFFFE000  }
0x91: {  	[spmem:s21] =	stream.linear.scatter [tilespmem:s24], [sflag:$0x3], $0x2000, $0x38;
	[tilespmem:$0x12200] =	vst v63  }
0x92: {  	_ =	swait.ge [sflag:s26], $0x2000  }
0x93: {  	[sflag:s26] =	ssyncset.done $0x0  }
0x94: {  	[sflag:s26] =	ssyncadd.s32 $0xFFFFE000  }
0x95: {  	s5 =	simm.s32 $0x0;
	[bflag:$0x0] =	sbarrier.arrive $0xFFFF  }
.LBB2_22:
0x96: {  	s13 =	sshll.u32 s5, $0x7  }
0x97: {  	s13 =	sadd.s32 s22, s13  }
0x98: {  	s13 =	sshrl.u32 s13, $0x3  }
0x99: {  	s18 =	sadd.s32 s14, s13  }
0x9a: {  	[tilespmem:s28], [sflag:$0x3] =	stream.linear.gather [hbm4b:s18+s24], $0x80, $0x38;
	[tilespmem:$0x12200] =	vst v63  }
0x9b: {  	_ =	swait.ge [sflag:s26], $0x80  }
0x9c: {  	[sflag:s26] =	ssyncset.done $0x0  }
0x9d: {  	s13 =	sadd.s32 s12, s13;
	[sflag:s26] =	ssyncadd.s32 $0xFFFFFF80  }
0x9e: {  	[tilespmem:s29], [sflag:$0x3] =	stream.linear.gather [hbm4b:s13+s24], $0x80, $0x38;
	[tilespmem:$0x12200] =	vst v63  }
0x9f: {  	_ =	swait.ge [sflag:s26], $0x80  }
0xa0: {  	[sflag:s26] =	ssyncset.done $0x0  }
0xa1: {  	[sflag:s26] =	ssyncadd.s32 $0xFFFFFF80  }
0xa2: {  	[tilespmem:s24], [sflag:$0x1] =	stream.indirect.gather [hbm4b:s9+s30], $0x40, s28, s30, $0xb8;
	[tilespmem:$0x12200] =	vst v63  }
0xa3: {  	_ =	swait.ge [sflag:s31], $0x2000  }
0xa4: {  	[sflag:s31] =	ssyncset.done $0x0  }
0xa5: {  	[sflag:s31] =	ssyncadd.s32 $0xFFFFE000  }
0xa6: {  	[tilespmem:s0], [sflag:$0x2] =	stream.indirect.gather [hbm4b:s11+s30], $0x40, s29, s30, $0xb8;
	[tilespmem:$0x12200] =	vst v63  }
0xa7: {  	_ =	swait.ge [sflag:s15], $0x2000  }
0xa8: {  	[sflag:s15] =	ssyncset.done $0x0  }
0xa9: {  	s13 =	simm.s32 $0x0;
	[sflag:s15] =	ssyncadd.s32 $0xFFFFE000  }
0xaa: {  	v3 =	vld [tilespmem:s13+$0x4000]  }
0xab: {  	v4 =	vld [tilespmem:s13+$0x4010]  }
0xac: {  	v2 =	vld [tilespmem:s13+$0x4020]  }
0xad: {  	v1 =	vld [tilespmem:s13+$0x4030]  }
0xae: {  	v5 =	vld [tilespmem:s13+$0x0]  }
0xaf: {  	v7 =	vld [tilespmem:s13+$0x10]  }
0xb0: {  	s25 =	simm.s32 $0x100;
	v6 =	vld [tilespmem:s13+$0x20]  }
.LBB2_23:
0xb1: {  	p1 =	sne.s32 s25, $0x7F00;
	v8 =	vld [tilespmem:s13+$0x30]  }
0xb2: {  	s18 =	sshra.s32 s25, $0x2  }
0xb3: {  	v5 =	vadd.f32 v3, v5;
	v3 =	vld [tilespmem:s18+$0x4000]  }
0xb4: {  	v7 =	vadd.f32 v4, v7;
	v4 =	vld [tilespmem:s18+$0x4010]  }
.Ltmp7:
0xb5: {  	v5 =	vmax.f32 v5, $0.0e+00;
	v6 =	vadd.f32 v2, v6;
	v2 =	vld [tilespmem:s18+$0x4020];
	(pc) =	sbr.rel @p1 .LBB2_23-.Ltmp7, $4  }
0xb6: {  	[tilespmem:s13+$0x0] =	vst v5;
	v7 =	vmax.f32 v7, $0.0e+00;
	v8 =	vadd.f32 v1, v8;
	v1 =	vld [tilespmem:s18+$0x4030]  }
0xb7: {  	v5 =	vld [tilespmem:s18+$0x0];
	[tilespmem:s13+$0x10] =	vst v7;
	v6 =	vmax.f32 v6, $0.0e+00  }
0xb8: {  	v7 =	vld [tilespmem:s18+$0x10];
	[tilespmem:s13+$0x20] =	vst v6;
	v8 =	vmax.f32 v8, $0.0e+00  }
0xb9: {  	s25 =	sadd.s32 $0x100, s25;
	v6 =	vld [tilespmem:s18+$0x20];
	[tilespmem:s13+$0x30] =	vst v8;
	s13 =	smov.u32 s18  }
0xba: {  	v8 =	vld [tilespmem:s13+$0x30];
	_ =	sdelay $0x1  }
0xbb: {  	v3 =	vadd.f32 v3, v5  }
0xbc: {  	v4 =	vadd.f32 v4, v7  }
0xbd: {  	v3 =	vmax.f32 v3, $0.0e+00;
	v2 =	vadd.f32 v2, v6  }
0xbe: {  	[tilespmem:s13+$0x0] =	vst v3;
	v3 =	vmax.f32 v4, $0.0e+00;
	v1 =	vadd.f32 v1, v8  }
0xbf: {  	s5 =	sadd.s32 $0x1, s5;
	[tilespmem:s13+$0x10] =	vst v3;
	v2 =	vmax.f32 v2, $0.0e+00  }
0xc0: {  	p1 =	sne.s32 s5, $0x9D;
	[tilespmem:s13+$0x20] =	vst v2;
	v1 =	vmax.f32 v1, $0.0e+00  }
.Ltmp8:
0xc1: {  	[tilespmem:s13+$0x30] =	vst v1;
	(pc) =	sbr.rel @p1 .LBB2_22-.Ltmp8, $4  }
0xc2: {  	[spmem:s3] =	stream.indirect.scatter.add.f32 [tilespmem:s4], [sflag:$0x3], $0x40, s28, s30, $0xb8;
	[tilespmem:$0x12200] =	vst v63  }
0xc3: {  	_ =	swait.ge [sflag:s26], $0x2000  }
0xc4: {  	[sflag:s26] =	ssyncset.done $0x0  }
0xc5: {  	[sflag:s26] =	ssyncadd.s32 $0xFFFFE000  }
.Ltmp9:
0xc6: {  	(pc) =	sbr.rel .LBB2_26-.Ltmp9, $2  }
0xc7: {  	_ =	sdelay $0x2  }
0xc8: {  	s5 =	rddreg [dreg:$0x7]  }
.LBB2_2:
0xc9: {  	p1 =	sne.s32 s13, $0x7F00;
	[tilespmem:s5+$0x30] =	vst v0;
	s23 =	smov.u32 s13;
	s13 =	sadd.s32 $0x100, s13  }
.Ltmp10:
0xca: {  	[tilespmem:s5+$0x20] =	vst v0;
	(pc) =	sbr.rel @p1 .LBB2_2-.Ltmp10, $3  }
0xcb: {  	[tilespmem:s5+$0x0] =	vst v0  }
0xcc: {  	[tilespmem:s5+$0x10] =	vst v0;
	_ =	sdelay $0x1  }
0xcd: {  	s5 =	sshra.s32 s23, $0x2  }
0xce: {  	[tilespmem:s5+$0x30] =	vst v0  }
0xcf: {  	[tilespmem:s5+$0x20] =	vst v0  }
0xd0: {  	[tilespmem:s5+$0x0] =	vst v0  }
0xd1: {  	[tilespmem:s5+$0x10] =	vst v0;
	s23 =	simm.s32 $0x0  }
0xd2: {  	[spmem:s17] =	stream.linear.scatter [tilespmem:s23], [sflag:$0x3], $0x2000, $0x38;
	[tilespmem:$0x12200] =	vst v63  }
0xd3: {  	_ =	swait.ge [sflag:s26], $0x2000  }
0xd4: {  	[sflag:s26] =	ssyncset.done $0x0  }
0xd5: {  	s25 =	rddreg [dreg:$0x8];
	[sflag:s26] =	ssyncadd.s32 $0xFFFFE000  }
0xd6: {  	[spmem:s25] =	stream.linear.scatter [tilespmem:s23], [sflag:$0x3], $0x2000, $0x38;
	[tilespmem:$0x12200] =	vst v63  }
0xd7: {  	_ =	swait.ge [sflag:s26], $0x2000  }
0xd8: {  	[sflag:s26] =	ssyncset.done $0x0  }
0xd9: {  	[sflag:s26] =	ssyncadd.s32 $0xFFFFE000  }
0xda: {  	[spmem:s19] =	stream.linear.scatter [tilespmem:s23], [sflag:$0x3], $0x2000, $0x38;
	[tilespmem:$0x12200] =	vst v63  }
0xdb: {  	_ =	swait.ge [sflag:s26], $0x2000  }
0xdc: {  	[sflag:s26] =	ssyncset.done $0x0  }
0xdd: {  	[sflag:s26] =	ssyncadd.s32 $0xFFFFE000  }
0xde: {  	[spmem:s20] =	stream.linear.scatter [tilespmem:s23], [sflag:$0x3], $0x2000, $0x38;
	[tilespmem:$0x12200] =	vst v63  }
0xdf: {  	_ =	swait.ge [sflag:s26], $0x2000  }
0xe0: {  	[sflag:s26] =	ssyncset.done $0x0  }
0xe1: {  	[sflag:s26] =	ssyncadd.s32 $0xFFFFE000  }
0xe2: {  	[spmem:s21] =	stream.linear.scatter [tilespmem:s23], [sflag:$0x3], $0x2000, $0x38;
	[tilespmem:$0x12200] =	vst v63  }
0xe3: {  	_ =	swait.ge [sflag:s26], $0x2000  }
0xe4: {  	[sflag:s26] =	ssyncset.done $0x0  }
0xe5: {  	[sflag:s26] =	ssyncadd.s32 $0xFFFFE000  }
0xe6: {  	s24 =	simm.s32 $0x0;
	[bflag:$0x0] =	sbarrier.arrive $0xFFFF  }
.LBB2_4:
0xe7: {  	s5 =	sshll.u32 s24, $0x7  }
0xe8: {  	s5 =	sadd.s32 s22, s5  }
0xe9: {  	s5 =	sshrl.u32 s5, $0x3  }
0xea: {  	s13 =	sadd.s32 s12, s5  }
0xeb: {  	[tilespmem:s28], [sflag:$0x3] =	stream.linear.gather [hbm4b:s13+s23], $0x80, $0x38;
	[tilespmem:$0x12200] =	vst v63  }
0xec: {  	_ =	swait.ge [sflag:s26], $0x80  }
0xed: {  	[sflag:s26] =	ssyncset.done $0x0  }
0xee: {  	s5 =	sadd.s32 s14, s5;
	[sflag:s26] =	ssyncadd.s32 $0xFFFFFF80  }
0xef: {  	[tilespmem:s29], [sflag:$0x3] =	stream.linear.gather [hbm4b:s5+s23], $0x80, $0x38;
	[tilespmem:$0x12200] =	vst v63  }
0xf0: {  	_ =	swait.ge [sflag:s26], $0x80  }
0xf1: {  	[sflag:s26] =	ssyncset.done $0x0  }
0xf2: {  	[sflag:s26] =	ssyncadd.s32 $0xFFFFFF80  }
0xf3: {  	[tilespmem:s23], [sflag:$0x1] =	stream.indirect.gather [hbm4b:s1+s30], $0x40, s28, s30, $0xb8;
	[tilespmem:$0x12200] =	vst v63  }
0xf4: {  	_ =	swait.ge [sflag:s31], $0x2000  }
0xf5: {  	[sflag:s31] =	ssyncset.done $0x0  }
0xf6: {  	[sflag:s31] =	ssyncadd.s32 $0xFFFFE000  }
0xf7: {  	[tilespmem:s0], [sflag:$0x2] =	stream.indirect.gather [hbm4b:s6+s30], $0x40, s29, s30, $0xb8;
	[tilespmem:$0x12200] =	vst v63  }
0xf8: {  	_ =	swait.ge [sflag:s15], $0x2000  }
0xf9: {  	[sflag:s15] =	ssyncset.done $0x0  }
0xfa: {  	s5 =	simm.s32 $0x0;
	[sflag:s15] =	ssyncadd.s32 $0xFFFFE000  }
0xfb: {  	v3 =	vld [tilespmem:s5+$0x4000]  }
0xfc: {  	v4 =	vld [tilespmem:s5+$0x4010]  }
0xfd: {  	v2 =	vld [tilespmem:s5+$0x4020]  }
0xfe: {  	v1 =	vld [tilespmem:s5+$0x4030]  }
0xff: {  	v5 =	vld [tilespmem:s5+$0x0]  }
0x100: {  	v7 =	vld [tilespmem:s5+$0x10]  }
0x101: {  	s13 =	simm.s32 $0x100;
	v6 =	vld [tilespmem:s5+$0x20]  }
.LBB2_5:
0x102: {  	p1 =	sne.s32 s13, $0x7F00;
	v8 =	vld [tilespmem:s5+$0x30]  }
0x103: {  	s25 =	sshra.s32 s13, $0x2  }
0x104: {  	v5 =	vadd.f32 v3, v5;
	v3 =	vld [tilespmem:s25+$0x4000]  }
0x105: {  	v7 =	vadd.f32 v4, v7;
	v4 =	vld [tilespmem:s25+$0x4010]  }
.Ltmp11:
0x106: {  	v5 =	vmax.f32 v5, $0.0e+00;
	v6 =	vadd.f32 v2, v6;
	v2 =	vld [tilespmem:s25+$0x4020];
	(pc) =	sbr.rel @p1 .LBB2_5-.Ltmp11, $4  }
0x107: {  	[tilespmem:s5+$0x0] =	vst v5;
	v7 =	vmax.f32 v7, $0.0e+00;
	v8 =	vadd.f32 v1, v8;
	v1 =	vld [tilespmem:s25+$0x4030]  }
0x108: {  	v5 =	vld [tilespmem:s25+$0x0];
	[tilespmem:s5+$0x10] =	vst v7;
	v6 =	vmax.f32 v6, $0.0e+00  }
0x109: {  	v7 =	vld [tilespmem:s25+$0x10];
	[tilespmem:s5+$0x20] =	vst v6;
	v8 =	vmax.f32 v8, $0.0e+00  }
0x10a: {  	s13 =	sadd.s32 $0x100, s13;
	v6 =	vld [tilespmem:s25+$0x20];
	[tilespmem:s5+$0x30] =	vst v8;
	s5 =	smov.u32 s25  }
0x10b: {  	v8 =	vld [tilespmem:s5+$0x30];
	_ =	sdelay $0x1  }
0x10c: {  	v3 =	vadd.f32 v3, v5  }
0x10d: {  	v4 =	vadd.f32 v4, v7  }
0x10e: {  	v3 =	vmax.f32 v3, $0.0e+00;
	v2 =	vadd.f32 v2, v6  }
0x10f: {  	[tilespmem:s5+$0x0] =	vst v3;
	v3 =	vmax.f32 v4, $0.0e+00;
	v1 =	vadd.f32 v1, v8  }
0x110: {  	s24 =	sadd.s32 $0x1, s24;
	[tilespmem:s5+$0x10] =	vst v3;
	v2 =	vmax.f32 v2, $0.0e+00  }
0x111: {  	p1 =	sne.s32 s24, $0x9D;
	[tilespmem:s5+$0x20] =	vst v2;
	v1 =	vmax.f32 v1, $0.0e+00  }
.Ltmp12:
0x112: {  	[tilespmem:s5+$0x30] =	vst v1;
	(pc) =	sbr.rel @p1 .LBB2_4-.Ltmp12, $4  }
0x113: {  	[spmem:s3] =	stream.indirect.scatter.add.f32 [tilespmem:s4], [sflag:$0x3], $0x40, s28, s30, $0xb8;
	[tilespmem:$0x12200] =	vst v63  }
0x114: {  	_ =	swait.ge [sflag:s26], $0x2000  }
0x115: {  	[sflag:s26] =	ssyncset.done $0x0  }
0x116: {  	[sflag:s26] =	ssyncadd.s32 $0xFFFFE000  }
0x117: {  	s5 =	stileid.u32  }
0x118: {  	[bflag:$0x0] =	sbarrier.arrive $0xFFFF;
	s5 =	sshll.u32 s5, $0x6  }
0x119: {  	s25 =	sshrl.u32 s17, $0x3;
	s13 =	rddreg [dreg:$0x9];
	s23 =	sor.u32 $0x1C03, s5  }
0x11a: {  	[hbm:s13], [sflag:s23] =	dma.local [spmem:s25], $0x1400  }
0x11b: {  	_ =	swait.ge [sflag:s26], $0x1400  }
0x11c: {  	[sflag:s26] =	ssyncset.done $0x0  }
0x11d: {  	s5 =	simm.s32 $0x0;
	s13 =	simm.s32 $0x100;
	[sflag:s26] =	ssyncadd.s32 $0xFFFFEC00  }
.LBB2_8:
0x11e: {  	p1 =	sne.s32 s13, $0x7F00;
	[tilespmem:s5+$0x30] =	vst v0;
	s24 =	smov.u32 s13;
	s13 =	sadd.s32 $0x100, s13  }
.Ltmp13:
0x11f: {  	[tilespmem:s5+$0x20] =	vst v0;
	(pc) =	sbr.rel @p1 .LBB2_8-.Ltmp13, $3  }
0x120: {  	[tilespmem:s5+$0x0] =	vst v0  }
0x121: {  	[tilespmem:s5+$0x10] =	vst v0;
	_ =	sdelay $0x1  }
0x122: {  	s5 =	sshra.s32 s24, $0x2  }
0x123: {  	[tilespmem:s5+$0x30] =	vst v0  }
0x124: {  	[tilespmem:s5+$0x20] =	vst v0  }
0x125: {  	[tilespmem:s5+$0x0] =	vst v0  }
0x126: {  	[tilespmem:s5+$0x10] =	vst v0;
	s24 =	simm.s32 $0x0  }
0x127: {  	[spmem:s17] =	stream.linear.scatter [tilespmem:s24], [sflag:$0x3], $0x2000, $0x38;
	[tilespmem:$0x12200] =	vst v63  }
0x128: {  	_ =	swait.ge [sflag:s26], $0x2000  }
0x129: {  	[sflag:s26] =	ssyncset.done $0x0  }
0x12a: {  	s25 =	rddreg [dreg:$0x8];
	[sflag:s26] =	ssyncadd.s32 $0xFFFFE000  }
0x12b: {  	[spmem:s25] =	stream.linear.scatter [tilespmem:s24], [sflag:$0x3], $0x2000, $0x38;
	[tilespmem:$0x12200] =	vst v63  }
0x12c: {  	_ =	swait.ge [sflag:s26], $0x2000  }
0x12d: {  	[sflag:s26] =	ssyncset.done $0x0  }
0x12e: {  	[sflag:s26] =	ssyncadd.s32 $0xFFFFE000  }
0x12f: {  	[spmem:s19] =	stream.linear.scatter [tilespmem:s24], [sflag:$0x3], $0x2000, $0x38;
	[tilespmem:$0x12200] =	vst v63  }
0x130: {  	_ =	swait.ge [sflag:s26], $0x2000  }
0x131: {  	[sflag:s26] =	ssyncset.done $0x0  }
0x132: {  	[sflag:s26] =	ssyncadd.s32 $0xFFFFE000  }
0x133: {  	[spmem:s20] =	stream.linear.scatter [tilespmem:s24], [sflag:$0x3], $0x2000, $0x38;
	[tilespmem:$0x12200] =	vst v63  }
0x134: {  	_ =	swait.ge [sflag:s26], $0x2000  }
0x135: {  	[sflag:s26] =	ssyncset.done $0x0  }
0x136: {  	[sflag:s26] =	ssyncadd.s32 $0xFFFFE000  }
0x137: {  	[spmem:s21] =	stream.linear.scatter [tilespmem:s24], [sflag:$0x3], $0x2000, $0x38;
	[tilespmem:$0x12200] =	vst v63  }
0x138: {  	_ =	swait.ge [sflag:s26], $0x2000  }
0x139: {  	[sflag:s26] =	ssyncset.done $0x0  }
0x13a: {  	[sflag:s26] =	ssyncadd.s32 $0xFFFFE000  }
0x13b: {  	s5 =	simm.s32 $0x0;
	[bflag:$0x0] =	sbarrier.arrive $0xFFFF  }
.LBB2_10:
0x13c: {  	s13 =	sshll.u32 s5, $0x7  }
0x13d: {  	s13 =	sadd.s32 s22, s13  }
0x13e: {  	s13 =	sshrl.u32 s13, $0x3  }
0x13f: {  	s25 =	sadd.s32 s14, s13  }
0x140: {  	[tilespmem:s28], [sflag:$0x3] =	stream.linear.gather [hbm4b:s25+s24], $0x80, $0x38;
	[tilespmem:$0x12200] =	vst v63  }
0x141: {  	_ =	swait.ge [sflag:s26], $0x80  }
0x142: {  	[sflag:s26] =	ssyncset.done $0x0  }
0x143: {  	s13 =	sadd.s32 s12, s13;
	[sflag:s26] =	ssyncadd.s32 $0xFFFFFF80  }
0x144: {  	[tilespmem:s29], [sflag:$0x3] =	stream.linear.gather [hbm4b:s13+s24], $0x80, $0x38;
	[tilespmem:$0x12200] =	vst v63  }
0x145: {  	_ =	swait.ge [sflag:s26], $0x80  }
0x146: {  	[sflag:s26] =	ssyncset.done $0x0  }
0x147: {  	[sflag:s26] =	ssyncadd.s32 $0xFFFFFF80  }
0x148: {  	[tilespmem:s24], [sflag:$0x1] =	stream.indirect.gather [hbm4b:s8+s30], $0x40, s28, s30, $0xb8;
	[tilespmem:$0x12200] =	vst v63  }
0x149: {  	_ =	swait.ge [sflag:s31], $0x2000  }
0x14a: {  	[sflag:s31] =	ssyncset.done $0x0  }
0x14b: {  	[sflag:s31] =	ssyncadd.s32 $0xFFFFE000  }
0x14c: {  	[tilespmem:s0], [sflag:$0x2] =	stream.indirect.gather [hbm4b:s10+s30], $0x40, s29, s30, $0xb8;
	[tilespmem:$0x12200] =	vst v63  }
0x14d: {  	_ =	swait.ge [sflag:s15], $0x2000  }
0x14e: {  	[sflag:s15] =	ssyncset.done $0x0  }
0x14f: {  	s13 =	simm.s32 $0x0;
	[sflag:s15] =	ssyncadd.s32 $0xFFFFE000  }
0x150: {  	v3 =	vld [tilespmem:s13+$0x4000]  }
0x151: {  	v4 =	vld [tilespmem:s13+$0x4010]  }
0x152: {  	v2 =	vld [tilespmem:s13+$0x4020]  }
0x153: {  	v1 =	vld [tilespmem:s13+$0x4030]  }
0x154: {  	v5 =	vld [tilespmem:s13+$0x0]  }
0x155: {  	v7 =	vld [tilespmem:s13+$0x10]  }
0x156: {  	s25 =	simm.s32 $0x100;
	v6 =	vld [tilespmem:s13+$0x20]  }
.LBB2_11:
0x157: {  	p1 =	sne.s32 s25, $0x7F00;
	v8 =	vld [tilespmem:s13+$0x30]  }
0x158: {  	s18 =	sshra.s32 s25, $0x2  }
0x159: {  	v5 =	vadd.f32 v3, v5;
	v3 =	vld [tilespmem:s18+$0x4000]  }
0x15a: {  	v7 =	vadd.f32 v4, v7;
	v4 =	vld [tilespmem:s18+$0x4010]  }
.Ltmp14:
0x15b: {  	v5 =	vmax.f32 v5, $0.0e+00;
	v6 =	vadd.f32 v2, v6;
	v2 =	vld [tilespmem:s18+$0x4020];
	(pc) =	sbr.rel @p1 .LBB2_11-.Ltmp14, $4  }
0x15c: {  	[tilespmem:s13+$0x0] =	vst v5;
	v7 =	vmax.f32 v7, $0.0e+00;
	v8 =	vadd.f32 v1, v8;
	v1 =	vld [tilespmem:s18+$0x4030]  }
0x15d: {  	v5 =	vld [tilespmem:s18+$0x0];
	[tilespmem:s13+$0x10] =	vst v7;
	v6 =	vmax.f32 v6, $0.0e+00  }
0x15e: {  	v7 =	vld [tilespmem:s18+$0x10];
	[tilespmem:s13+$0x20] =	vst v6;
	v8 =	vmax.f32 v8, $0.0e+00  }
0x15f: {  	s25 =	sadd.s32 $0x100, s25;
	v6 =	vld [tilespmem:s18+$0x20];
	[tilespmem:s13+$0x30] =	vst v8;
	s13 =	smov.u32 s18  }
0x160: {  	v8 =	vld [tilespmem:s13+$0x30];
	_ =	sdelay $0x1  }
0x161: {  	v3 =	vadd.f32 v3, v5  }
0x162: {  	v4 =	vadd.f32 v4, v7  }
0x163: {  	v3 =	vmax.f32 v3, $0.0e+00;
	v2 =	vadd.f32 v2, v6  }
0x164: {  	[tilespmem:s13+$0x0] =	vst v3;
	v3 =	vmax.f32 v4, $0.0e+00;
	v1 =	vadd.f32 v1, v8  }
0x165: {  	s5 =	sadd.s32 $0x1, s5;
	[tilespmem:s13+$0x10] =	vst v3;
	v2 =	vmax.f32 v2, $0.0e+00  }
0x166: {  	p1 =	seq.s32 s5, $0x9D;
	[tilespmem:s13+$0x20] =	vst v2;
	v1 =	vmax.f32 v1, $0.0e+00  }
.Ltmp15:
0x167: {  	[tilespmem:s13+$0x30] =	vst v1;
	(pc) =	sbr.rel @!p1 .LBB2_10-.Ltmp15, $4  }
0x168: {  	[spmem:s3] =	stream.indirect.scatter.add.f32 [tilespmem:s4], [sflag:$0x3], $0x40, s28, s30, $0xb8;
	[tilespmem:$0x12200] =	vst v63  }
0x169: {  	_ =	swait.ge [sflag:s26], $0x2000  }
0x16a: {  	[sflag:s26] =	ssyncset.done $0x0  }
0x16b: {  	[sflag:s26] =	ssyncadd.s32 $0xFFFFE000  }
.Ltmp16:
0x16c: {  	(pc) =	sbr.rel .LBB2_26-.Ltmp16, $2  }
0x16d: {  	_ =	sdelay $0x2  }
0x16e: {  	s5 =	rddreg [dreg:$0x6]  }
.LBB2_27:
0x16f: {  	_ =	sfence.sel $0x180000  }
0x170: {  	[bflag:$0x0] =	sbarrier.arrive $0xFFFF  }
0x171: {  	_ =	strace $0x90000047  }
0x172: {  	s0 =	stileid.u32;
	[bflag:$0x2] =	sbarrier.arrive $0xFFFF  }
0x173: {  	p0 =	sne.s32 s0, $0x0;
	s0 =	rddreg [dreg:$0x4]  }
0x174: {  	s0 =	sadd.s32 @!p0 $0x100000, s0  }
0x175: {  	[sflag:s0] =	ssyncadd.tile.s32 @!p0 $0x1;
	_ =	shalt  }
.Lfunc_end2:
_tile_overlayer_lowered:
.L_overlay_start_2:
0x176: {  	(tag) =	ssettag $0x2  }
0x177: {  	s0 =	rddreg [dreg:$0x0];
	s2 =	stileid.u32  }
0x178: {  	s1 =	rddreg [dreg:$0x1];
	p0 =	sne.s32 s2, $0x0  }
0x179: {  	s3 =	rddreg [dreg:$0x2];
	[bflag:$0x3] =	sbarrier.arrive $0xFFFF;
	s2 =	simm.s32 @!p0 $0x1C03  }
0x17a: {  	[timem:s3], [sflag:s2] =	dma.local @!p0 [hbm:s0], s1  }
0x17b: {  	s0 =	simm.s32 @!p0 $0x3  }
0x17c: {  	_ =	swait.ge @!p0 [sflag:s0], s1  }
0x17d: {  	s1 =	ssub.s32 @!p0 $0x0, s1;
	[sflag:s0] =	ssyncset.done @!p0 $0x0  }
0x17e: {  	[sflag:s0] =	ssyncadd.s32 @!p0 s1  }
0x17f: {  	[bflag:$0x3] =	sbarrier.arrive $0xFFFF  }
0x180: {  	_ =	shalt  }

</sc_bundles>
